<compile_context>
chip_gen: v7x
topology: tpu7x:2x2x1
jax: 0.10.2.dev20260603
libtpu: 0.0.44.dev20260713+nightly
codegen_flags: <defaults>
</compile_context>

<pallas_src>
import functools

import jax
import jax.numpy as jnp
from jax import lax
from jax.experimental import pallas as pl
from jax.experimental.pallas import tpu as pltpu
from jax.experimental.pallas import tpu_sc as plsc

_SLOPE = 5.0
_BUDGET = 1.0 / 16.0 - 1.0 / 128.0
_RATIO = 128
_C_LO = 146
_C_HI = 174
_H = 320
_W = 320
_HW = _H * _W

_KS0 = 0
_KS1 = 42
_KS2 = 0x1BD11BDA ^ _KS0 ^ _KS1

_RC = 16
_NCHUNK = _H // _RC
_LANE = 16
_VPR = _W // _LANE


def _rotl(x, d):
    return (x << jnp.uint32(d)) | (x >> jnp.uint32(32 - d))


def _threefry2x32_zero_x0(x1_plus_ks1):
    ks0 = jnp.uint32(_KS0)
    ks1 = jnp.uint32(_KS1)
    ks2 = jnp.uint32(_KS2)

    def four_rounds(x0, x1, rots):
        for r in rots:
            x0 = x0 + x1
            x1 = _rotl(x1, r) ^ x0
        return x0, x1

    x0 = x1_plus_ks1
    x1 = _rotl(x1_plus_ks1, 13) ^ x0
    x0, x1 = four_rounds(x0, x1, (15, 26, 6))
    x0 = x0 + ks1
    x1 = x1 + jnp.uint32(_KS2 + 1)
    x0, x1 = four_rounds(x0, x1, (17, 29, 16, 24))
    x0 = x0 + ks2
    x1 = x1 + jnp.uint32(_KS0 + 2)
    x0, x1 = four_rounds(x0, x1, (13, 15, 26, 6))
    x0 = x0 + ks0
    x1 = x1 + jnp.uint32(_KS1 + 3)
    x0, x1 = four_rounds(x0, x1, (17, 29, 16, 24))
    x0 = x0 + ks1
    x1 = x1 + jnp.uint32(_KS2 + 4)
    x0, x1 = four_rounds(x0, x1, (13, 15, 26, 6))
    x0 = x0 + ks2
    x1 = x1 + jnp.uint32(_KS0 + 5)
    return x0, x1


def _prep_body(w_ref, thr_ref):
    row = lax.broadcasted_iota(jnp.int32, (_H, _W), 0)
    col = lax.broadcasted_iota(jnp.int32, (_H, _W), 1)
    prob = jax.nn.sigmoid(jnp.float32(_SLOPE) * w_ref[...])
    inside = (row >= _C_LO) & (row < _C_HI) & (col >= _C_LO) & (col < _C_HI)
    prob = jnp.where(inside, jnp.float32(0.0), prob)
    xbar = jnp.mean(prob)
    r = jnp.float32(_BUDGET) / xbar
    beta = (jnp.float32(1.0) - jnp.float32(_BUDGET)) / (jnp.float32(1.0) - xbar)
    mr = jnp.where(
        r <= jnp.float32(1.0),
        prob * r,
        jnp.float32(1.0) - (jnp.float32(1.0) - prob) * beta,
    )
    thr_ref[...] = jnp.ceil(mr * jnp.float32(8388608.0)).astype(jnp.int32)


def _sc_body(thr_hbm, ks_hbm, oks_hbm, mask_hbm, thr_v, mask_v, ks_v, out_v):
    wid = lax.axis_index("s") * 2 + lax.axis_index("c")
    lane = lax.iota(jnp.int32, _LANE)

    def per_batch(bk, _):
        gb = wid * 2 + bk

        def per_chunk(chunk, _):
            row0 = chunk * _RC
            pltpu.sync_copy(thr_hbm.at[pl.ds(row0, _RC)], thr_v)

            def per_row(r, _):
                base = (gb * _HW + (row0 + r) * _W) + _KS1

                def per_cgroup(c5, _):
                    for u in range(5):
                        c = c5 * 5 + u
                        x1 = lax.convert_element_type(
                            lane + (base + c * _LANE), jnp.uint32
                        )
                        o0, o1 = _threefry2x32_zero_x0(x1)
                        mant = lax.convert_element_type(
                            (o0 ^ o1) >> jnp.uint32(9), jnp.int32
                        )
                        thr_vec = thr_v[r, pl.ds(c * _LANE, _LANE)]
                        m = jnp.where(
                            mant < thr_vec, jnp.float32(1.0), jnp.float32(0.0)
                        )
                        mask_v[r, pl.ds(c * _LANE, _LANE)] = m
                    return _

                return lax.fori_loop(0, _VPR // 5, per_cgroup, _)

            lax.fori_loop(0, _RC, per_row, None)
            pltpu.sync_copy(mask_v, mask_hbm.at[gb, pl.ds(row0, _RC)])

            for ch in range(2):
                pltpu.sync_copy(ks_hbm.at[gb, ch, pl.ds(row0, _RC)], ks_v)

                def per_row_mul(r, _):
                    def per_cgroup_mul(c5, _):
                        for u in range(5):
                            c = c5 * 5 + u
                            sl = pl.ds(c * _LANE, _LANE)
                            out_v[r, sl] = ks_v[r, sl] * mask_v[r, sl]
                        return _

                    return lax.fori_loop(0, _VPR // 5, per_cgroup_mul, _)

                lax.fori_loop(0, _RC, per_row_mul, None)
                pltpu.sync_copy(out_v, oks_hbm.at[gb, ch, pl.ds(row0, _RC)])
            return _

        return lax.fori_loop(0, _NCHUNK, per_chunk, _)

    lax.fori_loop(0, 2, per_batch, None)


@jax.jit
def kernel(kspace, weight):
    B, C = kspace.shape[0], kspace.shape[1]
    thr = pl.pallas_call(
        _prep_body,
        out_shape=jax.ShapeDtypeStruct((_H, _W), jnp.int32),
    )(weight)

    mesh = plsc.VectorSubcoreMesh(core_axis_name="c", subcore_axis_name="s")
    sc = functools.partial(
        pl.kernel,
        mesh=mesh,
        out_type=[
            jax.ShapeDtypeStruct((B, C, _H, _W), jnp.float32),
            jax.ShapeDtypeStruct((B, _H, _W), jnp.float32),
        ],
        scratch_types=[
            pltpu.VMEM((_RC, _W), jnp.int32),
            pltpu.VMEM((_RC, _W), jnp.float32),
            pltpu.VMEM((_RC, _W), jnp.float32),
            pltpu.VMEM((_RC, _W), jnp.float32),
        ],
    )(_sc_body)
    oks, mask = sc(thr, kspace)
    return (oks, mask, jnp.asarray(_RATIO, dtype=jnp.int32))

# --- scband reference (transcript-rebuilt; emitter-appended) ---
"""Pipeline reference for scband-loupe-sampler-multi-acceleration-5007931867276 (READ-ONLY COPY).

The authoritative reference and input builder live on the scoring server;
editing this copy changes nothing except your own understanding.
"""

import jax, jax.numpy as jnp
import numpy as np
import math

SHAPE = (320, 320)
SLOPE = 5.0
ACCELERATIONS = (4, 8, 16, 32, 64)
PRESELECT_RATIOS = (32, 64, 128, 256, 512)
ACC_IND = 2  # fixed draw of torch.randint(0, 5, (1,)) for determinism -> acceleration=16, preselect_ratio=128


def setup_inputs(seed: int = 0):
    key = jax.random.key(seed)
    k1, k2 = jax.random.split(key)
    kspace = jax.random.normal(k1, (64, 2, 320, 320), dtype=jnp.float32)
    # LOUPE ProbMask init: weight = -log(1/x - 1)/slope with x ~ U(eps, 1-eps),
    # so that sigmoid(slope * weight) ~ U(eps, 1-eps)
    x = jax.random.uniform(k2, SHAPE, minval=0.01, maxval=0.99, dtype=jnp.float32)
    weight = (-jnp.log(1.0 / x - 1.0) / SLOPE).astype(jnp.float32)
    return {"kspace": kspace, "weight": weight}


def _preselect(mask, ratio, value):
    # set the centered low-frequency square (side = sqrt(H*W/ratio)) to `value`
    H, W = mask.shape[-2], mask.shape[-1]
    side = int(round(math.sqrt(H * W / float(ratio))))
    h0 = H // 2 - side // 2
    w0 = W // 2 - side // 2
    return mask.at[..., h0:h0 + side, w0:w0 + side].set(value)


def _rescale_prob_map(x, sparsity):
    # standard LOUPE RescaleProbMap: rescale so per-sample mean equals sparsity
    xbar = jnp.mean(x, axis=(-2, -1), keepdims=True)
    r = sparsity / xbar
    beta = (1.0 - sparsity) / (1.0 - xbar)
    le = (r <= 1.0).astype(x.dtype)
    return le * (x * r) + (1.0 - le) * (1.0 - (1.0 - x) * beta)


def reference(kspace, weight):
    B = kspace.shape[0]
    ratio = PRESELECT_RATIOS[ACC_IND]
    budget = 1.0 / ACCELERATIONS[ACC_IND] - 1.0 / ratio  # sampler_budget with preselect
    # ProbMaskMutliAccn: sigmoid(slope * weight), broadcast over batch
    prob = jax.nn.sigmoid(SLOPE * weight)
    mask_prob = jnp.broadcast_to(prob[None, :, :], (B,) + SHAPE)
    # preselect with value=0 before rescaling (budget excludes the preselected center)
    mask_prob = _preselect(mask_prob, ratio, 0.0)
    mask_rescaled = _rescale_prob_map(mask_prob, budget)
    # ThresholdRandomMaskSigmoidV1 forward: hard threshold against uniform noise (training path)
    u = jax.random.uniform(jax.random.key(42), mask_rescaled.shape, dtype=mask_rescaled.dtype)
    mask_binarized = (mask_rescaled > u).astype(kspace.dtype)
    # second preselect(value=1) writes to mask_prob which is unused afterwards in the
    # original torch code (dead store) -- replicated here as a no-op on the output
    # mask dim (3) != kspace dim (4) -> unsqueeze channel dim
    kspace_masked = mask_binarized[:, None, :, :] * kspace
    return kspace_masked, mask_binarized, jnp.asarray(ratio, dtype=jnp.int32)

if __name__ == "__main__":
    import jax
    _d = setup_inputs()
    print(jax.jit(kernel)(*tuple(_d.values())))

</pallas_src>

<mosaic_0001>
#map = affine_map<(d0, d1) -> (0, 0)>
#map1 = affine_map<(d0, d1) -> (0, 0, 0, 0)>
#map2 = affine_map<(d0, d1) -> (0, 0, 0)>
module attributes {stable_mosaic.version = 14 : i64} {
  func.func @_sc_body(%arg0: i32, %arg1: i32, %arg2: memref<320x320xi32, #tpu.memory_space<hbm>>, %arg3: memref<64x2x320x320xf32, #tpu.memory_space<hbm>>, %arg4: memref<64x2x320x320xf32, #tpu.memory_space<hbm>>, %arg5: memref<64x320x320xf32, #tpu.memory_space<hbm>>, %arg6: memref<16x320xi32, #tpu.memory_space<vmem>>, %arg7: memref<16x320xf32, #tpu.memory_space<vmem>>, %arg8: memref<16x320xf32, #tpu.memory_space<vmem>>, %arg9: memref<16x320xf32, #tpu.memory_space<vmem>>) attributes {dimension_semantics = [#tpu.dimension_semantics<core_parallel>, #tpu.dimension_semantics<subcore_parallel>], iteration_bounds = array<i64: 2, 16>, scalar_prefetch = 0 : i64, scratch_operands = 4 : i64, tpu.core_type = #tpu.core_type<sc_vector_subcore>, window_params = [{transform_indices = #map}, {transform_indices = #map1}, {transform_indices = #map1}, {transform_indices = #map2}]} {
    %mul3A = arith.constant 2 : i32
    %mul3A_0 = arith.muli %arg1, %mul3A : i32
    %add3A = arith.addi %mul3A_0, %arg0 : i32
    %iota3A = tpu.iota {dimensions = array<i32: 0>} : vector<16xi32>
    %scan3A = arith.constant 0 : i32
    %scan3A_1 = arith.constant 2 : i32
    %scan3A_2 = arith.addi %scan3A, %scan3A_1 : i32
    %scan3A_3 = arith.constant 1 : i32
    scf.for %scan3A_5 = %scan3A to %scan3A_2 step %scan3A_3  : i32 {
      %mul3A_6 = arith.constant 2 : i32
      %mul3A_7 = arith.muli %add3A, %mul3A_6 : i32
      %add3A_8 = arith.addi %mul3A_7, %scan3A_5 : i32
      %scan3A_9 = arith.constant 0 : i32
      %scan3A_10 = arith.constant 20 : i32
      %scan3A_11 = arith.addi %scan3A_9, %scan3A_10 : i32
      %scan3A_12 = arith.constant 1 : i32
      scf.for %scan3A_14 = %scan3A_9 to %scan3A_11 step %scan3A_12  : i32 {
        %mul3A_15 = arith.constant 16 : i32
        %mul3A_16 = arith.muli %scan3A_14, %mul3A_15 : i32
        "tpu.region"() ({
          %run_scoped3A_35 = tpu.sem_alloc : memref<!tpu.dma_semaphore, #tpu.memory_space<semaphore_mem>>
          %dma_start3A = arith.constant 0 : i32
          %dma_start3A_36 = tpu.memref_slice %arg2[%mul3A_16, %dma_start3A] : memref<320x320xi32, #tpu.memory_space<hbm>> -> memref<16x320xi32, #tpu.memory_space<hbm>>
          %dma_start3A_37 = arith.constant 0 : i32
          %dma_start3A_38 = tpu.memref_slice %arg2[%mul3A_16, %dma_start3A_37] : memref<320x320xi32, #tpu.memory_space<hbm>> -> memref<16x320xi32, #tpu.memory_space<hbm>>
          tpu.enqueue_dma source(%dma_start3A_38 : memref<16x320xi32, #tpu.memory_space<hbm>>) target(%arg6 : memref<16x320xi32, #tpu.memory_space<vmem>>) target_semaphore(%run_scoped3A_35 : memref<!tpu.dma_semaphore, #tpu.memory_space<semaphore_mem>>)
          %dma_wait3A = arith.constant 0 : i32
          %dma_wait3A_39 = tpu.memref_slice %arg2[%mul3A_16, %dma_wait3A] : memref<320x320xi32, #tpu.memory_space<hbm>> -> memref<16x320xi32, #tpu.memory_space<hbm>>
          %dma_wait3A_40 = arith.constant 0 : i32
          %dma_wait3A_41 = tpu.memref_slice %arg2[%mul3A_16, %dma_wait3A_40] : memref<320x320xi32, #tpu.memory_space<hbm>> -> memref<16x320xi32, #tpu.memory_space<hbm>>
          tpu.wait_dma2 semaphore(%run_scoped3A_35 : memref<!tpu.dma_semaphore, #tpu.memory_space<semaphore_mem>>) src(%dma_wait3A_41 : memref<16x320xi32, #tpu.memory_space<hbm>>) dst(%arg6 : memref<16x320xi32, #tpu.memory_space<vmem>>)
          tpu.yield
        }) : () -> ()
        %scan3A_17 = arith.constant 0 : i32
        %scan3A_18 = arith.constant 16 : i32
        %scan3A_19 = arith.addi %scan3A_17, %scan3A_18 : i32
        %scan3A_20 = arith.constant 1 : i32
        scf.for %scan3A_35 = %scan3A_17 to %scan3A_19 step %scan3A_20  : i32 {
          %mul3A_36 = arith.constant 102400 : i32
          %mul3A_37 = arith.muli %add3A_8, %mul3A_36 : i32
          %add3A_38 = arith.addi %mul3A_16, %scan3A_35 : i32
          %mul3A_39 = arith.constant 320 : i32
          %mul3A_40 = arith.muli %add3A_38, %mul3A_39 : i32
          %add3A_41 = arith.addi %mul3A_37, %mul3A_40 : i32
          %add3A_42 = arith.constant 42 : i32
          %add3A_43 = arith.addi %add3A_41, %add3A_42 : i32
          %scan3A_44 = arith.constant 0 : i32
          %scan3A_45 = arith.constant 4 : i32
          %scan3A_46 = arith.addi %scan3A_44, %scan3A_45 : i32
          %scan3A_47 = arith.constant 1 : i32
          scf.for %scan3A_49 = %scan3A_44 to %scan3A_46 step %scan3A_47  : i32 {
            %mul3A_50 = arith.constant 5 : i32
            %mul3A_51 = arith.muli %scan3A_49, %mul3A_50 : i32
            %add3A_52 = arith.constant 0 : i32
            %add3A_53 = arith.addi %mul3A_51, %add3A_52 : i32
            %mul3A_54 = arith.constant 16 : i32
            %mul3A_55 = arith.muli %add3A_53, %mul3A_54 : i32
            %add3A_56 = arith.addi %add3A_43, %mul3A_55 : i32
            %add3A_57 = vector.broadcast %add3A_56 : i32 to vector<16xi32>
            %add3A_58 = arith.addi %iota3A, %add3A_57 : vector<16xi32>
            %shift_left3A = arith.constant 13 : i32
            %shift_left3A_59 = vector.broadcast %shift_left3A : i32 to vector<16xi32>
            %shift_left3A_60 = arith.shli %add3A_58, %shift_left3A_59 : vector<16xi32>
            %shift_right_logical3A = arith.constant 19 : i32
            %shift_right_logical3A_61 = vector.broadcast %shift_right_logical3A : i32 to vector<16xi32>
            %shift_right_logical3A_62 = arith.shrui %add3A_58, %shift_right_logical3A_61 : vector<16xi32>
            %or3A = arith.ori %shift_left3A_60, %shift_right_logical3A_62 : vector<16xi32>
            %xor3A = arith.xori %or3A, %add3A_58 : vector<16xi32>
            %add3A_63 = arith.addi %add3A_58, %xor3A : vector<16xi32>
            %shift_left3A_64 = arith.constant 15 : i32
            %shift_left3A_65 = vector.broadcast %shift_left3A_64 : i32 to vector<16xi32>
            %shift_left3A_66 = arith.shli %xor3A, %shift_left3A_65 : vector<16xi32>
            %shift_right_logical3A_67 = arith.constant 17 : i32
            %shift_right_logical3A_68 = vector.broadcast %shift_right_logical3A_67 : i32 to vector<16xi32>
            %shift_right_logical3A_69 = arith.shrui %xor3A, %shift_right_logical3A_68 : vector<16xi32>
            %or3A_70 = arith.ori %shift_left3A_66, %shift_right_logical3A_69 : vector<16xi32>
            %xor3A_71 = arith.xori %or3A_70, %add3A_63 : vector<16xi32>
            %add3A_72 = arith.addi %add3A_63, %xor3A_71 : vector<16xi32>
            %shift_left3A_73 = arith.constant 26 : i32
            %shift_left3A_74 = vector.broadcast %shift_left3A_73 : i32 to vector<16xi32>
            %shift_left3A_75 = arith.shli %xor3A_71, %shift_left3A_74 : vector<16xi32>
            %shift_right_logical3A_76 = arith.constant 6 : i32
            %shift_right_logical3A_77 = vector.broadcast %shift_right_logical3A_76 : i32 to vector<16xi32>
            %shift_right_logical3A_78 = arith.shrui %xor3A_71, %shift_right_logical3A_77 : vector<16xi32>
            %or3A_79 = arith.ori %shift_left3A_75, %shift_right_logical3A_78 : vector<16xi32>
            %xor3A_80 = arith.xori %or3A_79, %add3A_72 : vector<16xi32>
            %add3A_81 = arith.addi %add3A_72, %xor3A_80 : vector<16xi32>
            %shift_left3A_82 = arith.constant 6 : i32
            %shift_left3A_83 = vector.broadcast %shift_left3A_82 : i32 to vector<16xi32>
            %shift_left3A_84 = arith.shli %xor3A_80, %shift_left3A_83 : vector<16xi32>
            %shift_right_logical3A_85 = arith.constant 26 : i32
            %shift_right_logical3A_86 = vector.broadcast %shift_right_logical3A_85 : i32 to vector<16xi32>
            %shift_right_logical3A_87 = arith.shrui %xor3A_80, %shift_right_logical3A_86 : vector<16xi32>
            %or3A_88 = arith.ori %shift_left3A_84, %shift_right_logical3A_87 : vector<16xi32>
            %xor3A_89 = arith.xori %or3A_88, %add3A_81 : vector<16xi32>
            %add3A_90 = arith.constant 42 : i32
            %add3A_91 = vector.broadcast %add3A_90 : i32 to vector<16xi32>
            %add3A_92 = arith.addi %add3A_81, %add3A_91 : vector<16xi32>
            %add3A_93 = arith.constant 466689009 : i32
            %add3A_94 = vector.broadcast %add3A_93 : i32 to vector<16xi32>
            %add3A_95 = arith.addi %xor3A_89, %add3A_94 : vector<16xi32>
            %add3A_96 = arith.addi %add3A_92, %add3A_95 : vector<16xi32>
            %shift_left3A_97 = arith.constant 17 : i32
            %shift_left3A_98 = vector.broadcast %shift_left3A_97 : i32 to vector<16xi32>
            %shift_left3A_99 = arith.shli %add3A_95, %shift_left3A_98 : vector<16xi32>
            %shift_right_logical3A_100 = arith.constant 15 : i32
            %shift_right_logical3A_101 = vector.broadcast %shift_right_logical3A_100 : i32 to vector<16xi32>
            %shift_right_logical3A_102 = arith.shrui %add3A_95, %shift_right_logical3A_101 : vector<16xi32>
            %or3A_103 = arith.ori %shift_left3A_99, %shift_right_logical3A_102 : vector<16xi32>
            %xor3A_104 = arith.xori %or3A_103, %add3A_96 : vector<16xi32>
            %add3A_105 = arith.addi %add3A_96, %xor3A_104 : vector<16xi32>
            %shift_left3A_106 = arith.constant 29 : i32
            %shift_left3A_107 = vector.broadcast %shift_left3A_106 : i32 to vector<16xi32>
            %shift_left3A_108 = arith.shli %xor3A_104, %shift_left3A_107 : vector<16xi32>
            %shift_right_logical3A_109 = arith.constant 3 : i32
            %shift_right_logical3A_110 = vector.broadcast %shift_right_logical3A_109 : i32 to vector<16xi32>
            %shift_right_logical3A_111 = arith.shrui %xor3A_104, %shift_right_logical3A_110 : vector<16xi32>
            %or3A_112 = arith.ori %shift_left3A_108, %shift_right_logical3A_111 : vector<16xi32>
            %xor3A_113 = arith.xori %or3A_112, %add3A_105 : vector<16xi32>
            %add3A_114 = arith.addi %add3A_105, %xor3A_113 : vector<16xi32>
            %shift_left3A_115 = arith.constant 16 : i32
            %shift_left3A_116 = vector.broadcast %shift_left3A_115 : i32 to vector<16xi32>
            %shift_left3A_117 = arith.shli %xor3A_113, %shift_left3A_116 : vector<16xi32>
            %shift_right_logical3A_118 = arith.constant 16 : i32
            %shift_right_logical3A_119 = vector.broadcast %shift_right_logical3A_118 : i32 to vector<16xi32>
            %shift_right_logical3A_120 = arith.shrui %xor3A_113, %shift_right_logical3A_119 : vector<16xi32>
            %or3A_121 = arith.ori %shift_left3A_117, %shift_right_logical3A_120 : vector<16xi32>
            %xor3A_122 = arith.xori %or3A_121, %add3A_114 : vector<16xi32>
            %add3A_123 = arith.addi %add3A_114, %xor3A_122 : vector<16xi32>
            %shift_left3A_124 = arith.constant 24 : i32
            %shift_left3A_125 = vector.broadcast %shift_left3A_124 : i32 to vector<16xi32>
            %shift_left3A_126 = arith.shli %xor3A_122, %shift_left3A_125 : vector<16xi32>
            %shift_right_logical3A_127 = arith.constant 8 : i32
            %shift_right_logical3A_128 = vector.broadcast %shift_right_logical3A_127 : i32 to vector<16xi32>
            %shift_right_logical3A_129 = arith.shrui %xor3A_122, %shift_right_logical3A_128 : vector<16xi32>
            %or3A_130 = arith.ori %shift_left3A_126, %shift_right_logical3A_129 : vector<16xi32>
            %xor3A_131 = arith.xori %or3A_130, %add3A_123 : vector<16xi32>
            %add3A_132 = arith.constant 466689008 : i32
            %add3A_133 = vector.broadcast %add3A_132 : i32 to vector<16xi32>
            %add3A_134 = arith.addi %add3A_123, %add3A_133 : vector<16xi32>
            %add3A_135 = arith.constant 2 : i32
            %add3A_136 = vector.broadcast %add3A_135 : i32 to vector<16xi32>
            %add3A_137 = arith.addi %xor3A_131, %add3A_136 : vector<16xi32>
            %add3A_138 = arith.addi %add3A_134, %add3A_137 : vector<16xi32>
            %shift_left3A_139 = arith.constant 13 : i32
            %shift_left3A_140 = vector.broadcast %shift_left3A_139 : i32 to vector<16xi32>
            %shift_left3A_141 = arith.shli %add3A_137, %shift_left3A_140 : vector<16xi32>
            %shift_right_logical3A_142 = arith.constant 19 : i32
            %shift_right_logical3A_143 = vector.broadcast %shift_right_logical3A_142 : i32 to vector<16xi32>
            %shift_right_logical3A_144 = arith.shrui %add3A_137, %shift_right_logical3A_143 : vector<16xi32>
            %or3A_145 = arith.ori %shift_left3A_141, %shift_right_logical3A_144 : vector<16xi32>
            %xor3A_146 = arith.xori %or3A_145, %add3A_138 : vector<16xi32>
            %add3A_147 = arith.addi %add3A_138, %xor3A_146 : vector<16xi32>
            %shift_left3A_148 = arith.constant 15 : i32
            %shift_left3A_149 = vector.broadcast %shift_left3A_148 : i32 to vector<16xi32>
            %shift_left3A_150 = arith.shli %xor3A_146, %shift_left3A_149 : vector<16xi32>
            %shift_right_logical3A_151 = arith.constant 17 : i32
            %shift_right_logical3A_152 = vector.broadcast %shift_right_logical3A_151 : i32 to vector<16xi32>
            %shift_right_logical3A_153 = arith.shrui %xor3A_146, %shift_right_logical3A_152 : vector<16xi32>
            %or3A_154 = arith.ori %shift_left3A_150, %shift_right_logical3A_153 : vector<16xi32>
            %xor3A_155 = arith.xori %or3A_154, %add3A_147 : vector<16xi32>
            %add3A_156 = arith.addi %add3A_147, %xor3A_155 : vector<16xi32>
            %shift_left3A_157 = arith.constant 26 : i32
            %shift_left3A_158 = vector.broadcast %shift_left3A_157 : i32 to vector<16xi32>
            %shift_left3A_159 = arith.shli %xor3A_155, %shift_left3A_158 : vector<16xi32>
            %shift_right_logical3A_160 = arith.constant 6 : i32
            %shift_right_logical3A_161 = vector.broadcast %shift_right_logical3A_160 : i32 to vector<16xi32>
            %shift_right_logical3A_162 = arith.shrui %xor3A_155, %shift_right_logical3A_161 : vector<16xi32>
            %or3A_163 = arith.ori %shift_left3A_159, %shift_right_logical3A_162 : vector<16xi32>
            %xor3A_164 = arith.xori %or3A_163, %add3A_156 : vector<16xi32>
            %add3A_165 = arith.addi %add3A_156, %xor3A_164 : vector<16xi32>
            %shift_left3A_166 = arith.constant 6 : i32
            %shift_left3A_167 = vector.broadcast %shift_left3A_166 : i32 to vector<16xi32>
            %shift_left3A_168 = arith.shli %xor3A_164, %shift_left3A_167 : vector<16xi32>
            %shift_right_logical3A_169 = arith.constant 26 : i32
            %shift_right_logical3A_170 = vector.broadcast %shift_right_logical3A_169 : i32 to vector<16xi32>
            %shift_right_logical3A_171 = arith.shrui %xor3A_164, %shift_right_logical3A_170 : vector<16xi32>
            %or3A_172 = arith.ori %shift_left3A_168, %shift_right_logical3A_171 : vector<16xi32>
            %xor3A_173 = arith.xori %or3A_172, %add3A_165 : vector<16xi32>
            %add3A_174 = arith.constant 0 : i32
            %add3A_175 = vector.broadcast %add3A_174 : i32 to vector<16xi32>
            %add3A_176 = arith.addi %add3A_165, %add3A_175 : vector<16xi32>
            %add3A_177 = arith.constant 45 : i32
            %add3A_178 = vector.broadcast %add3A_177 : i32 to vector<16xi32>
            %add3A_179 = arith.addi %xor3A_173, %add3A_178 : vector<16xi32>
            %add3A_180 = arith.addi %add3A_176, %add3A_179 : vector<16xi32>
            %shift_left3A_181 = arith.constant 17 : i32
            %shift_left3A_182 = vector.broadcast %shift_left3A_181 : i32 to vector<16xi32>
            %shift_left3A_183 = arith.shli %add3A_179, %shift_left3A_182 : vector<16xi32>
            %shift_right_logical3A_184 = arith.constant 15 : i32
            %shift_right_logical3A_185 = vector.broadcast %shift_right_logical3A_184 : i32 to vector<16xi32>
            %shift_right_logical3A_186 = arith.shrui %add3A_179, %shift_right_logical3A_185 : vector<16xi32>
            %or3A_187 = arith.ori %shift_left3A_183, %shift_right_logical3A_186 : vector<16xi32>
            %xor3A_188 = arith.xori %or3A_187, %add3A_180 : vector<16xi32>
            %add3A_189 = arith.addi %add3A_180, %xor3A_188 : vector<16xi32>
            %shift_left3A_190 = arith.constant 29 : i32
            %shift_left3A_191 = vector.broadcast %shift_left3A_190 : i32 to vector<16xi32>
            %shift_left3A_192 = arith.shli %xor3A_188, %shift_left3A_191 : vector<16xi32>
            %shift_right_logical3A_193 = arith.constant 3 : i32
            %shift_right_logical3A_194 = vector.broadcast %shift_right_logical3A_193 : i32 to vector<16xi32>
            %shift_right_logical3A_195 = arith.shrui %xor3A_188, %shift_right_logical3A_194 : vector<16xi32>
            %or3A_196 = arith.ori %shift_left3A_192, %shift_right_logical3A_195 : vector<16xi32>
            %xor3A_197 = arith.xori %or3A_196, %add3A_189 : vector<16xi32>
            %add3A_198 = arith.addi %add3A_189, %xor3A_197 : vector<16xi32>
            %shift_left3A_199 = arith.constant 16 : i32
            %shift_left3A_200 = vector.broadcast %shift_left3A_199 : i32 to vector<16xi32>
            %shift_left3A_201 = arith.shli %xor3A_197, %shift_left3A_200 : vector<16xi32>
            %shift_right_logical3A_202 = arith.constant 16 : i32
            %shift_right_logical3A_203 = vector.broadcast %shift_right_logical3A_202 : i32 to vector<16xi32>
            %shift_right_logical3A_204 = arith.shrui %xor3A_197, %shift_right_logical3A_203 : vector<16xi32>
            %or3A_205 = arith.ori %shift_left3A_201, %shift_right_logical3A_204 : vector<16xi32>
            %xor3A_206 = arith.xori %or3A_205, %add3A_198 : vector<16xi32>
            %add3A_207 = arith.addi %add3A_198, %xor3A_206 : vector<16xi32>
            %shift_left3A_208 = arith.constant 24 : i32
            %shift_left3A_209 = vector.broadcast %shift_left3A_208 : i32 to vector<16xi32>
            %shift_left3A_210 = arith.shli %xor3A_206, %shift_left3A_209 : vector<16xi32>
            %shift_right_logical3A_211 = arith.constant 8 : i32
            %shift_right_logical3A_212 = vector.broadcast %shift_right_logical3A_211 : i32 to vector<16xi32>
            %shift_right_logical3A_213 = arith.shrui %xor3A_206, %shift_right_logical3A_212 : vector<16xi32>
            %or3A_214 = arith.ori %shift_left3A_210, %shift_right_logical3A_213 : vector<16xi32>
            %xor3A_215 = arith.xori %or3A_214, %add3A_207 : vector<16xi32>
            %add3A_216 = arith.constant 42 : i32
            %add3A_217 = vector.broadcast %add3A_216 : i32 to vector<16xi32>
            %add3A_218 = arith.addi %add3A_207, %add3A_217 : vector<16xi32>
            %add3A_219 = arith.constant 466689012 : i32
            %add3A_220 = vector.broadcast %add3A_219 : i32 to vector<16xi32>
            %add3A_221 = arith.addi %xor3A_215, %add3A_220 : vector<16xi32>
            %add3A_222 = arith.addi %add3A_218, %add3A_221 : vector<16xi32>
            %shift_left3A_223 = arith.constant 13 : i32
            %shift_left3A_224 = vector.broadcast %shift_left3A_223 : i32 to vector<16xi32>
            %shift_left3A_225 = arith.shli %add3A_221, %shift_left3A_224 : vector<16xi32>
            %shift_right_logical3A_226 = arith.constant 19 : i32
            %shift_right_logical3A_227 = vector.broadcast %shift_right_logical3A_226 : i32 to vector<16xi32>
            %shift_right_logical3A_228 = arith.shrui %add3A_221, %shift_right_logical3A_227 : vector<16xi32>
            %or3A_229 = arith.ori %shift_left3A_225, %shift_right_logical3A_228 : vector<16xi32>
            %xor3A_230 = arith.xori %or3A_229, %add3A_222 : vector<16xi32>
            %add3A_231 = arith.addi %add3A_222, %xor3A_230 : vector<16xi32>
            %shift_left3A_232 = arith.constant 15 : i32
            %shift_left3A_233 = vector.broadcast %shift_left3A_232 : i32 to vector<16xi32>
            %shift_left3A_234 = arith.shli %xor3A_230, %shift_left3A_233 : vector<16xi32>
            %shift_right_logical3A_235 = arith.constant 17 : i32
            %shift_right_logical3A_236 = vector.broadcast %shift_right_logical3A_235 : i32 to vector<16xi32>
            %shift_right_logical3A_237 = arith.shrui %xor3A_230, %shift_right_logical3A_236 : vector<16xi32>
            %or3A_238 = arith.ori %shift_left3A_234, %shift_right_logical3A_237 : vector<16xi32>
            %xor3A_239 = arith.xori %or3A_238, %add3A_231 : vector<16xi32>
            %add3A_240 = arith.addi %add3A_231, %xor3A_239 : vector<16xi32>
            %shift_left3A_241 = arith.constant 26 : i32
            %shift_left3A_242 = vector.broadcast %shift_left3A_241 : i32 to vector<16xi32>
            %shift_left3A_243 = arith.shli %xor3A_239, %shift_left3A_242 : vector<16xi32>
            %shift_right_logical3A_244 = arith.constant 6 : i32
            %shift_right_logical3A_245 = vector.broadcast %shift_right_logical3A_244 : i32 to vector<16xi32>
            %shift_right_logical3A_246 = arith.shrui %xor3A_239, %shift_right_logical3A_245 : vector<16xi32>
            %or3A_247 = arith.ori %shift_left3A_243, %shift_right_logical3A_246 : vector<16xi32>
            %xor3A_248 = arith.xori %or3A_247, %add3A_240 : vector<16xi32>
            %add3A_249 = arith.addi %add3A_240, %xor3A_248 : vector<16xi32>
            %shift_left3A_250 = arith.constant 6 : i32
            %shift_left3A_251 = vector.broadcast %shift_left3A_250 : i32 to vector<16xi32>
            %shift_left3A_252 = arith.shli %xor3A_248, %shift_left3A_251 : vector<16xi32>
            %shift_right_logical3A_253 = arith.constant 26 : i32
            %shift_right_logical3A_254 = vector.broadcast %shift_right_logical3A_253 : i32 to vector<16xi32>
            %shift_right_logical3A_255 = arith.shrui %xor3A_248, %shift_right_logical3A_254 : vector<16xi32>
            %or3A_256 = arith.ori %shift_left3A_252, %shift_right_logical3A_255 : vector<16xi32>
            %xor3A_257 = arith.xori %or3A_256, %add3A_249 : vector<16xi32>
            %add3A_258 = arith.constant 466689008 : i32
            %add3A_259 = vector.broadcast %add3A_258 : i32 to vector<16xi32>
            %add3A_260 = arith.addi %add3A_249, %add3A_259 : vector<16xi32>
            %add3A_261 = arith.constant 5 : i32
            %add3A_262 = vector.broadcast %add3A_261 : i32 to vector<16xi32>
            %add3A_263 = arith.addi %xor3A_257, %add3A_262 : vector<16xi32>
            %xor3A_264 = arith.xori %add3A_260, %add3A_263 : vector<16xi32>
            %shift_right_logical3A_265 = arith.constant 9 : i32
            %shift_right_logical3A_266 = vector.broadcast %shift_right_logical3A_265 : i32 to vector<16xi32>
            %shift_right_logical3A_267 = arith.shrui %xor3A_264, %shift_right_logical3A_266 : vector<16xi32>
            %mul3A_268 = arith.constant 16 : i32
            %mul3A_269 = arith.muli %add3A_53, %mul3A_268 : i32
            %get3A = arith.index_cast %scan3A_35 : i32 to index
            %get3A_270 = arith.index_cast %mul3A_269 : i32 to index
            %get3A_271 = tpu.vector_load %arg6[%get3A, %get3A_270] {strides = array<i32>} : memref<16x320xi32, #tpu.memory_space<vmem>>, vector<1x16xi32>,
            %get3A_272 = vector.shape_cast %get3A_271 : vector<1x16xi32> to vector<16xi32>
            %lt3A = arith.cmpi slt, %shift_right_logical3A_267, %get3A_272 : vector<16xi32>
            %jit3A = arith.constant 1.000000e+00 : f32
            %jit3A_273 = arith.constant 0.000000e+00 : f32
            %broadcast_in_dim3A = vector.broadcast %jit3A : f32 to vector<16xf32>
            %broadcast_in_dim3A_274 = vector.broadcast %jit3A_273 : f32 to vector<16xf32>
            %select_n3A = arith.select %lt3A, %broadcast_in_dim3A, %broadcast_in_dim3A_274 : vector<16xi1>, vector<16xf32>
            %mul3A_275 = arith.constant 16 : i32
            %mul3A_276 = arith.muli %add3A_53, %mul3A_275 : i32
            %swap3A = arith.index_cast %scan3A_35 : i32 to index
            %swap3A_277 = arith.index_cast %mul3A_276 : i32 to index
            %swap3A_278 = tpu.vector_load %arg7[%swap3A, %swap3A_277] {strides = array<i32>} : memref<16x320xf32, #tpu.memory_space<vmem>>, vector<1x16xf32>,
            %swap3A_279 = vector.shape_cast %swap3A_278 : vector<1x16xf32> to vector<16xf32>
            %swap3A_280 = vector.shape_cast %select_n3A : vector<16xf32> to vector<1x16xf32>
            tpu.vector_store %arg7[%swap3A, %swap3A_277], %swap3A_280 {strides = array<i32>} : memref<16x320xf32, #tpu.memory_space<vmem>>, vector<1x16xf32>,
            %mul3A_281 = arith.constant 5 : i32
            %mul3A_282 = arith.muli %scan3A_49, %mul3A_281 : i32
            %add3A_283 = arith.constant 1 : i32
            %add3A_284 = arith.addi %mul3A_282, %add3A_283 : i32
            %mul3A_285 = arith.constant 16 : i32
            %mul3A_286 = arith.muli %add3A_284, %mul3A_285 : i32
            %add3A_287 = arith.addi %add3A_43, %mul3A_286 : i32
            %add3A_288 = vector.broadcast %add3A_287 : i32 to vector<16xi32>
            %add3A_289 = arith.addi %iota3A, %add3A_288 : vector<16xi32>
            %shift_left3A_290 = arith.constant 13 : i32
            %shift_left3A_291 = vector.broadcast %shift_left3A_290 : i32 to vector<16xi32>
            %shift_left3A_292 = arith.shli %add3A_289, %shift_left3A_291 : vector<16xi32>
            %shift_right_logical3A_293 = arith.constant 19 : i32
            %shift_right_logical3A_294 = vector.broadcast %shift_right_logical3A_293 : i32 to vector<16xi32>
            %shift_right_logical3A_295 = arith.shrui %add3A_289, %shift_right_logical3A_294 : vector<16xi32>
            %or3A_296 = arith.ori %shift_left3A_292, %shift_right_logical3A_295 : vector<16xi32>
            %xor3A_297 = arith.xori %or3A_296, %add3A_289 : vector<16xi32>
            %add3A_298 = arith.addi %add3A_289, %xor3A_297 : vector<16xi32>
            %shift_left3A_299 = arith.constant 15 : i32
            %shift_left3A_300 = vector.broadcast %shift_left3A_299 : i32 to vector<16xi32>
            %shift_left3A_301 = arith.shli %xor3A_297, %shift_left3A_300 : vector<16xi32>
            %shift_right_logical3A_302 = arith.constant 17 : i32
            %shift_right_logical3A_303 = vector.broadcast %shift_right_logical3A_302 : i32 to vector<16xi32>
            %shift_right_logical3A_304 = arith.shrui %xor3A_297, %shift_right_logical3A_303 : vector<16xi32>
            %or3A_305 = arith.ori %shift_left3A_301, %shift_right_logical3A_304 : vector<16xi32>
            %xor3A_306 = arith.xori %or3A_305, %add3A_298 : vector<16xi32>
            %add3A_307 = arith.addi %add3A_298, %xor3A_306 : vector<16xi32>
            %shift_left3A_308 = arith.constant 26 : i32
            %shift_left3A_309 = vector.broadcast %shift_left3A_308 : i32 to vector<16xi32>
            %shift_left3A_310 = arith.shli %xor3A_306, %shift_left3A_309 : vector<16xi32>
            %shift_right_logical3A_311 = arith.constant 6 : i32
            %shift_right_logical3A_312 = vector.broadcast %shift_right_logical3A_311 : i32 to vector<16xi32>
            %shift_right_logical3A_313 = arith.shrui %xor3A_306, %shift_right_logical3A_312 : vector<16xi32>
            %or3A_314 = arith.ori %shift_left3A_310, %shift_right_logical3A_313 : vector<16xi32>
            %xor3A_315 = arith.xori %or3A_314, %add3A_307 : vector<16xi32>
            %add3A_316 = arith.addi %add3A_307, %xor3A_315 : vector<16xi32>
            %shift_left3A_317 = arith.constant 6 : i32
            %shift_left3A_318 = vector.broadcast %shift_left3A_317 : i32 to vector<16xi32>
            %shift_left3A_319 = arith.shli %xor3A_315, %shift_left3A_318 : vector<16xi32>
            %shift_right_logical3A_320 = arith.constant 26 : i32
            %shift_right_logical3A_321 = vector.broadcast %shift_right_logical3A_320 : i32 to vector<16xi32>
            %shift_right_logical3A_322 = arith.shrui %xor3A_315, %shift_right_logical3A_321 : vector<16xi32>
            %or3A_323 = arith.ori %shift_left3A_319, %shift_right_logical3A_322 : vector<16xi32>
            %xor3A_324 = arith.xori %or3A_323, %add3A_316 : vector<16xi32>
            %add3A_325 = arith.constant 42 : i32
            %add3A_326 = vector.broadcast %add3A_325 : i32 to vector<16xi32>
            %add3A_327 = arith.addi %add3A_316, %add3A_326 : vector<16xi32>
            %add3A_328 = arith.constant 466689009 : i32
            %add3A_329 = vector.broadcast %add3A_328 : i32 to vector<16xi32>
            %add3A_330 = arith.addi %xor3A_324, %add3A_329 : vector<16xi32>
            %add3A_331 = arith.addi %add3A_327, %add3A_330 : vector<16xi32>
            %shift_left3A_332 = arith.constant 17 : i32
            %shift_left3A_333 = vector.broadcast %shift_left3A_332 : i32 to vector<16xi32>
            %shift_left3A_334 = arith.shli %add3A_330, %shift_left3A_333 : vector<16xi32>
            %shift_right_logical3A_335 = arith.constant 15 : i32
            %shift_right_logical3A_336 = vector.broadcast %shift_right_logical3A_335 : i32 to vector<16xi32>
            %shift_right_logical3A_337 = arith.shrui %add3A_330, %shift_right_logical3A_336 : vector<16xi32>
            %or3A_338 = arith.ori %shift_left3A_334, %shift_right_logical3A_337 : vector<16xi32>
            %xor3A_339 = arith.xori %or3A_338, %add3A_331 : vector<16xi32>
            %add3A_340 = arith.addi %add3A_331, %xor3A_339 : vector<16xi32>
            %shift_left3A_341 = arith.constant 29 : i32
            %shift_left3A_342 = vector.broadcast %shift_left3A_341 : i32 to vector<16xi32>
            %shift_left3A_343 = arith.shli %xor3A_339, %shift_left3A_342 : vector<16xi32>
            %shift_right_logical3A_344 = arith.constant 3 : i32
            %shift_right_logical3A_345 = vector.broadcast %shift_right_logical3A_344 : i32 to vector<16xi32>
            %shift_right_logical3A_346 = arith.shrui %xor3A_339, %shift_right_logical3A_345 : vector<16xi32>
            %or3A_347 = arith.ori %shift_left3A_343, %shift_right_logical3A_346 : vector<16xi32>
            %xor3A_348 = arith.xori %or3A_347, %add3A_340 : vector<16xi32>
            %add3A_349 = arith.addi %add3A_340, %xor3A_348 : vector<16xi32>
            %shift_left3A_350 = arith.constant 16 : i32
            %shift_left3A_351 = vector.broadcast %shift_left3A_350 : i32 to vector<16xi32>
            %shift_left3A_352 = arith.shli %xor3A_348, %shift_left3A_351 : vector<16xi32>
            %shift_right_logical3A_353 = arith.constant 16 : i32
            %shift_right_logical3A_354 = vector.broadcast %shift_right_logical3A_353 : i32 to vector<16xi32>
            %shift_right_logical3A_355 = arith.shrui %xor3A_348, %shift_right_logical3A_354 : vector<16xi32>
            %or3A_356 = arith.ori %shift_left3A_352, %shift_right_logical3A_355 : vector<16xi32>
            %xor3A_357 = arith.xori %or3A_356, %add3A_349 : vector<16xi32>
            %add3A_358 = arith.addi %add3A_349, %xor3A_357 : vector<16xi32>
            %shift_left3A_359 = arith.constant 24 : i32
            %shift_left3A_360 = vector.broadcast %shift_left3A_359 : i32 to vector<16xi32>
            %shift_left3A_361 = arith.shli %xor3A_357, %shift_left3A_360 : vector<16xi32>
            %shift_right_logical3A_362 = arith.constant 8 : i32
            %shift_right_logical3A_363 = vector.broadcast %shift_right_logical3A_362 : i32 to vector<16xi32>
            %shift_right_logical3A_364 = arith.shrui %xor3A_357, %shift_right_logical3A_363 : vector<16xi32>
            %or3A_365 = arith.ori %shift_left3A_361, %shift_right_logical3A_364 : vector<16xi32>
            %xor3A_366 = arith.xori %or3A_365, %add3A_358 : vector<16xi32>
            %add3A_367 = arith.constant 466689008 : i32
            %add3A_368 = vector.broadcast %add3A_367 : i32 to vector<16xi32>
            %add3A_369 = arith.addi %add3A_358, %add3A_368 : vector<16xi32>
            %add3A_370 = arith.constant 2 : i32
            %add3A_371 = vector.broadcast %add3A_370 : i32 to vector<16xi32>
            %add3A_372 = arith.addi %xor3A_366, %add3A_371 : vector<16xi32>
            %add3A_373 = arith.addi %add3A_369, %add3A_372 : vector<16xi32>
            %shift_left3A_374 = arith.constant 13 : i32
            %shift_left3A_375 = vector.broadcast %shift_left3A_374 : i32 to vector<16xi32>
            %shift_left3A_376 = arith.shli %add3A_372, %shift_left3A_375 : vector<16xi32>
            %shift_right_logical3A_377 = arith.constant 19 : i32
            %shift_right_logical3A_378 = vector.broadcast %shift_right_logical3A_377 : i32 to vector<16xi32>
            %shift_right_logical3A_379 = arith.shrui %add3A_372, %shift_right_logical3A_378 : vector<16xi32>
            %or3A_380 = arith.ori %shift_left3A_376, %shift_right_logical3A_379 : vector<16xi32>
            %xor3A_381 = arith.xori %or3A_380, %add3A_373 : vector<16xi32>
            %add3A_382 = arith.addi %add3A_373, %xor3A_381 : vector<16xi32>
            %shift_left3A_383 = arith.constant 15 : i32
            %shift_left3A_384 = vector.broadcast %shift_left3A_383 : i32 to vector<16xi32>
            %shift_left3A_385 = arith.shli %xor3A_381, %shift_left3A_384 : vector<16xi32>
            %shift_right_logical3A_386 = arith.constant 17 : i32
            %shift_right_logical3A_387 = vector.broadcast %shift_right_logical3A_386 : i32 to vector<16xi32>
            %shift_right_logical3A_388 = arith.shrui %xor3A_381, %shift_right_logical3A_387 : vector<16xi32>
            %or3A_389 = arith.ori %shift_left3A_385, %shift_right_logical3A_388 : vector<16xi32>
            %xor3A_390 = arith.xori %or3A_389, %add3A_382 : vector<16xi32>
            %add3A_391 = arith.addi %add3A_382, %xor3A_390 : vector<16xi32>
            %shift_left3A_392 = arith.constant 26 : i32
            %shift_left3A_393 = vector.broadcast %shift_left3A_392 : i32 to vector<16xi32>
            %shift_left3A_394 = arith.shli %xor3A_390, %shift_left3A_393 : vector<16xi32>
            %shift_right_logical3A_395 = arith.constant 6 : i32
            %shift_right_logical3A_396 = vector.broadcast %shift_right_logical3A_395 : i32 to vector<16xi32>
            %shift_right_logical3A_397 = arith.shrui %xor3A_390, %shift_right_logical3A_396 : vector<16xi32>
            %or3A_398 = arith.ori %shift_left3A_394, %shift_right_logical3A_397 : vector<16xi32>
            %xor3A_399 = arith.xori %or3A_398, %add3A_391 : vector<16xi32>
            %add3A_400 = arith.addi %add3A_391, %xor3A_399 : vector<16xi32>
            %shift_left3A_401 = arith.constant 6 : i32
            %shift_left3A_402 = vector.broadcast %shift_left3A_401 : i32 to vector<16xi32>
            %shift_left3A_403 = arith.shli %xor3A_399, %shift_left3A_402 : vector<16xi32>
            %shift_right_logical3A_404 = arith.constant 26 : i32
            %shift_right_logical3A_405 = vector.broadcast %shift_right_logical3A_404 : i32 to vector<16xi32>
            %shift_right_logical3A_406 = arith.shrui %xor3A_399, %shift_right_logical3A_405 : vector<16xi32>
            %or3A_407 = arith.ori %shift_left3A_403, %shift_right_logical3A_406 : vector<16xi32>
            %xor3A_408 = arith.xori %or3A_407, %add3A_400 : vector<16xi32>
            %add3A_409 = arith.constant 0 : i32
            %add3A_410 = vector.broadcast %add3A_409 : i32 to vector<16xi32>
            %add3A_411 = arith.addi %add3A_400, %add3A_410 : vector<16xi32>
            %add3A_412 = arith.constant 45 : i32
            %add3A_413 = vector.broadcast %add3A_412 : i32 to vector<16xi32>
            %add3A_414 = arith.addi %xor3A_408, %add3A_413 : vector<16xi32>
            %add3A_415 = arith.addi %add3A_411, %add3A_414 : vector<16xi32>
            %shift_left3A_416 = arith.constant 17 : i32
            %shift_left3A_417 = vector.broadcast %shift_left3A_416 : i32 to vector<16xi32>
            %shift_left3A_418 = arith.shli %add3A_414, %shift_left3A_417 : vector<16xi32>
            %shift_right_logical3A_419 = arith.constant 15 : i32
            %shift_right_logical3A_420 = vector.broadcast %shift_right_logical3A_419 : i32 to vector<16xi32>
            %shift_right_logical3A_421 = arith.shrui %add3A_414, %shift_right_logical3A_420 : vector<16xi32>
            %or3A_422 = arith.ori %shift_left3A_418, %shift_right_logical3A_421 : vector<16xi32>
            %xor3A_423 = arith.xori %or3A_422, %add3A_415 : vector<16xi32>
            %add3A_424 = arith.addi %add3A_415, %xor3A_423 : vector<16xi32>
            %shift_left3A_425 = arith.constant 29 : i32
            %shift_left3A_426 = vector.broadcast %shift_left3A_425 : i32 to vector<16xi32>
            %shift_left3A_427 = arith.shli %xor3A_423, %shift_left3A_426 : vector<16xi32>
            %shift_right_logical3A_428 = arith.constant 3 : i32
            %shift_right_logical3A_429 = vector.broadcast %shift_right_logical3A_428 : i32 to vector<16xi32>
            %shift_right_logical3A_430 = arith.shrui %xor3A_423, %shift_right_logical3A_429 : vector<16xi32>
            %or3A_431 = arith.ori %shift_left3A_427, %shift_right_logical3A_430 : vector<16xi32>
            %xor3A_432 = arith.xori %or3A_431, %add3A_424 : vector<16xi32>
            %add3A_433 = arith.addi %add3A_424, %xor3A_432 : vector<16xi32>
            %shift_left3A_434 = arith.constant 16 : i32
            %shift_left3A_435 = vector.broadcast %shift_left3A_434 : i32 to vector<16xi32>
            %shift_left3A_436 = arith.shli %xor3A_432, %shift_left3A_435 : vector<16xi32>
            %shift_right_logical3A_437 = arith.constant 16 : i32
            %shift_right_logical3A_438 = vector.broadcast %shift_right_logical3A_437 : i32 to vector<16xi32>
            %shift_right_logical3A_439 = arith.shrui %xor3A_432, %shift_right_logical3A_438 : vector<16xi32>
            %or3A_440 = arith.ori %shift_left3A_436, %shift_right_logical3A_439 : vector<16xi32>
            %xor3A_441 = arith.xori %or3A_440, %add3A_433 : vector<16xi32>
            %add3A_442 = arith.addi %add3A_433, %xor3A_441 : vector<16xi32>
            %shift_left3A_443 = arith.constant 24 : i32
            %shift_left3A_444 = vector.broadcast %shift_left3A_443 : i32 to vector<16xi32>
            %shift_left3A_445 = arith.shli %xor3A_441, %shift_left3A_444 : vector<16xi32>
            %shift_right_logical3A_446 = arith.constant 8 : i32
            %shift_right_logical3A_447 = vector.broadcast %shift_right_logical3A_446 : i32 to vector<16xi32>
            %shift_right_logical3A_448 = arith.shrui %xor3A_441, %shift_right_logical3A_447 : vector<16xi32>
            %or3A_449 = arith.ori %shift_left3A_445, %shift_right_logical3A_448 : vector<16xi32>
            %xor3A_450 = arith.xori %or3A_449, %add3A_442 : vector<16xi32>
            %add3A_451 = arith.constant 42 : i32
            %add3A_452 = vector.broadcast %add3A_451 : i32 to vector<16xi32>
            %add3A_453 = arith.addi %add3A_442, %add3A_452 : vector<16xi32>
            %add3A_454 = arith.constant 466689012 : i32
            %add3A_455 = vector.broadcast %add3A_454 : i32 to vector<16xi32>
            %add3A_456 = arith.addi %xor3A_450, %add3A_455 : vector<16xi32>
            %add3A_457 = arith.addi %add3A_453, %add3A_456 : vector<16xi32>
            %shift_left3A_458 = arith.constant 13 : i32
            %shift_left3A_459 = vector.broadcast %shift_left3A_458 : i32 to vector<16xi32>
            %shift_left3A_460 = arith.shli %add3A_456, %shift_left3A_459 : vector<16xi32>
            %shift_right_logical3A_461 = arith.constant 19 : i32
            %shift_right_logical3A_462 = vector.broadcast %shift_right_logical3A_461 : i32 to vector<16xi32>
            %shift_right_logical3A_463 = arith.shrui %add3A_456, %shift_right_logical3A_462 : vector<16xi32>
            %or3A_464 = arith.ori %shift_left3A_460, %shift_right_logical3A_463 : vector<16xi32>
            %xor3A_465 = arith.xori %or3A_464, %add3A_457 : vector<16xi32>
            %add3A_466 = arith.addi %add3A_457, %xor3A_465 : vector<16xi32>
            %shift_left3A_467 = arith.constant 15 : i32
            %shift_left3A_468 = vector.broadcast %shift_left3A_467 : i32 to vector<16xi32>
            %shift_left3A_469 = arith.shli %xor3A_465, %shift_left3A_468 : vector<16xi32>
            %shift_right_logical3A_470 = arith.constant 17 : i32
            %shift_right_logical3A_471 = vector.broadcast %shift_right_logical3A_470 : i32 to vector<16xi32>
            %shift_right_logical3A_472 = arith.shrui %xor3A_465, %shift_right_logical3A_471 : vector<16xi32>
            %or3A_473 = arith.ori %shift_left3A_469, %shift_right_logical3A_472 : vector<16xi32>
            %xor3A_474 = arith.xori %or3A_473, %add3A_466 : vector<16xi32>
            %add3A_475 = arith.addi %add3A_466, %xor3A_474 : vector<16xi32>
            %shift_left3A_476 = arith.constant 26 : i32
            %shift_left3A_477 = vector.broadcast %shift_left3A_476 : i32 to vector<16xi32>
            %shift_left3A_478 = arith.shli %xor3A_474, %shift_left3A_477 : vector<16xi32>
            %shift_right_logical3A_479 = arith.constant 6 : i32
            %shift_right_logical3A_480 = vector.broadcast %shift_right_logical3A_479 : i32 to vector<16xi32>
            %shift_right_logical3A_481 = arith.shrui %xor3A_474, %shift_right_logical3A_480 : vector<16xi32>
            %or3A_482 = arith.ori %shift_left3A_478, %shift_right_logical3A_481 : vector<16xi32>
            %xor3A_483 = arith.xori %or3A_482, %add3A_475 : vector<16xi32>
            %add3A_484 = arith.addi %add3A_475, %xor3A_483 : vector<16xi32>
            %shift_left3A_485 = arith.constant 6 : i32
            %shift_left3A_486 = vector.broadcast %shift_left3A_485 : i32 to vector<16xi32>
            %shift_left3A_487 = arith.shli %xor3A_483, %shift_left3A_486 : vector<16xi32>
            %shift_right_logical3A_488 = arith.constant 26 : i32
            %shift_right_logical3A_489 = vector.broadcast %shift_right_logical3A_488 : i32 to vector<16xi32>
            %shift_right_logical3A_490 = arith.shrui %xor3A_483, %shift_right_logical3A_489 : vector<16xi32>
            %or3A_491 = arith.ori %shift_left3A_487, %shift_right_logical3A_490 : vector<16xi32>
            %xor3A_492 = arith.xori %or3A_491, %add3A_484 : vector<16xi32>
            %add3A_493 = arith.constant 466689008 : i32
            %add3A_494 = vector.broadcast %add3A_493 : i32 to vector<16xi32>
            %add3A_495 = arith.addi %add3A_484, %add3A_494 : vector<16xi32>
            %add3A_496 = arith.constant 5 : i32
            %add3A_497 = vector.broadcast %add3A_496 : i32 to vector<16xi32>
            %add3A_498 = arith.addi %xor3A_492, %add3A_497 : vector<16xi32>
            %xor3A_499 = arith.xori %add3A_495, %add3A_498 : vector<16xi32>
            %shift_right_logical3A_500 = arith.constant 9 : i32
            %shift_right_logical3A_501 = vector.broadcast %shift_right_logical3A_500 : i32 to vector<16xi32>
            %shift_right_logical3A_502 = arith.shrui %xor3A_499, %shift_right_logical3A_501 : vector<16xi32>
            %mul3A_503 = arith.constant 16 : i32
            %mul3A_504 = arith.muli %add3A_284, %mul3A_503 : i32
            %get3A_505 = arith.index_cast %scan3A_35 : i32 to index
            %get3A_506 = arith.index_cast %mul3A_504 : i32 to index
            %get3A_507 = tpu.vector_load %arg6[%get3A_505, %get3A_506] {strides = array<i32>} : memref<16x320xi32, #tpu.memory_space<vmem>>, vector<1x16xi32>,
            %get3A_508 = vector.shape_cast %get3A_507 : vector<1x16xi32> to vector<16xi32>
            %lt3A_509 = arith.cmpi slt, %shift_right_logical3A_502, %get3A_508 : vector<16xi32>
            %jit3A_510 = arith.constant 1.000000e+00 : f32
            %jit3A_511 = arith.constant 0.000000e+00 : f32
            %broadcast_in_dim3A_512 = vector.broadcast %jit3A_510 : f32 to vector<16xf32>
            %broadcast_in_dim3A_513 = vector.broadcast %jit3A_511 : f32 to vector<16xf32>
            %select_n3A_514 = arith.select %lt3A_509, %broadcast_in_dim3A_512, %broadcast_in_dim3A_513 : vector<16xi1>, vector<16xf32>
            %mul3A_515 = arith.constant 16 : i32
            %mul3A_516 = arith.muli %add3A_284, %mul3A_515 : i32
            %swap3A_517 = arith.index_cast %scan3A_35 : i32 to index
            %swap3A_518 = arith.index_cast %mul3A_516 : i32 to index
            %swap3A_519 = tpu.vector_load %arg7[%swap3A_517, %swap3A_518] {strides = array<i32>} : memref<16x320xf32, #tpu.memory_space<vmem>>, vector<1x16xf32>,
            %swap3A_520 = vector.shape_cast %swap3A_519 : vector<1x16xf32> to vector<16xf32>
            %swap3A_521 = vector.shape_cast %select_n3A_514 : vector<16xf32> to vector<1x16xf32>
            tpu.vector_store %arg7[%swap3A_517, %swap3A_518], %swap3A_521 {strides = array<i32>} : memref<16x320xf32, #tpu.memory_space<vmem>>, vector<1x16xf32>,
            %mul3A_522 = arith.constant 5 : i32
            %mul3A_523 = arith.muli %scan3A_49, %mul3A_522 : i32
            %add3A_524 = arith.constant 2 : i32
            %add3A_525 = arith.addi %mul3A_523, %add3A_524 : i32
            %mul3A_526 = arith.constant 16 : i32
            %mul3A_527 = arith.muli %add3A_525, %mul3A_526 : i32
            %add3A_528 = arith.addi %add3A_43, %mul3A_527 : i32
            %add3A_529 = vector.broadcast %add3A_528 : i32 to vector<16xi32>
            %add3A_530 = arith.addi %iota3A, %add3A_529 : vector<16xi32>
            %shift_left3A_531 = arith.constant 13 : i32
            %shift_left3A_532 = vector.broadcast %shift_left3A_531 : i32 to vector<16xi32>
            %shift_left3A_533 = arith.shli %add3A_530, %shift_left3A_532 : vector<16xi32>
            %shift_right_logical3A_534 = arith.constant 19 : i32
            %shift_right_logical3A_535 = vector.broadcast %shift_right_logical3A_534 : i32 to vector<16xi32>
            %shift_right_logical3A_536 = arith.shrui %add3A_530, %shift_right_logical3A_535 : vector<16xi32>
            %or3A_537 = arith.ori %shift_left3A_533, %shift_right_logical3A_536 : vector<16xi32>
            %xor3A_538 = arith.xori %or3A_537, %add3A_530 : vector<16xi32>
            %add3A_539 = arith.addi %add3A_530, %xor3A_538 : vector<16xi32>
            %shift_left3A_540 = arith.constant 15 : i32
            %shift_left3A_541 = vector.broadcast %shift_left3A_540 : i32 to vector<16xi32>
            %shift_left3A_542 = arith.shli %xor3A_538, %shift_left3A_541 : vector<16xi32>
            %shift_right_logical3A_543 = arith.constant 17 : i32
            %shift_right_logical3A_544 = vector.broadcast %shift_right_logical3A_543 : i32 to vector<16xi32>
            %shift_right_logical3A_545 = arith.shrui %xor3A_538, %shift_right_logical3A_544 : vector<16xi32>
            %or3A_546 = arith.ori %shift_left3A_542, %shift_right_logical3A_545 : vector<16xi32>
            %xor3A_547 = arith.xori %or3A_546, %add3A_539 : vector<16xi32>
            %add3A_548 = arith.addi %add3A_539, %xor3A_547 : vector<16xi32>
            %shift_left3A_549 = arith.constant 26 : i32
            %shift_left3A_550 = vector.broadcast %shift_left3A_549 : i32 to vector<16xi32>
            %shift_left3A_551 = arith.shli %xor3A_547, %shift_left3A_550 : vector<16xi32>
            %shift_right_logical3A_552 = arith.constant 6 : i32
            %shift_right_logical3A_553 = vector.broadcast %shift_right_logical3A_552 : i32 to vector<16xi32>
            %shift_right_logical3A_554 = arith.shrui %xor3A_547, %shift_right_logical3A_553 : vector<16xi32>
            %or3A_555 = arith.ori %shift_left3A_551, %shift_right_logical3A_554 : vector<16xi32>
            %xor3A_556 = arith.xori %or3A_555, %add3A_548 : vector<16xi32>
            %add3A_557 = arith.addi %add3A_548, %xor3A_556 : vector<16xi32>
            %shift_left3A_558 = arith.constant 6 : i32
            %shift_left3A_559 = vector.broadcast %shift_left3A_558 : i32 to vector<16xi32>
            %shift_left3A_560 = arith.shli %xor3A_556, %shift_left3A_559 : vector<16xi32>
            %shift_right_logical3A_561 = arith.constant 26 : i32
            %shift_right_logical3A_562 = vector.broadcast %shift_right_logical3A_561 : i32 to vector<16xi32>
            %shift_right_logical3A_563 = arith.shrui %xor3A_556, %shift_right_logical3A_562 : vector<16xi32>
            %or3A_564 = arith.ori %shift_left3A_560, %shift_right_logical3A_563 : vector<16xi32>
            %xor3A_565 = arith.xori %or3A_564, %add3A_557 : vector<16xi32>
            %add3A_566 = arith.constant 42 : i32
            %add3A_567 = vector.broadcast %add3A_566 : i32 to vector<16xi32>
            %add3A_568 = arith.addi %add3A_557, %add3A_567 : vector<16xi32>
            %add3A_569 = arith.constant 466689009 : i32
            %add3A_570 = vector.broadcast %add3A_569 : i32 to vector<16xi32>
            %add3A_571 = arith.addi %xor3A_565, %add3A_570 : vector<16xi32>
            %add3A_572 = arith.addi %add3A_568, %add3A_571 : vector<16xi32>
            %shift_left3A_573 = arith.constant 17 : i32
            %shift_left3A_574 = vector.broadcast %shift_left3A_573 : i32 to vector<16xi32>
            %shift_left3A_575 = arith.shli %add3A_571, %shift_left3A_574 : vector<16xi32>
            %shift_right_logical3A_576 = arith.constant 15 : i32
            %shift_right_logical3A_577 = vector.broadcast %shift_right_logical3A_576 : i32 to vector<16xi32>
            %shift_right_logical3A_578 = arith.shrui %add3A_571, %shift_right_logical3A_577 : vector<16xi32>
            %or3A_579 = arith.ori %shift_left3A_575, %shift_right_logical3A_578 : vector<16xi32>
            %xor3A_580 = arith.xori %or3A_579, %add3A_572 : vector<16xi32>
            %add3A_581 = arith.addi %add3A_572, %xor3A_580 : vector<16xi32>
            %shift_left3A_582 = arith.constant 29 : i32
            %shift_left3A_583 = vector.broadcast %shift_left3A_582 : i32 to vector<16xi32>
            %shift_left3A_584 = arith.shli %xor3A_580, %shift_left3A_583 : vector<16xi32>
            %shift_right_logical3A_585 = arith.constant 3 : i32
            %shift_right_logical3A_586 = vector.broadcast %shift_right_logical3A_585 : i32 to vector<16xi32>
            %shift_right_logical3A_587 = arith.shrui %xor3A_580, %shift_right_logical3A_586 : vector<16xi32>
            %or3A_588 = arith.ori %shift_left3A_584, %shift_right_logical3A_587 : vector<16xi32>
            %xor3A_589 = arith.xori %or3A_588, %add3A_581 : vector<16xi32>
            %add3A_590 = arith.addi %add3A_581, %xor3A_589 : vector<16xi32>
            %shift_left3A_591 = arith.constant 16 : i32
            %shift_left3A_592 = vector.broadcast %shift_left3A_591 : i32 to vector<16xi32>
            %shift_left3A_593 = arith.shli %xor3A_589, %shift_left3A_592 : vector<16xi32>
            %shift_right_logical3A_594 = arith.constant 16 : i32
            %shift_right_logical3A_595 = vector.broadcast %shift_right_logical3A_594 : i32 to vector<16xi32>
            %shift_right_logical3A_596 = arith.shrui %xor3A_589, %shift_right_logical3A_595 : vector<16xi32>
            %or3A_597 = arith.ori %shift_left3A_593, %shift_right_logical3A_596 : vector<16xi32>
            %xor3A_598 = arith.xori %or3A_597, %add3A_590 : vector<16xi32>
            %add3A_599 = arith.addi %add3A_590, %xor3A_598 : vector<16xi32>
            %shift_left3A_600 = arith.constant 24 : i32
            %shift_left3A_601 = vector.broadcast %shift_left3A_600 : i32 to vector<16xi32>
            %shift_left3A_602 = arith.shli %xor3A_598, %shift_left3A_601 : vector<16xi32>
            %shift_right_logical3A_603 = arith.constant 8 : i32
            %shift_right_logical3A_604 = vector.broadcast %shift_right_logical3A_603 : i32 to vector<16xi32>
            %shift_right_logical3A_605 = arith.shrui %xor3A_598, %shift_right_logical3A_604 : vector<16xi32>
            %or3A_606 = arith.ori %shift_left3A_602, %shift_right_logical3A_605 : vector<16xi32>
            %xor3A_607 = arith.xori %or3A_606, %add3A_599 : vector<16xi32>
            %add3A_608 = arith.constant 466689008 : i32
            %add3A_609 = vector.broadcast %add3A_608 : i32 to vector<16xi32>
            %add3A_610 = arith.addi %add3A_599, %add3A_609 : vector<16xi32>
            %add3A_611 = arith.constant 2 : i32
            %add3A_612 = vector.broadcast %add3A_611 : i32 to vector<16xi32>
            %add3A_613 = arith.addi %xor3A_607, %add3A_612 : vector<16xi32>
            %add3A_614 = arith.addi %add3A_610, %add3A_613 : vector<16xi32>
            %shift_left3A_615 = arith.constant 13 : i32
            %shift_left3A_616 = vector.broadcast %shift_left3A_615 : i32 to vector<16xi32>
            %shift_left3A_617 = arith.shli %add3A_613, %shift_left3A_616 : vector<16xi32>
            %shift_right_logical3A_618 = arith.constant 19 : i32
            %shift_right_logical3A_619 = vector.broadcast %shift_right_logical3A_618 : i32 to vector<16xi32>
            %shift_right_logical3A_620 = arith.shrui %add3A_613, %shift_right_logical3A_619 : vector<16xi32>
            %or3A_621 = arith.ori %shift_left3A_617, %shift_right_logical3A_620 : vector<16xi32>
            %xor3A_622 = arith.xori %or3A_621, %add3A_614 : vector<16xi32>
            %add3A_623 = arith.addi %add3A_614, %xor3A_622 : vector<16xi32>
            %shift_left3A_624 = arith.constant 15 : i32
            %shift_left3A_625 = vector.broadcast %shift_left3A_624 : i32 to vector<16xi32>
            %shift_left3A_626 = arith.shli %xor3A_622, %shift_left3A_625 : vector<16xi32>
            %shift_right_logical3A_627 = arith.constant 17 : i32
            %shift_right_logical3A_628 = vector.broadcast %shift_right_logical3A_627 : i32 to vector<16xi32>
            %shift_right_logical3A_629 = arith.shrui %xor3A_622, %shift_right_logical3A_628 : vector<16xi32>
            %or3A_630 = arith.ori %shift_left3A_626, %shift_right_logical3A_629 : vector<16xi32>
            %xor3A_631 = arith.xori %or3A_630, %add3A_623 : vector<16xi32>
            %add3A_632 = arith.addi %add3A_623, %xor3A_631 : vector<16xi32>
            %shift_left3A_633 = arith.constant 26 : i32
            %shift_left3A_634 = vector.broadcast %shift_left3A_633 : i32 to vector<16xi32>
            %shift_left3A_635 = arith.shli %xor3A_631, %shift_left3A_634 : vector<16xi32>
            %shift_right_logical3A_636 = arith.constant 6 : i32
            %shift_right_logical3A_637 = vector.broadcast %shift_right_logical3A_636 : i32 to vector<16xi32>
            %shift_right_logical3A_638 = arith.shrui %xor3A_631, %shift_right_logical3A_637 : vector<16xi32>
            %or3A_639 = arith.ori %shift_left3A_635, %shift_right_logical3A_638 : vector<16xi32>
            %xor3A_640 = arith.xori %or3A_639, %add3A_632 : vector<16xi32>
            %add3A_641 = arith.addi %add3A_632, %xor3A_640 : vector<16xi32>
            %shift_left3A_642 = arith.constant 6 : i32
            %shift_left3A_643 = vector.broadcast %shift_left3A_642 : i32 to vector<16xi32>
            %shift_left3A_644 = arith.shli %xor3A_640, %shift_left3A_643 : vector<16xi32>
            %shift_right_logical3A_645 = arith.constant 26 : i32
            %shift_right_logical3A_646 = vector.broadcast %shift_right_logical3A_645 : i32 to vector<16xi32>
            %shift_right_logical3A_647 = arith.shrui %xor3A_640, %shift_right_logical3A_646 : vector<16xi32>
            %or3A_648 = arith.ori %shift_left3A_644, %shift_right_logical3A_647 : vector<16xi32>
            %xor3A_649 = arith.xori %or3A_648, %add3A_641 : vector<16xi32>
            %add3A_650 = arith.constant 0 : i32
            %add3A_651 = vector.broadcast %add3A_650 : i32 to vector<16xi32>
            %add3A_652 = arith.addi %add3A_641, %add3A_651 : vector<16xi32>
            %add3A_653 = arith.constant 45 : i32
            %add3A_654 = vector.broadcast %add3A_653 : i32 to vector<16xi32>
            %add3A_655 = arith.addi %xor3A_649, %add3A_654 : vector<16xi32>
            %add3A_656 = arith.addi %add3A_652, %add3A_655 : vector<16xi32>
            %shift_left3A_657 = arith.constant 17 : i32
            %shift_left3A_658 = vector.broadcast %shift_left3A_657 : i32 to vector<16xi32>
            %shift_left3A_659 = arith.shli %add3A_655, %shift_left3A_658 : vector<16xi32>
            %shift_right_logical3A_660 = arith.constant 15 : i32
            %shift_right_logical3A_661 = vector.broadcast %shift_right_logical3A_660 : i32 to vector<16xi32>
            %shift_right_logical3A_662 = arith.shrui %add3A_655, %shift_right_logical3A_661 : vector<16xi32>
            %or3A_663 = arith.ori %shift_left3A_659, %shift_right_logical3A_662 : vector<16xi32>
            %xor3A_664 = arith.xori %or3A_663, %add3A_656 : vector<16xi32>
            %add3A_665 = arith.addi %add3A_656, %xor3A_664 : vector<16xi32>
            %shift_left3A_666 = arith.constant 29 : i32
            %shift_left3A_667 = vector.broadcast %shift_left3A_666 : i32 to vector<16xi32>
            %shift_left3A_668 = arith.shli %xor3A_664, %shift_left3A_667 : vector<16xi32>
            %shift_right_logical3A_669 = arith.constant 3 : i32
            %shift_right_logical3A_670 = vector.broadcast %shift_right_logical3A_669 : i32 to vector<16xi32>
            %shift_right_logical3A_671 = arith.shrui %xor3A_664, %shift_right_logical3A_670 : vector<16xi32>
            %or3A_672 = arith.ori %shift_left3A_668, %shift_right_logical3A_671 : vector<16xi32>
            %xor3A_673 = arith.xori %or3A_672, %add3A_665 : vector<16xi32>
            %add3A_674 = arith.addi %add3A_665, %xor3A_673 : vector<16xi32>
            %shift_left3A_675 = arith.constant 16 : i32
            %shift_left3A_676 = vector.broadcast %shift_left3A_675 : i32 to vector<16xi32>
            %shift_left3A_677 = arith.shli %xor3A_673, %shift_left3A_676 : vector<16xi32>
            %shift_right_logical3A_678 = arith.constant 16 : i32
            %shift_right_logical3A_679 = vector.broadcast %shift_right_logical3A_678 : i32 to vector<16xi32>
            %shift_right_logical3A_680 = arith.shrui %xor3A_673, %shift_right_logical3A_679 : vector<16xi32>
            %or3A_681 = arith.ori %shift_left3A_677, %shift_right_logical3A_680 : vector<16xi32>
            %xor3A_682 = arith.xori %or3A_681, %add3A_674 : vector<16xi32>
            %add3A_683 = arith.addi %add3A_674, %xor3A_682 : vector<16xi32>
            %shift_left3A_684 = arith.constant 24 : i32
            %shift_left3A_685 = vector.broadcast %shift_left3A_684 : i32 to vector<16xi32>
            %shift_left3A_686 = arith.shli %xor3A_682, %shift_left3A_685 : vector<16xi32>
            %shift_right_logical3A_687 = arith.constant 8 : i32
            %shift_right_logical3A_688 = vector.broadcast %shift_right_logical3A_687 : i32 to vector<16xi32>
            %shift_right_logical3A_689 = arith.shrui %xor3A_682, %shift_right_logical3A_688 : vector<16xi32>
            %or3A_690 = arith.ori %shift_left3A_686, %shift_right_logical3A_689 : vector<16xi32>
            %xor3A_691 = arith.xori %or3A_690, %add3A_683 : vector<16xi32>
            %add3A_692 = arith.constant 42 : i32
            %add3A_693 = vector.broadcast %add3A_692 : i32 to vector<16xi32>
            %add3A_694 = arith.addi %add3A_683, %add3A_693 : vector<16xi32>
            %add3A_695 = arith.constant 466689012 : i32
            %add3A_696 = vector.broadcast %add3A_695 : i32 to vector<16xi32>
            %add3A_697 = arith.addi %xor3A_691, %add3A_696 : vector<16xi32>
            %add3A_698 = arith.addi %add3A_694, %add3A_697 : vector<16xi32>
            %shift_left3A_699 = arith.constant 13 : i32
            %shift_left3A_700 = vector.broadcast %shift_left3A_699 : i32 to vector<16xi32>
            %shift_left3A_701 = arith.shli %add3A_697, %shift_left3A_700 : vector<16xi32>
            %shift_right_logical3A_702 = arith.constant 19 : i32
            %shift_right_logical3A_703 = vector.broadcast %shift_right_logical3A_702 : i32 to vector<16xi32>
            %shift_right_logical3A_704 = arith.shrui %add3A_697, %shift_right_logical3A_703 : vector<16xi32>
            %or3A_705 = arith.ori %shift_left3A_701, %shift_right_logical3A_704 : vector<16xi32>
            %xor3A_706 = arith.xori %or3A_705, %add3A_698 : vector<16xi32>
            %add3A_707 = arith.addi %add3A_698, %xor3A_706 : vector<16xi32>
            %shift_left3A_708 = arith.constant 15 : i32
            %shift_left3A_709 = vector.broadcast %shift_left3A_708 : i32 to vector<16xi32>
            %shift_left3A_710 = arith.shli %xor3A_706, %shift_left3A_709 : vector<16xi32>
            %shift_right_logical3A_711 = arith.constant 17 : i32
            %shift_right_logical3A_712 = vector.broadcast %shift_right_logical3A_711 : i32 to vector<16xi32>
            %shift_right_logical3A_713 = arith.shrui %xor3A_706, %shift_right_logical3A_712 : vector<16xi32>
            %or3A_714 = arith.ori %shift_left3A_710, %shift_right_logical3A_713 : vector<16xi32>
            %xor3A_715 = arith.xori %or3A_714, %add3A_707 : vector<16xi32>
            %add3A_716 = arith.addi %add3A_707, %xor3A_715 : vector<16xi32>
            %shift_left3A_717 = arith.constant 26 : i32
            %shift_left3A_718 = vector.broadcast %shift_left3A_717 : i32 to vector<16xi32>
            %shift_left3A_719 = arith.shli %xor3A_715, %shift_left3A_718 : vector<16xi32>
            %shift_right_logical3A_720 = arith.constant 6 : i32
            %shift_right_logical3A_721 = vector.broadcast %shift_right_logical3A_720 : i32 to vector<16xi32>
            %shift_right_logical3A_722 = arith.shrui %xor3A_715, %shift_right_logical3A_721 : vector<16xi32>
            %or3A_723 = arith.ori %shift_left3A_719, %shift_right_logical3A_722 : vector<16xi32>
            %xor3A_724 = arith.xori %or3A_723, %add3A_716 : vector<16xi32>
            %add3A_725 = arith.addi %add3A_716, %xor3A_724 : vector<16xi32>
            %shift_left3A_726 = arith.constant 6 : i32
            %shift_left3A_727 = vector.broadcast %shift_left3A_726 : i32 to vector<16xi32>
            %shift_left3A_728 = arith.shli %xor3A_724, %shift_left3A_727 : vector<16xi32>
            %shift_right_logical3A_729 = arith.constant 26 : i32
            %shift_right_logical3A_730 = vector.broadcast %shift_right_logical3A_729 : i32 to vector<16xi32>
            %shift_right_logical3A_731 = arith.shrui %xor3A_724, %shift_right_logical3A_730 : vector<16xi32>
            %or3A_732 = arith.ori %shift_left3A_728, %shift_right_logical3A_731 : vector<16xi32>
            %xor3A_733 = arith.xori %or3A_732, %add3A_725 : vector<16xi32>
            %add3A_734 = arith.constant 466689008 : i32
            %add3A_735 = vector.broadcast %add3A_734 : i32 to vector<16xi32>
            %add3A_736 = arith.addi %add3A_725, %add3A_735 : vector<16xi32>
            %add3A_737 = arith.constant 5 : i32
            %add3A_738 = vector.broadcast %add3A_737 : i32 to vector<16xi32>
            %add3A_739 = arith.addi %xor3A_733, %add3A_738 : vector<16xi32>
            %xor3A_740 = arith.xori %add3A_736, %add3A_739 : vector<16xi32>
            %shift_right_logical3A_741 = arith.constant 9 : i32
            %shift_right_logical3A_742 = vector.broadcast %shift_right_logical3A_741 : i32 to vector<16xi32>
            %shift_right_logical3A_743 = arith.shrui %xor3A_740, %shift_right_logical3A_742 : vector<16xi32>
            %mul3A_744 = arith.constant 16 : i32
            %mul3A_745 = arith.muli %add3A_525, %mul3A_744 : i32
            %get3A_746 = arith.index_cast %scan3A_35 : i32 to index
            %get3A_747 = arith.index_cast %mul3A_745 : i32 to index
            %get3A_748 = tpu.vector_load %arg6[%get3A_746, %get3A_747] {strides = array<i32>} : memref<16x320xi32, #tpu.memory_space<vmem>>, vector<1x16xi32>,
            %get3A_749 = vector.shape_cast %get3A_748 : vector<1x16xi32> to vector<16xi32>
            %lt3A_750 = arith.cmpi slt, %shift_right_logical3A_743, %get3A_749 : vector<16xi32>
            %jit3A_751 = arith.constant 1.000000e+00 : f32
            %jit3A_752 = arith.constant 0.000000e+00 : f32
            %broadcast_in_dim3A_753 = vector.broadcast %jit3A_751 : f32 to vector<16xf32>
            %broadcast_in_dim3A_754 = vector.broadcast %jit3A_752 : f32 to vector<16xf32>
            %select_n3A_755 = arith.select %lt3A_750, %broadcast_in_dim3A_753, %broadcast_in_dim3A_754 : vector<16xi1>, vector<16xf32>
            %mul3A_756 = arith.constant 16 : i32
            %mul3A_757 = arith.muli %add3A_525, %mul3A_756 : i32
            %swap3A_758 = arith.index_cast %scan3A_35 : i32 to index
            %swap3A_759 = arith.index_cast %mul3A_757 : i32 to index
            %swap3A_760 = tpu.vector_load %arg7[%swap3A_758, %swap3A_759] {strides = array<i32>} : memref<16x320xf32, #tpu.memory_space<vmem>>, vector<1x16xf32>,
            %swap3A_761 = vector.shape_cast %swap3A_760 : vector<1x16xf32> to vector<16xf32>
            %swap3A_762 = vector.shape_cast %select_n3A_755 : vector<16xf32> to vector<1x16xf32>
            tpu.vector_store %arg7[%swap3A_758, %swap3A_759], %swap3A_762 {strides = array<i32>} : memref<16x320xf32, #tpu.memory_space<vmem>>, vector<1x16xf32>,
            %mul3A_763 = arith.constant 5 : i32
            %mul3A_764 = arith.muli %scan3A_49, %mul3A_763 : i32
            %add3A_765 = arith.constant 3 : i32
            %add3A_766 = arith.addi %mul3A_764, %add3A_765 : i32
            %mul3A_767 = arith.constant 16 : i32
            %mul3A_768 = arith.muli %add3A_766, %mul3A_767 : i32
            %add3A_769 = arith.addi %add3A_43, %mul3A_768 : i32
            %add3A_770 = vector.broadcast %add3A_769 : i32 to vector<16xi32>
            %add3A_771 = arith.addi %iota3A, %add3A_770 : vector<16xi32>
            %shift_left3A_772 = arith.constant 13 : i32
            %shift_left3A_773 = vector.broadcast %shift_left3A_772 : i32 to vector<16xi32>
            %shift_left3A_774 = arith.shli %add3A_771, %shift_left3A_773 : vector<16xi32>
            %shift_right_logical3A_775 = arith.constant 19 : i32
            %shift_right_logical3A_776 = vector.broadcast %shift_right_logical3A_775 : i32 to vector<16xi32>
            %shift_right_logical3A_777 = arith.shrui %add3A_771, %shift_right_logical3A_776 : vector<16xi32>
            %or3A_778 = arith.ori %shift_left3A_774, %shift_right_logical3A_777 : vector<16xi32>
            %xor3A_779 = arith.xori %or3A_778, %add3A_771 : vector<16xi32>
            %add3A_780 = arith.addi %add3A_771, %xor3A_779 : vector<16xi32>
            %shift_left3A_781 = arith.constant 15 : i32
            %shift_left3A_782 = vector.broadcast %shift_left3A_781 : i32 to vector<16xi32>
            %shift_left3A_783 = arith.shli %xor3A_779, %shift_left3A_782 : vector<16xi32>
            %shift_right_logical3A_784 = arith.constant 17 : i32
            %shift_right_logical3A_785 = vector.broadcast %shift_right_logical3A_784 : i32 to vector<16xi32>
            %shift_right_logical3A_786 = arith.shrui %xor3A_779, %shift_right_logical3A_785 : vector<16xi32>
            %or3A_787 = arith.ori %shift_left3A_783, %shift_right_logical3A_786 : vector<16xi32>
            %xor3A_788 = arith.xori %or3A_787, %add3A_780 : vector<16xi32>
            %add3A_789 = arith.addi %add3A_780, %xor3A_788 : vector<16xi32>
            %shift_left3A_790 = arith.constant 26 : i32
            %shift_left3A_791 = vector.broadcast %shift_left3A_790 : i32 to vector<16xi32>
            %shift_left3A_792 = arith.shli %xor3A_788, %shift_left3A_791 : vector<16xi32>
            %shift_right_logical3A_793 = arith.constant 6 : i32
            %shift_right_logical3A_794 = vector.broadcast %shift_right_logical3A_793 : i32 to vector<16xi32>
            %shift_right_logical3A_795 = arith.shrui %xor3A_788, %shift_right_logical3A_794 : vector<16xi32>
            %or3A_796 = arith.ori %shift_left3A_792, %shift_right_logical3A_795 : vector<16xi32>
            %xor3A_797 = arith.xori %or3A_796, %add3A_789 : vector<16xi32>
            %add3A_798 = arith.addi %add3A_789, %xor3A_797 : vector<16xi32>
            %shift_left3A_799 = arith.constant 6 : i32
            %shift_left3A_800 = vector.broadcast %shift_left3A_799 : i32 to vector<16xi32>
            %shift_left3A_801 = arith.shli %xor3A_797, %shift_left3A_800 : vector<16xi32>
            %shift_right_logical3A_802 = arith.constant 26 : i32
            %shift_right_logical3A_803 = vector.broadcast %shift_right_logical3A_802 : i32 to vector<16xi32>
            %shift_right_logical3A_804 = arith.shrui %xor3A_797, %shift_right_logical3A_803 : vector<16xi32>
            %or3A_805 = arith.ori %shift_left3A_801, %shift_right_logical3A_804 : vector<16xi32>
            %xor3A_806 = arith.xori %or3A_805, %add3A_798 : vector<16xi32>
            %add3A_807 = arith.constant 42 : i32
            %add3A_808 = vector.broadcast %add3A_807 : i32 to vector<16xi32>
            %add3A_809 = arith.addi %add3A_798, %add3A_808 : vector<16xi32>
            %add3A_810 = arith.constant 466689009 : i32
            %add3A_811 = vector.broadcast %add3A_810 : i32 to vector<16xi32>
            %add3A_812 = arith.addi %xor3A_806, %add3A_811 : vector<16xi32>
            %add3A_813 = arith.addi %add3A_809, %add3A_812 : vector<16xi32>
            %shift_left3A_814 = arith.constant 17 : i32
            %shift_left3A_815 = vector.broadcast %shift_left3A_814 : i32 to vector<16xi32>
            %shift_left3A_816 = arith.shli %add3A_812, %shift_left3A_815 : vector<16xi32>
            %shift_right_logical3A_817 = arith.constant 15 : i32
            %shift_right_logical3A_818 = vector.broadcast %shift_right_logical3A_817 : i32 to vector<16xi32>
            %shift_right_logical3A_819 = arith.shrui %add3A_812, %shift_right_logical3A_818 : vector<16xi32>
            %or3A_820 = arith.ori %shift_left3A_816, %shift_right_logical3A_819 : vector<16xi32>
            %xor3A_821 = arith.xori %or3A_820, %add3A_813 : vector<16xi32>
            %add3A_822 = arith.addi %add3A_813, %xor3A_821 : vector<16xi32>
            %shift_left3A_823 = arith.constant 29 : i32
            %shift_left3A_824 = vector.broadcast %shift_left3A_823 : i32 to vector<16xi32>
            %shift_left3A_825 = arith.shli %xor3A_821, %shift_left3A_824 : vector<16xi32>
            %shift_right_logical3A_826 = arith.constant 3 : i32
            %shift_right_logical3A_827 = vector.broadcast %shift_right_logical3A_826 : i32 to vector<16xi32>
            %shift_right_logical3A_828 = arith.shrui %xor3A_821, %shift_right_logical3A_827 : vector<16xi32>
            %or3A_829 = arith.ori %shift_left3A_825, %shift_right_logical3A_828 : vector<16xi32>
            %xor3A_830 = arith.xori %or3A_829, %add3A_822 : vector<16xi32>
            %add3A_831 = arith.addi %add3A_822, %xor3A_830 : vector<16xi32>
            %shift_left3A_832 = arith.constant 16 : i32
            %shift_left3A_833 = vector.broadcast %shift_left3A_832 : i32 to vector<16xi32>
            %shift_left3A_834 = arith.shli %xor3A_830, %shift_left3A_833 : vector<16xi32>
            %shift_right_logical3A_835 = arith.constant 16 : i32
            %shift_right_logical3A_836 = vector.broadcast %shift_right_logical3A_835 : i32 to vector<16xi32>
            %shift_right_logical3A_837 = arith.shrui %xor3A_830, %shift_right_logical3A_836 : vector<16xi32>
            %or3A_838 = arith.ori %shift_left3A_834, %shift_right_logical3A_837 : vector<16xi32>
            %xor3A_839 = arith.xori %or3A_838, %add3A_831 : vector<16xi32>
            %add3A_840 = arith.addi %add3A_831, %xor3A_839 : vector<16xi32>
            %shift_left3A_841 = arith.constant 24 : i32
            %shift_left3A_842 = vector.broadcast %shift_left3A_841 : i32 to vector<16xi32>
            %shift_left3A_843 = arith.shli %xor3A_839, %shift_left3A_842 : vector<16xi32>
            %shift_right_logical3A_844 = arith.constant 8 : i32
            %shift_right_logical3A_845 = vector.broadcast %shift_right_logical3A_844 : i32 to vector<16xi32>
            %shift_right_logical3A_846 = arith.shrui %xor3A_839, %shift_right_logical3A_845 : vector<16xi32>
            %or3A_847 = arith.ori %shift_left3A_843, %shift_right_logical3A_846 : vector<16xi32>
            %xor3A_848 = arith.xori %or3A_847, %add3A_840 : vector<16xi32>
            %add3A_849 = arith.constant 466689008 : i32
            %add3A_850 = vector.broadcast %add3A_849 : i32 to vector<16xi32>
            %add3A_851 = arith.addi %add3A_840, %add3A_850 : vector<16xi32>
            %add3A_852 = arith.constant 2 : i32
            %add3A_853 = vector.broadcast %add3A_852 : i32 to vector<16xi32>
            %add3A_854 = arith.addi %xor3A_848, %add3A_853 : vector<16xi32>
            %add3A_855 = arith.addi %add3A_851, %add3A_854 : vector<16xi32>
            %shift_left3A_856 = arith.constant 13 : i32
            %shift_left3A_857 = vector.broadcast %shift_left3A_856 : i32 to vector<16xi32>
            %shift_left3A_858 = arith.shli %add3A_854, %shift_left3A_857 : vector<16xi32>
            %shift_right_logical3A_859 = arith.constant 19 : i32
            %shift_right_logical3A_860 = vector.broadcast %shift_right_logical3A_859 : i32 to vector<16xi32>
            %shift_right_logical3A_861 = arith.shrui %add3A_854, %shift_right_logical3A_860 : vector<16xi32>
            %or3A_862 = arith.ori %shift_left3A_858, %shift_right_logical3A_861 : vector<16xi32>
            %xor3A_863 = arith.xori %or3A_862, %add3A_855 : vector<16xi32>
            %add3A_864 = arith.addi %add3A_855, %xor3A_863 : vector<16xi32>
            %shift_left3A_865 = arith.constant 15 : i32
            %shift_left3A_866 = vector.broadcast %shift_left3A_865 : i32 to vector<16xi32>
            %shift_left3A_867 = arith.shli %xor3A_863, %shift_left3A_866 : vector<16xi32>
            %shift_right_logical3A_868 = arith.constant 17 : i32
            %shift_right_logical3A_869 = vector.broadcast %shift_right_logical3A_868 : i32 to vector<16xi32>
            %shift_right_logical3A_870 = arith.shrui %xor3A_863, %shift_right_logical3A_869 : vector<16xi32>
            %or3A_871 = arith.ori %shift_left3A_867, %shift_right_logical3A_870 : vector<16xi32>
            %xor3A_872 = arith.xori %or3A_871, %add3A_864 : vector<16xi32>
            %add3A_873 = arith.addi %add3A_864, %xor3A_872 : vector<16xi32>
            %shift_left3A_874 = arith.constant 26 : i32
            %shift_left3A_875 = vector.broadcast %shift_left3A_874 : i32 to vector<16xi32>
            %shift_left3A_876 = arith.shli %xor3A_872, %shift_left3A_875 : vector<16xi32>
            %shift_right_logical3A_877 = arith.constant 6 : i32
            %shift_right_logical3A_878 = vector.broadcast %shift_right_logical3A_877 : i32 to vector<16xi32>
            %shift_right_logical3A_879 = arith.shrui %xor3A_872, %shift_right_logical3A_878 : vector<16xi32>
            %or3A_880 = arith.ori %shift_left3A_876, %shift_right_logical3A_879 : vector<16xi32>
            %xor3A_881 = arith.xori %or3A_880, %add3A_873 : vector<16xi32>
            %add3A_882 = arith.addi %add3A_873, %xor3A_881 : vector<16xi32>
            %shift_left3A_883 = arith.constant 6 : i32
            %shift_left3A_884 = vector.broadcast %shift_left3A_883 : i32 to vector<16xi32>
            %shift_left3A_885 = arith.shli %xor3A_881, %shift_left3A_884 : vector<16xi32>
            %shift_right_logical3A_886 = arith.constant 26 : i32
            %shift_right_logical3A_887 = vector.broadcast %shift_right_logical3A_886 : i32 to vector<16xi32>
            %shift_right_logical3A_888 = arith.shrui %xor3A_881, %shift_right_logical3A_887 : vector<16xi32>
            %or3A_889 = arith.ori %shift_left3A_885, %shift_right_logical3A_888 : vector<16xi32>
            %xor3A_890 = arith.xori %or3A_889, %add3A_882 : vector<16xi32>
            %add3A_891 = arith.constant 0 : i32
            %add3A_892 = vector.broadcast %add3A_891 : i32 to vector<16xi32>
            %add3A_893 = arith.addi %add3A_882, %add3A_892 : vector<16xi32>
            %add3A_894 = arith.constant 45 : i32
            %add3A_895 = vector.broadcast %add3A_894 : i32 to vector<16xi32>
            %add3A_896 = arith.addi %xor3A_890, %add3A_895 : vector<16xi32>
            %add3A_897 = arith.addi %add3A_893, %add3A_896 : vector<16xi32>
            %shift_left3A_898 = arith.constant 17 : i32
            %shift_left3A_899 = vector.broadcast %shift_left3A_898 : i32 to vector<16xi32>
            %shift_left3A_900 = arith.shli %add3A_896, %shift_left3A_899 : vector<16xi32>
            %shift_right_logical3A_901 = arith.constant 15 : i32
            %shift_right_logical3A_902 = vector.broadcast %shift_right_logical3A_901 : i32 to vector<16xi32>
            %shift_right_logical3A_903 = arith.shrui %add3A_896, %shift_right_logical3A_902 : vector<16xi32>
            %or3A_904 = arith.ori %shift_left3A_900, %shift_right_logical3A_903 : vector<16xi32>
            %xor3A_905 = arith.xori %or3A_904, %add3A_897 : vector<16xi32>
            %add3A_906 = arith.addi %add3A_897, %xor3A_905 : vector<16xi32>
            %shift_left3A_907 = arith.constant 29 : i32
            %shift_left3A_908 = vector.broadcast %shift_left3A_907 : i32 to vector<16xi32>
            %shift_left3A_909 = arith.shli %xor3A_905, %shift_left3A_908 : vector<16xi32>
            %shift_right_logical3A_910 = arith.constant 3 : i32
            %shift_right_logical3A_911 = vector.broadcast %shift_right_logical3A_910 : i32 to vector<16xi32>
            %shift_right_logical3A_912 = arith.shrui %xor3A_905, %shift_right_logical3A_911 : vector<16xi32>
            %or3A_913 = arith.ori %shift_left3A_909, %shift_right_logical3A_912 : vector<16xi32>
            %xor3A_914 = arith.xori %or3A_913, %add3A_906 : vector<16xi32>
            %add3A_915 = arith.addi %add3A_906, %xor3A_914 : vector<16xi32>
            %shift_left3A_916 = arith.constant 16 : i32
            %shift_left3A_917 = vector.broadcast %shift_left3A_916 : i32 to vector<16xi32>
            %shift_left3A_918 = arith.shli %xor3A_914, %shift_left3A_917 : vector<16xi32>
            %shift_right_logical3A_919 = arith.constant 16 : i32
            %shift_right_logical3A_920 = vector.broadcast %shift_right_logical3A_919 : i32 to vector<16xi32>
            %shift_right_logical3A_921 = arith.shrui %xor3A_914, %shift_right_logical3A_920 : vector<16xi32>
            %or3A_922 = arith.ori %shift_left3A_918, %shift_right_logical3A_921 : vector<16xi32>
            %xor3A_923 = arith.xori %or3A_922, %add3A_915 : vector<16xi32>
            %add3A_924 = arith.addi %add3A_915, %xor3A_923 : vector<16xi32>
            %shift_left3A_925 = arith.constant 24 : i32
            %shift_left3A_926 = vector.broadcast %shift_left3A_925 : i32 to vector<16xi32>
            %shift_left3A_927 = arith.shli %xor3A_923, %shift_left3A_926 : vector<16xi32>
            %shift_right_logical3A_928 = arith.constant 8 : i32
            %shift_right_logical3A_929 = vector.broadcast %shift_right_logical3A_928 : i32 to vector<16xi32>
            %shift_right_logical3A_930 = arith.shrui %xor3A_923, %shift_right_logical3A_929 : vector<16xi32>
            %or3A_931 = arith.ori %shift_left3A_927, %shift_right_logical3A_930 : vector<16xi32>
            %xor3A_932 = arith.xori %or3A_931, %add3A_924 : vector<16xi32>
            %add3A_933 = arith.constant 42 : i32
            %add3A_934 = vector.broadcast %add3A_933 : i32 to vector<16xi32>
            %add3A_935 = arith.addi %add3A_924, %add3A_934 : vector<16xi32>
            %add3A_936 = arith.constant 466689012 : i32
            %add3A_937 = vector.broadcast %add3A_936 : i32 to vector<16xi32>
            %add3A_938 = arith.addi %xor3A_932, %add3A_937 : vector<16xi32>
            %add3A_939 = arith.addi %add3A_935, %add3A_938 : vector<16xi32>
            %shift_left3A_940 = arith.constant 13 : i32
            %shift_left3A_941 = vector.broadcast %shift_left3A_940 : i32 to vector<16xi32>
            %shift_left3A_942 = arith.shli %add3A_938, %shift_left3A_941 : vector<16xi32>
            %shift_right_logical3A_943 = arith.constant 19 : i32
            %shift_right_logical3A_944 = vector.broadcast %shift_right_logical3A_943 : i32 to vector<16xi32>
            %shift_right_logical3A_945 = arith.shrui %add3A_938, %shift_right_logical3A_944 : vector<16xi32>
            %or3A_946 = arith.ori %shift_left3A_942, %shift_right_logical3A_945 : vector<16xi32>
            %xor3A_947 = arith.xori %or3A_946, %add3A_939 : vector<16xi32>
            %add3A_948 = arith.addi %add3A_939, %xor3A_947 : vector<16xi32>
            %shift_left3A_949 = arith.constant 15 : i32
            %shift_left3A_950 = vector.broadcast %shift_left3A_949 : i32 to vector<16xi32>
            %shift_left3A_951 = arith.shli %xor3A_947, %shift_left3A_950 : vector<16xi32>
            %shift_right_logical3A_952 = arith.constant 17 : i32
            %shift_right_logical3A_953 = vector.broadcast %shift_right_logical3A_952 : i32 to vector<16xi32>
            %shift_right_logical3A_954 = arith.shrui %xor3A_947, %shift_right_logical3A_953 : vector<16xi32>
            %or3A_955 = arith.ori %shift_left3A_951, %shift_right_logical3A_954 : vector<16xi32>
            %xor3A_956 = arith.xori %or3A_955, %add3A_948 : vector<16xi32>
            %add3A_957 = arith.addi %add3A_948, %xor3A_956 : vector<16xi32>
            %shift_left3A_958 = arith.constant 26 : i32
            %shift_left3A_959 = vector.broadcast %shift_left3A_958 : i32 to vector<16xi32>
            %shift_left3A_960 = arith.shli %xor3A_956, %shift_left3A_959 : vector<16xi32>
            %shift_right_logical3A_961 = arith.constant 6 : i32
            %shift_right_logical3A_962 = vector.broadcast %shift_right_logical3A_961 : i32 to vector<16xi32>
            %shift_right_logical3A_963 = arith.shrui %xor3A_956, %shift_right_logical3A_962 : vector<16xi32>
            %or3A_964 = arith.ori %shift_left3A_960, %shift_right_logical3A_963 : vector<16xi32>
            %xor3A_965 = arith.xori %or3A_964, %add3A_957 : vector<16xi32>
            %add3A_966 = arith.addi %add3A_957, %xor3A_965 : vector<16xi32>
            %shift_left3A_967 = arith.constant 6 : i32
            %shift_left3A_968 = vector.broadcast %shift_left3A_967 : i32 to vector<16xi32>
            %shift_left3A_969 = arith.shli %xor3A_965, %shift_left3A_968 : vector<16xi32>
            %shift_right_logical3A_970 = arith.constant 26 : i32
            %shift_right_logical3A_971 = vector.broadcast %shift_right_logical3A_970 : i32 to vector<16xi32>
            %shift_right_logical3A_972 = arith.shrui %xor3A_965, %shift_right_logical3A_971 : vector<16xi32>
            %or3A_973 = arith.ori %shift_left3A_969, %shift_right_logical3A_972 : vector<16xi32>
            %xor3A_974 = arith.xori %or3A_973, %add3A_966 : vector<16xi32>
            %add3A_975 = arith.constant 466689008 : i32
            %add3A_976 = vector.broadcast %add3A_975 : i32 to vector<16xi32>
            %add3A_977 = arith.addi %add3A_966, %add3A_976 : vector<16xi32>
            %add3A_978 = arith.constant 5 : i32
            %add3A_979 = vector.broadcast %add3A_978 : i32 to vector<16xi32>
            %add3A_980 = arith.addi %xor3A_974, %add3A_979 : vector<16xi32>
            %xor3A_981 = arith.xori %add3A_977, %add3A_980 : vector<16xi32>
            %shift_right_logical3A_982 = arith.constant 9 : i32
            %shift_right_logical3A_983 = vector.broadcast %shift_right_logical3A_982 : i32 to vector<16xi32>
            %shift_right_logical3A_984 = arith.shrui %xor3A_981, %shift_right_logical3A_983 : vector<16xi32>
            %mul3A_985 = arith.constant 16 : i32
            %mul3A_986 = arith.muli %add3A_766, %mul3A_985 : i32
            %get3A_987 = arith.index_cast %scan3A_35 : i32 to index
            %get3A_988 = arith.index_cast %mul3A_986 : i32 to index
            %get3A_989 = tpu.vector_load %arg6[%get3A_987, %get3A_988] {strides = array<i32>} : memref<16x320xi32, #tpu.memory_space<vmem>>, vector<1x16xi32>,
            %get3A_990 = vector.shape_cast %get3A_989 : vector<1x16xi32> to vector<16xi32>
            %lt3A_991 = arith.cmpi slt, %shift_right_logical3A_984, %get3A_990 : vector<16xi32>
            %jit3A_992 = arith.constant 1.000000e+00 : f32
            %jit3A_993 = arith.constant 0.000000e+00 : f32
            %broadcast_in_dim3A_994 = vector.broadcast %jit3A_992 : f32 to vector<16xf32>
            %broadcast_in_dim3A_995 = vector.broadcast %jit3A_993 : f32 to vector<16xf32>
            %select_n3A_996 = arith.select %lt3A_991, %broadcast_in_dim3A_994, %broadcast_in_dim3A_995 : vector<16xi1>, vector<16xf32>
            %mul3A_997 = arith.constant 16 : i32
            %mul3A_998 = arith.muli %add3A_766, %mul3A_997 : i32
            %swap3A_999 = arith.index_cast %scan3A_35 : i32 to index
            %swap3A_1000 = arith.index_cast %mul3A_998 : i32 to index
            %swap3A_1001 = tpu.vector_load %arg7[%swap3A_999, %swap3A_1000] {strides = array<i32>} : memref<16x320xf32, #tpu.memory_space<vmem>>, vector<1x16xf32>,
            %swap3A_1002 = vector.shape_cast %swap3A_1001 : vector<1x16xf32> to vector<16xf32>
            %swap3A_1003 = vector.shape_cast %select_n3A_996 : vector<16xf32> to vector<1x16xf32>
            tpu.vector_store %arg7[%swap3A_999, %swap3A_1000], %swap3A_1003 {strides = array<i32>} : memref<16x320xf32, #tpu.memory_space<vmem>>, vector<1x16xf32>,
            %mul3A_1004 = arith.constant 5 : i32
            %mul3A_1005 = arith.muli %scan3A_49, %mul3A_1004 : i32
            %add3A_1006 = arith.constant 4 : i32
            %add3A_1007 = arith.addi %mul3A_1005, %add3A_1006 : i32
            %mul3A_1008 = arith.constant 16 : i32
            %mul3A_1009 = arith.muli %add3A_1007, %mul3A_1008 : i32
            %add3A_1010 = arith.addi %add3A_43, %mul3A_1009 : i32
            %add3A_1011 = vector.broadcast %add3A_1010 : i32 to vector<16xi32>
            %add3A_1012 = arith.addi %iota3A, %add3A_1011 : vector<16xi32>
            %shift_left3A_1013 = arith.constant 13 : i32
            %shift_left3A_1014 = vector.broadcast %shift_left3A_1013 : i32 to vector<16xi32>
            %shift_left3A_1015 = arith.shli %add3A_1012, %shift_left3A_1014 : vector<16xi32>
            %shift_right_logical3A_1016 = arith.constant 19 : i32
            %shift_right_logical3A_1017 = vector.broadcast %shift_right_logical3A_1016 : i32 to vector<16xi32>
            %shift_right_logical3A_1018 = arith.shrui %add3A_1012, %shift_right_logical3A_1017 : vector<16xi32>
            %or3A_1019 = arith.ori %shift_left3A_1015, %shift_right_logical3A_1018 : vector<16xi32>
            %xor3A_1020 = arith.xori %or3A_1019, %add3A_1012 : vector<16xi32>
            %add3A_1021 = arith.addi %add3A_1012, %xor3A_1020 : vector<16xi32>
            %shift_left3A_1022 = arith.constant 15 : i32
            %shift_left3A_1023 = vector.broadcast %shift_left3A_1022 : i32 to vector<16xi32>
            %shift_left3A_1024 = arith.shli %xor3A_1020, %shift_left3A_1023 : vector<16xi32>
            %shift_right_logical3A_1025 = arith.constant 17 : i32
            %shift_right_logical3A_1026 = vector.broadcast %shift_right_logical3A_1025 : i32 to vector<16xi32>
            %shift_right_logical3A_1027 = arith.shrui %xor3A_1020, %shift_right_logical3A_1026 : vector<16xi32>
            %or3A_1028 = arith.ori %shift_left3A_1024, %shift_right_logical3A_1027 : vector<16xi32>
            %xor3A_1029 = arith.xori %or3A_1028, %add3A_1021 : vector<16xi32>
            %add3A_1030 = arith.addi %add3A_1021, %xor3A_1029 : vector<16xi32>
            %shift_left3A_1031 = arith.constant 26 : i32
            %shift_left3A_1032 = vector.broadcast %shift_left3A_1031 : i32 to vector<16xi32>
            %shift_left3A_1033 = arith.shli %xor3A_1029, %shift_left3A_1032 : vector<16xi32>
            %shift_right_logical3A_1034 = arith.constant 6 : i32
            %shift_right_logical3A_1035 = vector.broadcast %shift_right_logical3A_1034 : i32 to vector<16xi32>
            %shift_right_logical3A_1036 = arith.shrui %xor3A_1029, %shift_right_logical3A_1035 : vector<16xi32>
            %or3A_1037 = arith.ori %shift_left3A_1033, %shift_right_logical3A_1036 : vector<16xi32>
            %xor3A_1038 = arith.xori %or3A_1037, %add3A_1030 : vector<16xi32>
            %add3A_1039 = arith.addi %add3A_1030, %xor3A_1038 : vector<16xi32>
            %shift_left3A_1040 = arith.constant 6 : i32
            %shift_left3A_1041 = vector.broadcast %shift_left3A_1040 : i32 to vector<16xi32>
            %shift_left3A_1042 = arith.shli %xor3A_1038, %shift_left3A_1041 : vector<16xi32>
            %shift_right_logical3A_1043 = arith.constant 26 : i32
            %shift_right_logical3A_1044 = vector.broadcast %shift_right_logical3A_1043 : i32 to vector<16xi32>
            %shift_right_logical3A_1045 = arith.shrui %xor3A_1038, %shift_right_logical3A_1044 : vector<16xi32>
            %or3A_1046 = arith.ori %shift_left3A_1042, %shift_right_logical3A_1045 : vector<16xi32>
            %xor3A_1047 = arith.xori %or3A_1046, %add3A_1039 : vector<16xi32>
            %add3A_1048 = arith.constant 42 : i32
            %add3A_1049 = vector.broadcast %add3A_1048 : i32 to vector<16xi32>
            %add3A_1050 = arith.addi %add3A_1039, %add3A_1049 : vector<16xi32>
            %add3A_1051 = arith.constant 466689009 : i32
            %add3A_1052 = vector.broadcast %add3A_1051 : i32 to vector<16xi32>
            %add3A_1053 = arith.addi %xor3A_1047, %add3A_1052 : vector<16xi32>
            %add3A_1054 = arith.addi %add3A_1050, %add3A_1053 : vector<16xi32>
            %shift_left3A_1055 = arith.constant 17 : i32
            %shift_left3A_1056 = vector.broadcast %shift_left3A_1055 : i32 to vector<16xi32>
            %shift_left3A_1057 = arith.shli %add3A_1053, %shift_left3A_1056 : vector<16xi32>
            %shift_right_logical3A_1058 = arith.constant 15 : i32
            %shift_right_logical3A_1059 = vector.broadcast %shift_right_logical3A_1058 : i32 to vector<16xi32>
            %shift_right_logical3A_1060 = arith.shrui %add3A_1053, %shift_right_logical3A_1059 : vector<16xi32>
            %or3A_1061 = arith.ori %shift_left3A_1057, %shift_right_logical3A_1060 : vector<16xi32>
            %xor3A_1062 = arith.xori %or3A_1061, %add3A_1054 : vector<16xi32>
            %add3A_1063 = arith.addi %add3A_1054, %xor3A_1062 : vector<16xi32>
            %shift_left3A_1064 = arith.constant 29 : i32
            %shift_left3A_1065 = vector.broadcast %shift_left3A_1064 : i32 to vector<16xi32>
            %shift_left3A_1066 = arith.shli %xor3A_1062, %shift_left3A_1065 : vector<16xi32>
            %shift_right_logical3A_1067 = arith.constant 3 : i32
            %shift_right_logical3A_1068 = vector.broadcast %shift_right_logical3A_1067 : i32 to vector<16xi32>
            %shift_right_logical3A_1069 = arith.shrui %xor3A_1062, %shift_right_logical3A_1068 : vector<16xi32>
            %or3A_1070 = arith.ori %shift_left3A_1066, %shift_right_logical3A_1069 : vector<16xi32>
            %xor3A_1071 = arith.xori %or3A_1070, %add3A_1063 : vector<16xi32>
            %add3A_1072 = arith.addi %add3A_1063, %xor3A_1071 : vector<16xi32>
            %shift_left3A_1073 = arith.constant 16 : i32
            %shift_left3A_1074 = vector.broadcast %shift_left3A_1073 : i32 to vector<16xi32>
            %shift_left3A_1075 = arith.shli %xor3A_1071, %shift_left3A_1074 : vector<16xi32>
            %shift_right_logical3A_1076 = arith.constant 16 : i32
            %shift_right_logical3A_1077 = vector.broadcast %shift_right_logical3A_1076 : i32 to vector<16xi32>
            %shift_right_logical3A_1078 = arith.shrui %xor3A_1071, %shift_right_logical3A_1077 : vector<16xi32>
            %or3A_1079 = arith.ori %shift_left3A_1075, %shift_right_logical3A_1078 : vector<16xi32>
            %xor3A_1080 = arith.xori %or3A_1079, %add3A_1072 : vector<16xi32>
            %add3A_1081 = arith.addi %add3A_1072, %xor3A_1080 : vector<16xi32>
            %shift_left3A_1082 = arith.constant 24 : i32
            %shift_left3A_1083 = vector.broadcast %shift_left3A_1082 : i32 to vector<16xi32>
            %shift_left3A_1084 = arith.shli %xor3A_1080, %shift_left3A_1083 : vector<16xi32>
            %shift_right_logical3A_1085 = arith.constant 8 : i32
            %shift_right_logical3A_1086 = vector.broadcast %shift_right_logical3A_1085 : i32 to vector<16xi32>
            %shift_right_logical3A_1087 = arith.shrui %xor3A_1080, %shift_right_logical3A_1086 : vector<16xi32>
            %or3A_1088 = arith.ori %shift_left3A_1084, %shift_right_logical3A_1087 : vector<16xi32>
            %xor3A_1089 = arith.xori %or3A_1088, %add3A_1081 : vector<16xi32>
            %add3A_1090 = arith.constant 466689008 : i32
            %add3A_1091 = vector.broadcast %add3A_1090 : i32 to vector<16xi32>
            %add3A_1092 = arith.addi %add3A_1081, %add3A_1091 : vector<16xi32>
            %add3A_1093 = arith.constant 2 : i32
            %add3A_1094 = vector.broadcast %add3A_1093 : i32 to vector<16xi32>
            %add3A_1095 = arith.addi %xor3A_1089, %add3A_1094 : vector<16xi32>
            %add3A_1096 = arith.addi %add3A_1092, %add3A_1095 : vector<16xi32>
            %shift_left3A_1097 = arith.constant 13 : i32
            %shift_left3A_1098 = vector.broadcast %shift_left3A_1097 : i32 to vector<16xi32>
            %shift_left3A_1099 = arith.shli %add3A_1095, %shift_left3A_1098 : vector<16xi32>
            %shift_right_logical3A_1100 = arith.constant 19 : i32
            %shift_right_logical3A_1101 = vector.broadcast %shift_right_logical3A_1100 : i32 to vector<16xi32>
            %shift_right_logical3A_1102 = arith.shrui %add3A_1095, %shift_right_logical3A_1101 : vector<16xi32>
            %or3A_1103 = arith.ori %shift_left3A_1099, %shift_right_logical3A_1102 : vector<16xi32>
            %xor3A_1104 = arith.xori %or3A_1103, %add3A_1096 : vector<16xi32>
            %add3A_1105 = arith.addi %add3A_1096, %xor3A_1104 : vector<16xi32>
            %shift_left3A_1106 = arith.constant 15 : i32
            %shift_left3A_1107 = vector.broadcast %shift_left3A_1106 : i32 to vector<16xi32>
            %shift_left3A_1108 = arith.shli %xor3A_1104, %shift_left3A_1107 : vector<16xi32>
            %shift_right_logical3A_1109 = arith.constant 17 : i32
            %shift_right_logical3A_1110 = vector.broadcast %shift_right_logical3A_1109 : i32 to vector<16xi32>
            %shift_right_logical3A_1111 = arith.shrui %xor3A_1104, %shift_right_logical3A_1110 : vector<16xi32>
            %or3A_1112 = arith.ori %shift_left3A_1108, %shift_right_logical3A_1111 : vector<16xi32>
            %xor3A_1113 = arith.xori %or3A_1112, %add3A_1105 : vector<16xi32>
            %add3A_1114 = arith.addi %add3A_1105, %xor3A_1113 : vector<16xi32>
            %shift_left3A_1115 = arith.constant 26 : i32
            %shift_left3A_1116 = vector.broadcast %shift_left3A_1115 : i32 to vector<16xi32>
            %shift_left3A_1117 = arith.shli %xor3A_1113, %shift_left3A_1116 : vector<16xi32>
            %shift_right_logical3A_1118 = arith.constant 6 : i32
            %shift_right_logical3A_1119 = vector.broadcast %shift_right_logical3A_1118 : i32 to vector<16xi32>
            %shift_right_logical3A_1120 = arith.shrui %xor3A_1113, %shift_right_logical3A_1119 : vector<16xi32>
            %or3A_1121 = arith.ori %shift_left3A_1117, %shift_right_logical3A_1120 : vector<16xi32>
            %xor3A_1122 = arith.xori %or3A_1121, %add3A_1114 : vector<16xi32>
            %add3A_1123 = arith.addi %add3A_1114, %xor3A_1122 : vector<16xi32>
            %shift_left3A_1124 = arith.constant 6 : i32
            %shift_left3A_1125 = vector.broadcast %shift_left3A_1124 : i32 to vector<16xi32>
            %shift_left3A_1126 = arith.shli %xor3A_1122, %shift_left3A_1125 : vector<16xi32>
            %shift_right_logical3A_1127 = arith.constant 26 : i32
            %shift_right_logical3A_1128 = vector.broadcast %shift_right_logical3A_1127 : i32 to vector<16xi32>
            %shift_right_logical3A_1129 = arith.shrui %xor3A_1122, %shift_right_logical3A_1128 : vector<16xi32>
            %or3A_1130 = arith.ori %shift_left3A_1126, %shift_right_logical3A_1129 : vector<16xi32>
            %xor3A_1131 = arith.xori %or3A_1130, %add3A_1123 : vector<16xi32>
            %add3A_1132 = arith.constant 0 : i32
            %add3A_1133 = vector.broadcast %add3A_1132 : i32 to vector<16xi32>
            %add3A_1134 = arith.addi %add3A_1123, %add3A_1133 : vector<16xi32>
            %add3A_1135 = arith.constant 45 : i32
            %add3A_1136 = vector.broadcast %add3A_1135 : i32 to vector<16xi32>
            %add3A_1137 = arith.addi %xor3A_1131, %add3A_1136 : vector<16xi32>
            %add3A_1138 = arith.addi %add3A_1134, %add3A_1137 : vector<16xi32>
            %shift_left3A_1139 = arith.constant 17 : i32
            %shift_left3A_1140 = vector.broadcast %shift_left3A_1139 : i32 to vector<16xi32>
            %shift_left3A_1141 = arith.shli %add3A_1137, %shift_left3A_1140 : vector<16xi32>
            %shift_right_logical3A_1142 = arith.constant 15 : i32
            %shift_right_logical3A_1143 = vector.broadcast %shift_right_logical3A_1142 : i32 to vector<16xi32>
            %shift_right_logical3A_1144 = arith.shrui %add3A_1137, %shift_right_logical3A_1143 : vector<16xi32>
            %or3A_1145 = arith.ori %shift_left3A_1141, %shift_right_logical3A_1144 : vector<16xi32>
            %xor3A_1146 = arith.xori %or3A_1145, %add3A_1138 : vector<16xi32>
            %add3A_1147 = arith.addi %add3A_1138, %xor3A_1146 : vector<16xi32>
            %shift_left3A_1148 = arith.constant 29 : i32
            %shift_left3A_1149 = vector.broadcast %shift_left3A_1148 : i32 to vector<16xi32>
            %shift_left3A_1150 = arith.shli %xor3A_1146, %shift_left3A_1149 : vector<16xi32>
            %shift_right_logical3A_1151 = arith.constant 3 : i32
            %shift_right_logical3A_1152 = vector.broadcast %shift_right_logical3A_1151 : i32 to vector<16xi32>
            %shift_right_logical3A_1153 = arith.shrui %xor3A_1146, %shift_right_logical3A_1152 : vector<16xi32>
            %or3A_1154 = arith.ori %shift_left3A_1150, %shift_right_logical3A_1153 : vector<16xi32>
            %xor3A_1155 = arith.xori %or3A_1154, %add3A_1147 : vector<16xi32>
            %add3A_1156 = arith.addi %add3A_1147, %xor3A_1155 : vector<16xi32>
            %shift_left3A_1157 = arith.constant 16 : i32
            %shift_left3A_1158 = vector.broadcast %shift_left3A_1157 : i32 to vector<16xi32>
            %shift_left3A_1159 = arith.shli %xor3A_1155, %shift_left3A_1158 : vector<16xi32>
            %shift_right_logical3A_1160 = arith.constant 16 : i32
            %shift_right_logical3A_1161 = vector.broadcast %shift_right_logical3A_1160 : i32 to vector<16xi32>
            %shift_right_logical3A_1162 = arith.shrui %xor3A_1155, %shift_right_logical3A_1161 : vector<16xi32>
            %or3A_1163 = arith.ori %shift_left3A_1159, %shift_right_logical3A_1162 : vector<16xi32>
            %xor3A_1164 = arith.xori %or3A_1163, %add3A_1156 : vector<16xi32>
            %add3A_1165 = arith.addi %add3A_1156, %xor3A_1164 : vector<16xi32>
            %shift_left3A_1166 = arith.constant 24 : i32
            %shift_left3A_1167 = vector.broadcast %shift_left3A_1166 : i32 to vector<16xi32>
            %shift_left3A_1168 = arith.shli %xor3A_1164, %shift_left3A_1167 : vector<16xi32>
            %shift_right_logical3A_1169 = arith.constant 8 : i32
            %shift_right_logical3A_1170 = vector.broadcast %shift_right_logical3A_1169 : i32 to vector<16xi32>
            %shift_right_logical3A_1171 = arith.shrui %xor3A_1164, %shift_right_logical3A_1170 : vector<16xi32>
            %or3A_1172 = arith.ori %shift_left3A_1168, %shift_right_logical3A_1171 : vector<16xi32>
            %xor3A_1173 = arith.xori %or3A_1172, %add3A_1165 : vector<16xi32>
            %add3A_1174 = arith.constant 42 : i32
            %add3A_1175 = vector.broadcast %add3A_1174 : i32 to vector<16xi32>
            %add3A_1176 = arith.addi %add3A_1165, %add3A_1175 : vector<16xi32>
            %add3A_1177 = arith.constant 466689012 : i32
            %add3A_1178 = vector.broadcast %add3A_1177 : i32 to vector<16xi32>
            %add3A_1179 = arith.addi %xor3A_1173, %add3A_1178 : vector<16xi32>
            %add3A_1180 = arith.addi %add3A_1176, %add3A_1179 : vector<16xi32>
            %shift_left3A_1181 = arith.constant 13 : i32
            %shift_left3A_1182 = vector.broadcast %shift_left3A_1181 : i32 to vector<16xi32>
            %shift_left3A_1183 = arith.shli %add3A_1179, %shift_left3A_1182 : vector<16xi32>
            %shift_right_logical3A_1184 = arith.constant 19 : i32
            %shift_right_logical3A_1185 = vector.broadcast %shift_right_logical3A_1184 : i32 to vector<16xi32>
            %shift_right_logical3A_1186 = arith.shrui %add3A_1179, %shift_right_logical3A_1185 : vector<16xi32>
            %or3A_1187 = arith.ori %shift_left3A_1183, %shift_right_logical3A_1186 : vector<16xi32>
            %xor3A_1188 = arith.xori %or3A_1187, %add3A_1180 : vector<16xi32>
            %add3A_1189 = arith.addi %add3A_1180, %xor3A_1188 : vector<16xi32>
            %shift_left3A_1190 = arith.constant 15 : i32
            %shift_left3A_1191 = vector.broadcast %shift_left3A_1190 : i32 to vector<16xi32>
            %shift_left3A_1192 = arith.shli %xor3A_1188, %shift_left3A_1191 : vector<16xi32>
            %shift_right_logical3A_1193 = arith.constant 17 : i32
            %shift_right_logical3A_1194 = vector.broadcast %shift_right_logical3A_1193 : i32 to vector<16xi32>
            %shift_right_logical3A_1195 = arith.shrui %xor3A_1188, %shift_right_logical3A_1194 : vector<16xi32>
            %or3A_1196 = arith.ori %shift_left3A_1192, %shift_right_logical3A_1195 : vector<16xi32>
            %xor3A_1197 = arith.xori %or3A_1196, %add3A_1189 : vector<16xi32>
            %add3A_1198 = arith.addi %add3A_1189, %xor3A_1197 : vector<16xi32>
            %shift_left3A_1199 = arith.constant 26 : i32
            %shift_left3A_1200 = vector.broadcast %shift_left3A_1199 : i32 to vector<16xi32>
            %shift_left3A_1201 = arith.shli %xor3A_1197, %shift_left3A_1200 : vector<16xi32>
            %shift_right_logical3A_1202 = arith.constant 6 : i32
            %shift_right_logical3A_1203 = vector.broadcast %shift_right_logical3A_1202 : i32 to vector<16xi32>
            %shift_right_logical3A_1204 = arith.shrui %xor3A_1197, %shift_right_logical3A_1203 : vector<16xi32>
            %or3A_1205 = arith.ori %shift_left3A_1201, %shift_right_logical3A_1204 : vector<16xi32>
            %xor3A_1206 = arith.xori %or3A_1205, %add3A_1198 : vector<16xi32>
            %add3A_1207 = arith.addi %add3A_1198, %xor3A_1206 : vector<16xi32>
            %shift_left3A_1208 = arith.constant 6 : i32
            %shift_left3A_1209 = vector.broadcast %shift_left3A_1208 : i32 to vector<16xi32>
            %shift_left3A_1210 = arith.shli %xor3A_1206, %shift_left3A_1209 : vector<16xi32>
            %shift_right_logical3A_1211 = arith.constant 26 : i32
            %shift_right_logical3A_1212 = vector.broadcast %shift_right_logical3A_1211 : i32 to vector<16xi32>
            %shift_right_logical3A_1213 = arith.shrui %xor3A_1206, %shift_right_logical3A_1212 : vector<16xi32>
            %or3A_1214 = arith.ori %shift_left3A_1210, %shift_right_logical3A_1213 : vector<16xi32>
            %xor3A_1215 = arith.xori %or3A_1214, %add3A_1207 : vector<16xi32>
            %add3A_1216 = arith.constant 466689008 : i32
            %add3A_1217 = vector.broadcast %add3A_1216 : i32 to vector<16xi32>
            %add3A_1218 = arith.addi %add3A_1207, %add3A_1217 : vector<16xi32>
            %add3A_1219 = arith.constant 5 : i32
            %add3A_1220 = vector.broadcast %add3A_1219 : i32 to vector<16xi32>
            %add3A_1221 = arith.addi %xor3A_1215, %add3A_1220 : vector<16xi32>
            %xor3A_1222 = arith.xori %add3A_1218, %add3A_1221 : vector<16xi32>
            %shift_right_logical3A_1223 = arith.constant 9 : i32
            %shift_right_logical3A_1224 = vector.broadcast %shift_right_logical3A_1223 : i32 to vector<16xi32>
            %shift_right_logical3A_1225 = arith.shrui %xor3A_1222, %shift_right_logical3A_1224 : vector<16xi32>
            %mul3A_1226 = arith.constant 16 : i32
            %mul3A_1227 = arith.muli %add3A_1007, %mul3A_1226 : i32
            %get3A_1228 = arith.index_cast %scan3A_35 : i32 to index
            %get3A_1229 = arith.index_cast %mul3A_1227 : i32 to index
            %get3A_1230 = tpu.vector_load %arg6[%get3A_1228, %get3A_1229] {strides = array<i32>} : memref<16x320xi32, #tpu.memory_space<vmem>>, vector<1x16xi32>,
            %get3A_1231 = vector.shape_cast %get3A_1230 : vector<1x16xi32> to vector<16xi32>
            %lt3A_1232 = arith.cmpi slt, %shift_right_logical3A_1225, %get3A_1231 : vector<16xi32>
            %jit3A_1233 = arith.constant 1.000000e+00 : f32
            %jit3A_1234 = arith.constant 0.000000e+00 : f32
            %broadcast_in_dim3A_1235 = vector.broadcast %jit3A_1233 : f32 to vector<16xf32>
            %broadcast_in_dim3A_1236 = vector.broadcast %jit3A_1234 : f32 to vector<16xf32>
            %select_n3A_1237 = arith.select %lt3A_1232, %broadcast_in_dim3A_1235, %broadcast_in_dim3A_1236 : vector<16xi1>, vector<16xf32>
            %mul3A_1238 = arith.constant 16 : i32
            %mul3A_1239 = arith.muli %add3A_1007, %mul3A_1238 : i32
            %swap3A_1240 = arith.index_cast %scan3A_35 : i32 to index
            %swap3A_1241 = arith.index_cast %mul3A_1239 : i32 to index
            %swap3A_1242 = tpu.vector_load %arg7[%swap3A_1240, %swap3A_1241] {strides = array<i32>} : memref<16x320xf32, #tpu.memory_space<vmem>>, vector<1x16xf32>,
            %swap3A_1243 = vector.shape_cast %swap3A_1242 : vector<1x16xf32> to vector<16xf32>
            %swap3A_1244 = vector.shape_cast %select_n3A_1237 : vector<16xf32> to vector<1x16xf32>
            tpu.vector_store %arg7[%swap3A_1240, %swap3A_1241], %swap3A_1244 {strides = array<i32>} : memref<16x320xf32, #tpu.memory_space<vmem>>, vector<1x16xf32>,
          }
          %scan3A_48 = arith.constant 4 : i32
        }
        %scan3A_21 = arith.constant 16 : i32
        "tpu.region"() ({
          %run_scoped3A_35 = tpu.sem_alloc : memref<!tpu.dma_semaphore, #tpu.memory_space<semaphore_mem>>
          %dma_start3A = arith.constant 0 : i32
          %dma_start3A_36 = tpu.memref_slice %arg5[%add3A_8, %mul3A_16, %dma_start3A] : memref<64x320x320xf32, #tpu.memory_space<hbm>> -> memref<1x16x320xf32, #tpu.memory_space<hbm>>
          %dma_start3A_37 = tpu.memref_squeeze %dma_start3A_36 : memref<1x16x320xf32, #tpu.memory_space<hbm>> -> memref<16x320xf32, #tpu.memory_space<hbm>>
          %dma_start3A_38 = arith.constant 0 : i32
          %dma_start3A_39 = tpu.memref_slice %arg5[%add3A_8, %mul3A_16, %dma_start3A_38] : memref<64x320x320xf32, #tpu.memory_space<hbm>> -> memref<1x16x320xf32, #tpu.memory_space<hbm>>
          %dma_start3A_40 = tpu.memref_squeeze %dma_start3A_39 : memref<1x16x320xf32, #tpu.memory_space<hbm>> -> memref<16x320xf32, #tpu.memory_space<hbm>>
          tpu.enqueue_dma source(%arg7 : memref<16x320xf32, #tpu.memory_space<vmem>>) target(%dma_start3A_40 : memref<16x320xf32, #tpu.memory_space<hbm>>) target_semaphore(%run_scoped3A_35 : memref<!tpu.dma_semaphore, #tpu.memory_space<semaphore_mem>>)
          %dma_wait3A = arith.constant 0 : i32
          %dma_wait3A_41 = tpu.memref_slice %arg5[%add3A_8, %mul3A_16, %dma_wait3A] : memref<64x320x320xf32, #tpu.memory_space<hbm>> -> memref<1x16x320xf32, #tpu.memory_space<hbm>>
          %dma_wait3A_42 = tpu.memref_squeeze %dma_wait3A_41 : memref<1x16x320xf32, #tpu.memory_space<hbm>> -> memref<16x320xf32, #tpu.memory_space<hbm>>
          %dma_wait3A_43 = arith.constant 0 : i32
          %dma_wait3A_44 = tpu.memref_slice %arg5[%add3A_8, %mul3A_16, %dma_wait3A_43] : memref<64x320x320xf32, #tpu.memory_space<hbm>> -> memref<1x16x320xf32, #tpu.memory_space<hbm>>
          %dma_wait3A_45 = tpu.memref_squeeze %dma_wait3A_44 : memref<1x16x320xf32, #tpu.memory_space<hbm>> -> memref<16x320xf32, #tpu.memory_space<hbm>>
          tpu.wait_dma2 semaphore(%run_scoped3A_35 : memref<!tpu.dma_semaphore, #tpu.memory_space<semaphore_mem>>) src(%arg7 : memref<16x320xf32, #tpu.memory_space<vmem>>) dst(%dma_wait3A_45 : memref<16x320xf32, #tpu.memory_space<hbm>>)
          tpu.yield
        }) : () -> ()
        %run_scoped3A = arith.constant 0 : i32
        "tpu.region"() ({
          %run_scoped3A_35 = tpu.sem_alloc : memref<!tpu.dma_semaphore, #tpu.memory_space<semaphore_mem>>
          %dma_start3A = arith.constant 0 : i32
          %dma_start3A_36 = tpu.memref_slice %arg3[%add3A_8, %run_scoped3A, %mul3A_16, %dma_start3A] : memref<64x2x320x320xf32, #tpu.memory_space<hbm>> -> memref<1x1x16x320xf32, #tpu.memory_space<hbm>>
          %dma_start3A_37 = tpu.memref_squeeze %dma_start3A_36 : memref<1x1x16x320xf32, #tpu.memory_space<hbm>> -> memref<16x320xf32, #tpu.memory_space<hbm>>
          %dma_start3A_38 = arith.constant 0 : i32
          %dma_start3A_39 = tpu.memref_slice %arg3[%add3A_8, %run_scoped3A, %mul3A_16, %dma_start3A_38] : memref<64x2x320x320xf32, #tpu.memory_space<hbm>> -> memref<1x1x16x320xf32, #tpu.memory_space<hbm>>
          %dma_start3A_40 = tpu.memref_squeeze %dma_start3A_39 : memref<1x1x16x320xf32, #tpu.memory_space<hbm>> -> memref<16x320xf32, #tpu.memory_space<hbm>>
          tpu.enqueue_dma source(%dma_start3A_40 : memref<16x320xf32, #tpu.memory_space<hbm>>) target(%arg8 : memref<16x320xf32, #tpu.memory_space<vmem>>) target_semaphore(%run_scoped3A_35 : memref<!tpu.dma_semaphore, #tpu.memory_space<semaphore_mem>>)
          %dma_wait3A = arith.constant 0 : i32
          %dma_wait3A_41 = tpu.memref_slice %arg3[%add3A_8, %run_scoped3A, %mul3A_16, %dma_wait3A] : memref<64x2x320x320xf32, #tpu.memory_space<hbm>> -> memref<1x1x16x320xf32, #tpu.memory_space<hbm>>
          %dma_wait3A_42 = tpu.memref_squeeze %dma_wait3A_41 : memref<1x1x16x320xf32, #tpu.memory_space<hbm>> -> memref<16x320xf32, #tpu.memory_space<hbm>>
          %dma_wait3A_43 = arith.constant 0 : i32
          %dma_wait3A_44 = tpu.memref_slice %arg3[%add3A_8, %run_scoped3A, %mul3A_16, %dma_wait3A_43] : memref<64x2x320x320xf32, #tpu.memory_space<hbm>> -> memref<1x1x16x320xf32, #tpu.memory_space<hbm>>
          %dma_wait3A_45 = tpu.memref_squeeze %dma_wait3A_44 : memref<1x1x16x320xf32, #tpu.memory_space<hbm>> -> memref<16x320xf32, #tpu.memory_space<hbm>>
          tpu.wait_dma2 semaphore(%run_scoped3A_35 : memref<!tpu.dma_semaphore, #tpu.memory_space<semaphore_mem>>) src(%dma_wait3A_45 : memref<16x320xf32, #tpu.memory_space<hbm>>) dst(%arg8 : memref<16x320xf32, #tpu.memory_space<vmem>>)
          tpu.yield
        }) : () -> ()
        %scan3A_22 = arith.constant 0 : i32
        %scan3A_23 = arith.constant 16 : i32
        %scan3A_24 = arith.addi %scan3A_22, %scan3A_23 : i32
        %scan3A_25 = arith.constant 1 : i32
        scf.for %scan3A_35 = %scan3A_22 to %scan3A_24 step %scan3A_25  : i32 {
          %scan3A_36 = arith.constant 0 : i32
          %scan3A_37 = arith.constant 4 : i32
          %scan3A_38 = arith.addi %scan3A_36, %scan3A_37 : i32
          %scan3A_39 = arith.constant 1 : i32
          scf.for %scan3A_41 = %scan3A_36 to %scan3A_38 step %scan3A_39  : i32 {
            %mul3A_42 = arith.constant 5 : i32
            %mul3A_43 = arith.muli %scan3A_41, %mul3A_42 : i32
            %add3A_44 = arith.constant 0 : i32
            %add3A_45 = arith.addi %mul3A_43, %add3A_44 : i32
            %mul3A_46 = arith.constant 16 : i32
            %mul3A_47 = arith.muli %add3A_45, %mul3A_46 : i32
            %get3A = arith.index_cast %scan3A_35 : i32 to index
            %get3A_48 = arith.index_cast %mul3A_47 : i32 to index
            %get3A_49 = tpu.vector_load %arg8[%get3A, %get3A_48] {strides = array<i32>} : memref<16x320xf32, #tpu.memory_space<vmem>>, vector<1x16xf32>,
            %get3A_50 = vector.shape_cast %get3A_49 : vector<1x16xf32> to vector<16xf32>
            %get3A_51 = arith.index_cast %scan3A_35 : i32 to index
            %get3A_52 = arith.index_cast %mul3A_47 : i32 to index
            %get3A_53 = tpu.vector_load %arg7[%get3A_51, %get3A_52] {strides = array<i32>} : memref<16x320xf32, #tpu.memory_space<vmem>>, vector<1x16xf32>,
            %get3A_54 = vector.shape_cast %get3A_53 : vector<1x16xf32> to vector<16xf32>
            %mul3A_55 = arith.mulf %get3A_50, %get3A_54 : vector<16xf32>
            %swap3A = arith.index_cast %scan3A_35 : i32 to index
            %swap3A_56 = arith.index_cast %mul3A_47 : i32 to index
            %swap3A_57 = tpu.vector_load %arg9[%swap3A, %swap3A_56] {strides = array<i32>} : memref<16x320xf32, #tpu.memory_space<vmem>>, vector<1x16xf32>,
            %swap3A_58 = vector.shape_cast %swap3A_57 : vector<1x16xf32> to vector<16xf32>
            %swap3A_59 = vector.shape_cast %mul3A_55 : vector<16xf32> to vector<1x16xf32>
            tpu.vector_store %arg9[%swap3A, %swap3A_56], %swap3A_59 {strides = array<i32>} : memref<16x320xf32, #tpu.memory_space<vmem>>, vector<1x16xf32>,
            %mul3A_60 = arith.constant 5 : i32
            %mul3A_61 = arith.muli %scan3A_41, %mul3A_60 : i32
            %add3A_62 = arith.constant 1 : i32
            %add3A_63 = arith.addi %mul3A_61, %add3A_62 : i32
            %mul3A_64 = arith.constant 16 : i32
            %mul3A_65 = arith.muli %add3A_63, %mul3A_64 : i32
            %get3A_66 = arith.index_cast %scan3A_35 : i32 to index
            %get3A_67 = arith.index_cast %mul3A_65 : i32 to index
            %get3A_68 = tpu.vector_load %arg8[%get3A_66, %get3A_67] {strides = array<i32>} : memref<16x320xf32, #tpu.memory_space<vmem>>, vector<1x16xf32>,
            %get3A_69 = vector.shape_cast %get3A_68 : vector<1x16xf32> to vector<16xf32>
            %get3A_70 = arith.index_cast %scan3A_35 : i32 to index
            %get3A_71 = arith.index_cast %mul3A_65 : i32 to index
            %get3A_72 = tpu.vector_load %arg7[%get3A_70, %get3A_71] {strides = array<i32>} : memref<16x320xf32, #tpu.memory_space<vmem>>, vector<1x16xf32>,
            %get3A_73 = vector.shape_cast %get3A_72 : vector<1x16xf32> to vector<16xf32>
            %mul3A_74 = arith.mulf %get3A_69, %get3A_73 : vector<16xf32>
            %swap3A_75 = arith.index_cast %scan3A_35 : i32 to index
            %swap3A_76 = arith.index_cast %mul3A_65 : i32 to index
            %swap3A_77 = tpu.vector_load %arg9[%swap3A_75, %swap3A_76] {strides = array<i32>} : memref<16x320xf32, #tpu.memory_space<vmem>>, vector<1x16xf32>,
            %swap3A_78 = vector.shape_cast %swap3A_77 : vector<1x16xf32> to vector<16xf32>
            %swap3A_79 = vector.shape_cast %mul3A_74 : vector<16xf32> to vector<1x16xf32>
            tpu.vector_store %arg9[%swap3A_75, %swap3A_76], %swap3A_79 {strides = array<i32>} : memref<16x320xf32, #tpu.memory_space<vmem>>, vector<1x16xf32>,
            %mul3A_80 = arith.constant 5 : i32
            %mul3A_81 = arith.muli %scan3A_41, %mul3A_80 : i32
            %add3A_82 = arith.constant 2 : i32
            %add3A_83 = arith.addi %mul3A_81, %add3A_82 : i32
            %mul3A_84 = arith.constant 16 : i32
            %mul3A_85 = arith.muli %add3A_83, %mul3A_84 : i32
            %get3A_86 = arith.index_cast %scan3A_35 : i32 to index
            %get3A_87 = arith.index_cast %mul3A_85 : i32 to index
            %get3A_88 = tpu.vector_load %arg8[%get3A_86, %get3A_87] {strides = array<i32>} : memref<16x320xf32, #tpu.memory_space<vmem>>, vector<1x16xf32>,
            %get3A_89 = vector.shape_cast %get3A_88 : vector<1x16xf32> to vector<16xf32>
            %get3A_90 = arith.index_cast %scan3A_35 : i32 to index
            %get3A_91 = arith.index_cast %mul3A_85 : i32 to index
            %get3A_92 = tpu.vector_load %arg7[%get3A_90, %get3A_91] {strides = array<i32>} : memref<16x320xf32, #tpu.memory_space<vmem>>, vector<1x16xf32>,
            %get3A_93 = vector.shape_cast %get3A_92 : vector<1x16xf32> to vector<16xf32>
            %mul3A_94 = arith.mulf %get3A_89, %get3A_93 : vector<16xf32>
            %swap3A_95 = arith.index_cast %scan3A_35 : i32 to index
            %swap3A_96 = arith.index_cast %mul3A_85 : i32 to index
            %swap3A_97 = tpu.vector_load %arg9[%swap3A_95, %swap3A_96] {strides = array<i32>} : memref<16x320xf32, #tpu.memory_space<vmem>>, vector<1x16xf32>,
            %swap3A_98 = vector.shape_cast %swap3A_97 : vector<1x16xf32> to vector<16xf32>
            %swap3A_99 = vector.shape_cast %mul3A_94 : vector<16xf32> to vector<1x16xf32>
            tpu.vector_store %arg9[%swap3A_95, %swap3A_96], %swap3A_99 {strides = array<i32>} : memref<16x320xf32, #tpu.memory_space<vmem>>, vector<1x16xf32>,
            %mul3A_100 = arith.constant 5 : i32
            %mul3A_101 = arith.muli %scan3A_41, %mul3A_100 : i32
            %add3A_102 = arith.constant 3 : i32
            %add3A_103 = arith.addi %mul3A_101, %add3A_102 : i32
            %mul3A_104 = arith.constant 16 : i32
            %mul3A_105 = arith.muli %add3A_103, %mul3A_104 : i32
            %get3A_106 = arith.index_cast %scan3A_35 : i32 to index
            %get3A_107 = arith.index_cast %mul3A_105 : i32 to index
            %get3A_108 = tpu.vector_load %arg8[%get3A_106, %get3A_107] {strides = array<i32>} : memref<16x320xf32, #tpu.memory_space<vmem>>, vector<1x16xf32>,
            %get3A_109 = vector.shape_cast %get3A_108 : vector<1x16xf32> to vector<16xf32>
            %get3A_110 = arith.index_cast %scan3A_35 : i32 to index
            %get3A_111 = arith.index_cast %mul3A_105 : i32 to index
            %get3A_112 = tpu.vector_load %arg7[%get3A_110, %get3A_111] {strides = array<i32>} : memref<16x320xf32, #tpu.memory_space<vmem>>, vector<1x16xf32>,
            %get3A_113 = vector.shape_cast %get3A_112 : vector<1x16xf32> to vector<16xf32>
            %mul3A_114 = arith.mulf %get3A_109, %get3A_113 : vector<16xf32>
            %swap3A_115 = arith.index_cast %scan3A_35 : i32 to index
            %swap3A_116 = arith.index_cast %mul3A_105 : i32 to index
            %swap3A_117 = tpu.vector_load %arg9[%swap3A_115, %swap3A_116] {strides = array<i32>} : memref<16x320xf32, #tpu.memory_space<vmem>>, vector<1x16xf32>,
            %swap3A_118 = vector.shape_cast %swap3A_117 : vector<1x16xf32> to vector<16xf32>
            %swap3A_119 = vector.shape_cast %mul3A_114 : vector<16xf32> to vector<1x16xf32>
            tpu.vector_store %arg9[%swap3A_115, %swap3A_116], %swap3A_119 {strides = array<i32>} : memref<16x320xf32, #tpu.memory_space<vmem>>, vector<1x16xf32>,
            %mul3A_120 = arith.constant 5 : i32
            %mul3A_121 = arith.muli %scan3A_41, %mul3A_120 : i32
            %add3A_122 = arith.constant 4 : i32
            %add3A_123 = arith.addi %mul3A_121, %add3A_122 : i32
            %mul3A_124 = arith.constant 16 : i32
            %mul3A_125 = arith.muli %add3A_123, %mul3A_124 : i32
            %get3A_126 = arith.index_cast %scan3A_35 : i32 to index
            %get3A_127 = arith.index_cast %mul3A_125 : i32 to index
            %get3A_128 = tpu.vector_load %arg8[%get3A_126, %get3A_127] {strides = array<i32>} : memref<16x320xf32, #tpu.memory_space<vmem>>, vector<1x16xf32>,
            %get3A_129 = vector.shape_cast %get3A_128 : vector<1x16xf32> to vector<16xf32>
            %get3A_130 = arith.index_cast %scan3A_35 : i32 to index
            %get3A_131 = arith.index_cast %mul3A_125 : i32 to index
            %get3A_132 = tpu.vector_load %arg7[%get3A_130, %get3A_131] {strides = array<i32>} : memref<16x320xf32, #tpu.memory_space<vmem>>, vector<1x16xf32>,
            %get3A_133 = vector.shape_cast %get3A_132 : vector<1x16xf32> to vector<16xf32>
            %mul3A_134 = arith.mulf %get3A_129, %get3A_133 : vector<16xf32>
            %swap3A_135 = arith.index_cast %scan3A_35 : i32 to index
            %swap3A_136 = arith.index_cast %mul3A_125 : i32 to index
            %swap3A_137 = tpu.vector_load %arg9[%swap3A_135, %swap3A_136] {strides = array<i32>} : memref<16x320xf32, #tpu.memory_space<vmem>>, vector<1x16xf32>,
            %swap3A_138 = vector.shape_cast %swap3A_137 : vector<1x16xf32> to vector<16xf32>
            %swap3A_139 = vector.shape_cast %mul3A_134 : vector<16xf32> to vector<1x16xf32>
            tpu.vector_store %arg9[%swap3A_135, %swap3A_136], %swap3A_139 {strides = array<i32>} : memref<16x320xf32, #tpu.memory_space<vmem>>, vector<1x16xf32>,
          }
          %scan3A_40 = arith.constant 4 : i32
        }
        %scan3A_26 = arith.constant 16 : i32
        %run_scoped3A_27 = arith.constant 0 : i32
        "tpu.region"() ({
          %run_scoped3A_35 = tpu.sem_alloc : memref<!tpu.dma_semaphore, #tpu.memory_space<semaphore_mem>>
          %dma_start3A = arith.constant 0 : i32
          %dma_start3A_36 = tpu.memref_slice %arg4[%add3A_8, %run_scoped3A_27, %mul3A_16, %dma_start3A] : memref<64x2x320x320xf32, #tpu.memory_space<hbm>> -> memref<1x1x16x320xf32, #tpu.memory_space<hbm>>
          %dma_start3A_37 = tpu.memref_squeeze %dma_start3A_36 : memref<1x1x16x320xf32, #tpu.memory_space<hbm>> -> memref<16x320xf32, #tpu.memory_space<hbm>>
          %dma_start3A_38 = arith.constant 0 : i32
          %dma_start3A_39 = tpu.memref_slice %arg4[%add3A_8, %run_scoped3A_27, %mul3A_16, %dma_start3A_38] : memref<64x2x320x320xf32, #tpu.memory_space<hbm>> -> memref<1x1x16x320xf32, #tpu.memory_space<hbm>>
          %dma_start3A_40 = tpu.memref_squeeze %dma_start3A_39 : memref<1x1x16x320xf32, #tpu.memory_space<hbm>> -> memref<16x320xf32, #tpu.memory_space<hbm>>
          tpu.enqueue_dma source(%arg9 : memref<16x320xf32, #tpu.memory_space<vmem>>) target(%dma_start3A_40 : memref<16x320xf32, #tpu.memory_space<hbm>>) target_semaphore(%run_scoped3A_35 : memref<!tpu.dma_semaphore, #tpu.memory_space<semaphore_mem>>)
          %dma_wait3A = arith.constant 0 : i32
          %dma_wait3A_41 = tpu.memref_slice %arg4[%add3A_8, %run_scoped3A_27, %mul3A_16, %dma_wait3A] : memref<64x2x320x320xf32, #tpu.memory_space<hbm>> -> memref<1x1x16x320xf32, #tpu.memory_space<hbm>>
          %dma_wait3A_42 = tpu.memref_squeeze %dma_wait3A_41 : memref<1x1x16x320xf32, #tpu.memory_space<hbm>> -> memref<16x320xf32, #tpu.memory_space<hbm>>
          %dma_wait3A_43 = arith.constant 0 : i32
          %dma_wait3A_44 = tpu.memref_slice %arg4[%add3A_8, %run_scoped3A_27, %mul3A_16, %dma_wait3A_43] : memref<64x2x320x320xf32, #tpu.memory_space<hbm>> -> memref<1x1x16x320xf32, #tpu.memory_space<hbm>>
          %dma_wait3A_45 = tpu.memref_squeeze %dma_wait3A_44 : memref<1x1x16x320xf32, #tpu.memory_space<hbm>> -> memref<16x320xf32, #tpu.memory_space<hbm>>
          tpu.wait_dma2 semaphore(%run_scoped3A_35 : memref<!tpu.dma_semaphore, #tpu.memory_space<semaphore_mem>>) src(%arg9 : memref<16x320xf32, #tpu.memory_space<vmem>>) dst(%dma_wait3A_45 : memref<16x320xf32, #tpu.memory_space<hbm>>)
          tpu.yield
        }) : () -> ()
        %run_scoped3A_28 = arith.constant 1 : i32
        "tpu.region"() ({
          %run_scoped3A_35 = tpu.sem_alloc : memref<!tpu.dma_semaphore, #tpu.memory_space<semaphore_mem>>
          %dma_start3A = arith.constant 0 : i32
          %dma_start3A_36 = tpu.memref_slice %arg3[%add3A_8, %run_scoped3A_28, %mul3A_16, %dma_start3A] : memref<64x2x320x320xf32, #tpu.memory_space<hbm>> -> memref<1x1x16x320xf32, #tpu.memory_space<hbm>>
          %dma_start3A_37 = tpu.memref_squeeze %dma_start3A_36 : memref<1x1x16x320xf32, #tpu.memory_space<hbm>> -> memref<16x320xf32, #tpu.memory_space<hbm>>
          %dma_start3A_38 = arith.constant 0 : i32
          %dma_start3A_39 = tpu.memref_slice %arg3[%add3A_8, %run_scoped3A_28, %mul3A_16, %dma_start3A_38] : memref<64x2x320x320xf32, #tpu.memory_space<hbm>> -> memref<1x1x16x320xf32, #tpu.memory_space<hbm>>
          %dma_start3A_40 = tpu.memref_squeeze %dma_start3A_39 : memref<1x1x16x320xf32, #tpu.memory_space<hbm>> -> memref<16x320xf32, #tpu.memory_space<hbm>>
          tpu.enqueue_dma source(%dma_start3A_40 : memref<16x320xf32, #tpu.memory_space<hbm>>) target(%arg8 : memref<16x320xf32, #tpu.memory_space<vmem>>) target_semaphore(%run_scoped3A_35 : memref<!tpu.dma_semaphore, #tpu.memory_space<semaphore_mem>>)
          %dma_wait3A = arith.constant 0 : i32
          %dma_wait3A_41 = tpu.memref_slice %arg3[%add3A_8, %run_scoped3A_28, %mul3A_16, %dma_wait3A] : memref<64x2x320x320xf32, #tpu.memory_space<hbm>> -> memref<1x1x16x320xf32, #tpu.memory_space<hbm>>
          %dma_wait3A_42 = tpu.memref_squeeze %dma_wait3A_41 : memref<1x1x16x320xf32, #tpu.memory_space<hbm>> -> memref<16x320xf32, #tpu.memory_space<hbm>>
          %dma_wait3A_43 = arith.constant 0 : i32
          %dma_wait3A_44 = tpu.memref_slice %arg3[%add3A_8, %run_scoped3A_28, %mul3A_16, %dma_wait3A_43] : memref<64x2x320x320xf32, #tpu.memory_space<hbm>> -> memref<1x1x16x320xf32, #tpu.memory_space<hbm>>
          %dma_wait3A_45 = tpu.memref_squeeze %dma_wait3A_44 : memref<1x1x16x320xf32, #tpu.memory_space<hbm>> -> memref<16x320xf32, #tpu.memory_space<hbm>>
          tpu.wait_dma2 semaphore(%run_scoped3A_35 : memref<!tpu.dma_semaphore, #tpu.memory_space<semaphore_mem>>) src(%dma_wait3A_45 : memref<16x320xf32, #tpu.memory_space<hbm>>) dst(%arg8 : memref<16x320xf32, #tpu.memory_space<vmem>>)
          tpu.yield
        }) : () -> ()
        %scan3A_29 = arith.constant 0 : i32
        %scan3A_30 = arith.constant 16 : i32
        %scan3A_31 = arith.addi %scan3A_29, %scan3A_30 : i32
        %scan3A_32 = arith.constant 1 : i32
        scf.for %scan3A_35 = %scan3A_29 to %scan3A_31 step %scan3A_32  : i32 {
          %scan3A_36 = arith.constant 0 : i32
          %scan3A_37 = arith.constant 4 : i32
          %scan3A_38 = arith.addi %scan3A_36, %scan3A_37 : i32
          %scan3A_39 = arith.constant 1 : i32
          scf.for %scan3A_41 = %scan3A_36 to %scan3A_38 step %scan3A_39  : i32 {
            %mul3A_42 = arith.constant 5 : i32
            %mul3A_43 = arith.muli %scan3A_41, %mul3A_42 : i32
            %add3A_44 = arith.constant 0 : i32
            %add3A_45 = arith.addi %mul3A_43, %add3A_44 : i32
            %mul3A_46 = arith.constant 16 : i32
            %mul3A_47 = arith.muli %add3A_45, %mul3A_46 : i32
            %get3A = arith.index_cast %scan3A_35 : i32 to index
            %get3A_48 = arith.index_cast %mul3A_47 : i32 to index
            %get3A_49 = tpu.vector_load %arg8[%get3A, %get3A_48] {strides = array<i32>} : memref<16x320xf32, #tpu.memory_space<vmem>>, vector<1x16xf32>,
            %get3A_50 = vector.shape_cast %get3A_49 : vector<1x16xf32> to vector<16xf32>
            %get3A_51 = arith.index_cast %scan3A_35 : i32 to index
            %get3A_52 = arith.index_cast %mul3A_47 : i32 to index
            %get3A_53 = tpu.vector_load %arg7[%get3A_51, %get3A_52] {strides = array<i32>} : memref<16x320xf32, #tpu.memory_space<vmem>>, vector<1x16xf32>,
            %get3A_54 = vector.shape_cast %get3A_53 : vector<1x16xf32> to vector<16xf32>
            %mul3A_55 = arith.mulf %get3A_50, %get3A_54 : vector<16xf32>
            %swap3A = arith.index_cast %scan3A_35 : i32 to index
            %swap3A_56 = arith.index_cast %mul3A_47 : i32 to index
            %swap3A_57 = tpu.vector_load %arg9[%swap3A, %swap3A_56] {strides = array<i32>} : memref<16x320xf32, #tpu.memory_space<vmem>>, vector<1x16xf32>,
            %swap3A_58 = vector.shape_cast %swap3A_57 : vector<1x16xf32> to vector<16xf32>
            %swap3A_59 = vector.shape_cast %mul3A_55 : vector<16xf32> to vector<1x16xf32>
            tpu.vector_store %arg9[%swap3A, %swap3A_56], %swap3A_59 {strides = array<i32>} : memref<16x320xf32, #tpu.memory_space<vmem>>, vector<1x16xf32>,
            %mul3A_60 = arith.constant 5 : i32
            %mul3A_61 = arith.muli %scan3A_41, %mul3A_60 : i32
            %add3A_62 = arith.constant 1 : i32
            %add3A_63 = arith.addi %mul3A_61, %add3A_62 : i32
            %mul3A_64 = arith.constant 16 : i32
            %mul3A_65 = arith.muli %add3A_63, %mul3A_64 : i32
            %get3A_66 = arith.index_cast %scan3A_35 : i32 to index
            %get3A_67 = arith.index_cast %mul3A_65 : i32 to index
            %get3A_68 = tpu.vector_load %arg8[%get3A_66, %get3A_67] {strides = array<i32>} : memref<16x320xf32, #tpu.memory_space<vmem>>, vector<1x16xf32>,
            %get3A_69 = vector.shape_cast %get3A_68 : vector<1x16xf32> to vector<16xf32>
            %get3A_70 = arith.index_cast %scan3A_35 : i32 to index
            %get3A_71 = arith.index_cast %mul3A_65 : i32 to index
            %get3A_72 = tpu.vector_load %arg7[%get3A_70, %get3A_71] {strides = array<i32>} : memref<16x320xf32, #tpu.memory_space<vmem>>, vector<1x16xf32>,
            %get3A_73 = vector.shape_cast %get3A_72 : vector<1x16xf32> to vector<16xf32>
            %mul3A_74 = arith.mulf %get3A_69, %get3A_73 : vector<16xf32>
            %swap3A_75 = arith.index_cast %scan3A_35 : i32 to index
            %swap3A_76 = arith.index_cast %mul3A_65 : i32 to index
            %swap3A_77 = tpu.vector_load %arg9[%swap3A_75, %swap3A_76] {strides = array<i32>} : memref<16x320xf32, #tpu.memory_space<vmem>>, vector<1x16xf32>,
            %swap3A_78 = vector.shape_cast %swap3A_77 : vector<1x16xf32> to vector<16xf32>
            %swap3A_79 = vector.shape_cast %mul3A_74 : vector<16xf32> to vector<1x16xf32>
            tpu.vector_store %arg9[%swap3A_75, %swap3A_76], %swap3A_79 {strides = array<i32>} : memref<16x320xf32, #tpu.memory_space<vmem>>, vector<1x16xf32>,
            %mul3A_80 = arith.constant 5 : i32
            %mul3A_81 = arith.muli %scan3A_41, %mul3A_80 : i32
            %add3A_82 = arith.constant 2 : i32
            %add3A_83 = arith.addi %mul3A_81, %add3A_82 : i32
            %mul3A_84 = arith.constant 16 : i32
            %mul3A_85 = arith.muli %add3A_83, %mul3A_84 : i32
            %get3A_86 = arith.index_cast %scan3A_35 : i32 to index
            %get3A_87 = arith.index_cast %mul3A_85 : i32 to index
            %get3A_88 = tpu.vector_load %arg8[%get3A_86, %get3A_87] {strides = array<i32>} : memref<16x320xf32, #tpu.memory_space<vmem>>, vector<1x16xf32>,
            %get3A_89 = vector.shape_cast %get3A_88 : vector<1x16xf32> to vector<16xf32>
            %get3A_90 = arith.index_cast %scan3A_35 : i32 to index
            %get3A_91 = arith.index_cast %mul3A_85 : i32 to index
            %get3A_92 = tpu.vector_load %arg7[%get3A_90, %get3A_91] {strides = array<i32>} : memref<16x320xf32, #tpu.memory_space<vmem>>, vector<1x16xf32>,
            %get3A_93 = vector.shape_cast %get3A_92 : vector<1x16xf32> to vector<16xf32>
            %mul3A_94 = arith.mulf %get3A_89, %get3A_93 : vector<16xf32>
            %swap3A_95 = arith.index_cast %scan3A_35 : i32 to index
            %swap3A_96 = arith.index_cast %mul3A_85 : i32 to index
            %swap3A_97 = tpu.vector_load %arg9[%swap3A_95, %swap3A_96] {strides = array<i32>} : memref<16x320xf32, #tpu.memory_space<vmem>>, vector<1x16xf32>,
            %swap3A_98 = vector.shape_cast %swap3A_97 : vector<1x16xf32> to vector<16xf32>
            %swap3A_99 = vector.shape_cast %mul3A_94 : vector<16xf32> to vector<1x16xf32>
            tpu.vector_store %arg9[%swap3A_95, %swap3A_96], %swap3A_99 {strides = array<i32>} : memref<16x320xf32, #tpu.memory_space<vmem>>, vector<1x16xf32>,
            %mul3A_100 = arith.constant 5 : i32
            %mul3A_101 = arith.muli %scan3A_41, %mul3A_100 : i32
            %add3A_102 = arith.constant 3 : i32
            %add3A_103 = arith.addi %mul3A_101, %add3A_102 : i32
            %mul3A_104 = arith.constant 16 : i32
            %mul3A_105 = arith.muli %add3A_103, %mul3A_104 : i32
            %get3A_106 = arith.index_cast %scan3A_35 : i32 to index
            %get3A_107 = arith.index_cast %mul3A_105 : i32 to index
            %get3A_108 = tpu.vector_load %arg8[%get3A_106, %get3A_107] {strides = array<i32>} : memref<16x320xf32, #tpu.memory_space<vmem>>, vector<1x16xf32>,
            %get3A_109 = vector.shape_cast %get3A_108 : vector<1x16xf32> to vector<16xf32>
            %get3A_110 = arith.index_cast %scan3A_35 : i32 to index
            %get3A_111 = arith.index_cast %mul3A_105 : i32 to index
            %get3A_112 = tpu.vector_load %arg7[%get3A_110, %get3A_111] {strides = array<i32>} : memref<16x320xf32, #tpu.memory_space<vmem>>, vector<1x16xf32>,
            %get3A_113 = vector.shape_cast %get3A_112 : vector<1x16xf32> to vector<16xf32>
            %mul3A_114 = arith.mulf %get3A_109, %get3A_113 : vector<16xf32>
            %swap3A_115 = arith.index_cast %scan3A_35 : i32 to index
            %swap3A_116 = arith.index_cast %mul3A_105 : i32 to index
            %swap3A_117 = tpu.vector_load %arg9[%swap3A_115, %swap3A_116] {strides = array<i32>} : memref<16x320xf32, #tpu.memory_space<vmem>>, vector<1x16xf32>,
            %swap3A_118 = vector.shape_cast %swap3A_117 : vector<1x16xf32> to vector<16xf32>
            %swap3A_119 = vector.shape_cast %mul3A_114 : vector<16xf32> to vector<1x16xf32>
            tpu.vector_store %arg9[%swap3A_115, %swap3A_116], %swap3A_119 {strides = array<i32>} : memref<16x320xf32, #tpu.memory_space<vmem>>, vector<1x16xf32>,
            %mul3A_120 = arith.constant 5 : i32
            %mul3A_121 = arith.muli %scan3A_41, %mul3A_120 : i32
            %add3A_122 = arith.constant 4 : i32
            %add3A_123 = arith.addi %mul3A_121, %add3A_122 : i32
            %mul3A_124 = arith.constant 16 : i32
            %mul3A_125 = arith.muli %add3A_123, %mul3A_124 : i32
            %get3A_126 = arith.index_cast %scan3A_35 : i32 to index
            %get3A_127 = arith.index_cast %mul3A_125 : i32 to index
            %get3A_128 = tpu.vector_load %arg8[%get3A_126, %get3A_127] {strides = array<i32>} : memref<16x320xf32, #tpu.memory_space<vmem>>, vector<1x16xf32>,
            %get3A_129 = vector.shape_cast %get3A_128 : vector<1x16xf32> to vector<16xf32>
            %get3A_130 = arith.index_cast %scan3A_35 : i32 to index
            %get3A_131 = arith.index_cast %mul3A_125 : i32 to index
            %get3A_132 = tpu.vector_load %arg7[%get3A_130, %get3A_131] {strides = array<i32>} : memref<16x320xf32, #tpu.memory_space<vmem>>, vector<1x16xf32>,
            %get3A_133 = vector.shape_cast %get3A_132 : vector<1x16xf32> to vector<16xf32>
            %mul3A_134 = arith.mulf %get3A_129, %get3A_133 : vector<16xf32>
            %swap3A_135 = arith.index_cast %scan3A_35 : i32 to index
            %swap3A_136 = arith.index_cast %mul3A_125 : i32 to index
            %swap3A_137 = tpu.vector_load %arg9[%swap3A_135, %swap3A_136] {strides = array<i32>} : memref<16x320xf32, #tpu.memory_space<vmem>>, vector<1x16xf32>,
            %swap3A_138 = vector.shape_cast %swap3A_137 : vector<1x16xf32> to vector<16xf32>
            %swap3A_139 = vector.shape_cast %mul3A_134 : vector<16xf32> to vector<1x16xf32>
            tpu.vector_store %arg9[%swap3A_135, %swap3A_136], %swap3A_139 {strides = array<i32>} : memref<16x320xf32, #tpu.memory_space<vmem>>, vector<1x16xf32>,
          }
          %scan3A_40 = arith.constant 4 : i32
        }
        %scan3A_33 = arith.constant 16 : i32
        %run_scoped3A_34 = arith.constant 1 : i32
        "tpu.region"() ({
          %run_scoped3A_35 = tpu.sem_alloc : memref<!tpu.dma_semaphore, #tpu.memory_space<semaphore_mem>>
          %dma_start3A = arith.constant 0 : i32
          %dma_start3A_36 = tpu.memref_slice %arg4[%add3A_8, %run_scoped3A_34, %mul3A_16, %dma_start3A] : memref<64x2x320x320xf32, #tpu.memory_space<hbm>> -> memref<1x1x16x320xf32, #tpu.memory_space<hbm>>
          %dma_start3A_37 = tpu.memref_squeeze %dma_start3A_36 : memref<1x1x16x320xf32, #tpu.memory_space<hbm>> -> memref<16x320xf32, #tpu.memory_space<hbm>>
          %dma_start3A_38 = arith.constant 0 : i32
          %dma_start3A_39 = tpu.memref_slice %arg4[%add3A_8, %run_scoped3A_34, %mul3A_16, %dma_start3A_38] : memref<64x2x320x320xf32, #tpu.memory_space<hbm>> -> memref<1x1x16x320xf32, #tpu.memory_space<hbm>>
          %dma_start3A_40 = tpu.memref_squeeze %dma_start3A_39 : memref<1x1x16x320xf32, #tpu.memory_space<hbm>> -> memref<16x320xf32, #tpu.memory_space<hbm>>
          tpu.enqueue_dma source(%arg9 : memref<16x320xf32, #tpu.memory_space<vmem>>) target(%dma_start3A_40 : memref<16x320xf32, #tpu.memory_space<hbm>>) target_semaphore(%run_scoped3A_35 : memref<!tpu.dma_semaphore, #tpu.memory_space<semaphore_mem>>)
          %dma_wait3A = arith.constant 0 : i32
          %dma_wait3A_41 = tpu.memref_slice %arg4[%add3A_8, %run_scoped3A_34, %mul3A_16, %dma_wait3A] : memref<64x2x320x320xf32, #tpu.memory_space<hbm>> -> memref<1x1x16x320xf32, #tpu.memory_space<hbm>>
          %dma_wait3A_42 = tpu.memref_squeeze %dma_wait3A_41 : memref<1x1x16x320xf32, #tpu.memory_space<hbm>> -> memref<16x320xf32, #tpu.memory_space<hbm>>
          %dma_wait3A_43 = arith.constant 0 : i32
          %dma_wait3A_44 = tpu.memref_slice %arg4[%add3A_8, %run_scoped3A_34, %mul3A_16, %dma_wait3A_43] : memref<64x2x320x320xf32, #tpu.memory_space<hbm>> -> memref<1x1x16x320xf32, #tpu.memory_space<hbm>>
          %dma_wait3A_45 = tpu.memref_squeeze %dma_wait3A_44 : memref<1x1x16x320xf32, #tpu.memory_space<hbm>> -> memref<16x320xf32, #tpu.memory_space<hbm>>
          tpu.wait_dma2 semaphore(%run_scoped3A_35 : memref<!tpu.dma_semaphore, #tpu.memory_space<semaphore_mem>>) src(%arg9 : memref<16x320xf32, #tpu.memory_space<vmem>>) dst(%dma_wait3A_45 : memref<16x320xf32, #tpu.memory_space<hbm>>)
          tpu.yield
        }) : () -> ()
      }
      %scan3A_13 = arith.constant 20 : i32
    }
    %scan3A_4 = arith.constant 2 : i32
    return
  }
}

module attributes {stable_mosaic.version = 14 : i64} {
  func.func @_prep_body(%arg0: memref<320x320xf32, #tpu.memory_space<vmem>>, %arg1: memref<320x320xi32, #tpu.memory_space<vmem>>) attributes {dimension_semantics = [], scalar_prefetch = 0 : i64, scratch_operands = 0 : i64, tpu.core_type = #tpu.core_type<tc>} {
    %iota3A = tpu.iota {dimensions = array<i32: 0>} : vector<320x320xi32>
    %iota3A_0 = tpu.iota {dimensions = array<i32: 1>} : vector<320x320xi32>
    %get3A = arith.constant 0 : index
    %get3A_1 = arith.constant 0 : index
    %get3A_2 = vector.load %arg0[%get3A, %get3A_1] : memref<320x320xf32, #tpu.memory_space<vmem>>, vector<320x320xf32>
    %mul3A = arith.constant 5.000000e+00 : f32
    %mul3A_3 = vector.broadcast %mul3A : f32 to vector<320x320xf32>
    %mul3A_4 = arith.mulf %mul3A_3, %get3A_2 : vector<320x320xf32>
    %logistic3A = arith.negf %mul3A_4 : vector<320x320xf32>
    %logistic3A_5 = math.exp %logistic3A : vector<320x320xf32>
    %logistic3A_6 = arith.constant 1.000000e+00 : f32
    %logistic3A_7 = vector.broadcast %logistic3A_6 : f32 to vector<320x320xf32>
    %logistic3A_8 = arith.addf %logistic3A_7, %logistic3A_5 : vector<320x320xf32>
    %logistic3A_9 = arith.divf %logistic3A_7, %logistic3A_8 : vector<320x320xf32>
    %ge3A = arith.constant 146 : i32
    %ge3A_10 = vector.broadcast %ge3A : i32 to vector<320x320xi32>
    %ge3A_11 = arith.cmpi sge, %iota3A, %ge3A_10 : vector<320x320xi32>
    %lt3A = arith.constant 174 : i32
    %lt3A_12 = vector.broadcast %lt3A : i32 to vector<320x320xi32>
    %lt3A_13 = arith.cmpi slt, %iota3A, %lt3A_12 : vector<320x320xi32>
    %and3A = arith.andi %ge3A_11, %lt3A_13 : vector<320x320xi1>
    %ge3A_14 = arith.constant 146 : i32
    %ge3A_15 = vector.broadcast %ge3A_14 : i32 to vector<320x320xi32>
    %ge3A_16 = arith.cmpi sge, %iota3A_0, %ge3A_15 : vector<320x320xi32>
    %and3A_17 = arith.andi %and3A, %ge3A_16 : vector<320x320xi1>
    %lt3A_18 = arith.constant 174 : i32
    %lt3A_19 = vector.broadcast %lt3A_18 : i32 to vector<320x320xi32>
    %lt3A_20 = arith.cmpi slt, %iota3A_0, %lt3A_19 : vector<320x320xi32>
    %and3A_21 = arith.andi %and3A_17, %lt3A_20 : vector<320x320xi1>
    %jit3A = arith.constant 0.000000e+00 : f32
    %broadcast_in_dim3A = vector.broadcast %jit3A : f32 to vector<320x320xf32>
    %select_n3A = arith.select %and3A_21, %broadcast_in_dim3A, %logistic3A_9 : vector<320x320xi1>, vector<320x320xf32>
    %reduce_sum3A = vector.shape_cast %select_n3A : vector<320x320xf32> to vector<1x320x320xf32>
    %reduce_sum3A_22 = arith.constant dense<0.000000e+00> : vector<1xf32>
    %reduce_sum3A_23 = vector.multi_reduction <add>, %reduce_sum3A, %reduce_sum3A_22 [1, 2] : vector<1x320x320xf32> to vector<1xf32>
    %reduce_sum3A_24 = vector.shape_cast %reduce_sum3A_23 : vector<1xf32> to vector<1x1x1xf32>
    %reduce_sum3A_25 = vector.extract %reduce_sum3A_24[0, 0, 0] : f32 from vector<1x1x1xf32>
    %div3A = arith.constant 1.024000e+05 : f32
    %div3A_26 = arith.divf %reduce_sum3A_25, %div3A : f32
    %div3A_27 = arith.constant 5.468750e-02 : f32
    %div3A_28 = arith.divf %div3A_27, %div3A_26 : f32
    %sub3A = arith.constant 1.000000e+00 : f32
    %sub3A_29 = arith.constant 5.468750e-02 : f32
    %sub3A_30 = arith.subf %sub3A, %sub3A_29 : f32
    %sub3A_31 = arith.constant 1.000000e+00 : f32
    %sub3A_32 = arith.subf %sub3A_31, %div3A_26 : f32
    %div3A_33 = arith.divf %sub3A_30, %sub3A_32 : f32
    %le3A = arith.constant 1.000000e+00 : f32
    %le3A_34 = arith.cmpf ole, %div3A_28, %le3A : f32
    %mul3A_35 = vector.broadcast %div3A_28 : f32 to vector<320x320xf32>
    %mul3A_36 = arith.mulf %select_n3A, %mul3A_35 : vector<320x320xf32>
    %sub3A_37 = arith.constant 1.000000e+00 : f32
    %sub3A_38 = vector.broadcast %sub3A_37 : f32 to vector<320x320xf32>
    %sub3A_39 = arith.subf %sub3A_38, %select_n3A : vector<320x320xf32>
    %mul3A_40 = vector.broadcast %div3A_33 : f32 to vector<320x320xf32>
    %mul3A_41 = arith.mulf %sub3A_39, %mul3A_40 : vector<320x320xf32>
    %sub3A_42 = arith.constant 1.000000e+00 : f32
    %sub3A_43 = vector.broadcast %sub3A_42 : f32 to vector<320x320xf32>
    %sub3A_44 = arith.subf %sub3A_43, %mul3A_41 : vector<320x320xf32>
    %select_n3A_45 = arith.select %le3A_34, %mul3A_36, %sub3A_44 : vector<320x320xf32>
    %mul3A_46 = arith.constant 0x4B000000 : f32
    %mul3A_47 = vector.broadcast %mul3A_46 : f32 to vector<320x320xf32>
    %mul3A_48 = arith.mulf %select_n3A_45, %mul3A_47 : vector<320x320xf32>
    %ceil3A = math.ceil %mul3A_48 : vector<320x320xf32>
    %convert_element_type3A = arith.fptosi %ceil3A : vector<320x320xf32> to vector<320x320xi32>
    %swap3A = arith.constant 0 : index
    %swap3A_49 = arith.constant 0 : index
    %swap3A_50 = vector.load %arg1[%swap3A, %swap3A_49] : memref<320x320xi32, #tpu.memory_space<vmem>>, vector<320x320xi32>
    tpu.vector_store %arg1[%swap3A, %swap3A_49], %convert_element_type3A {strides = array<i32>} : memref<320x320xi32, #tpu.memory_space<vmem>>, vector<320x320xi32>,
    return
  }
}

</mosaic_0001>

<sc_bundles>
// kernel: kernel.4.cloned.1.call-start
scs
__scs_entry_jumppad:
0x0: {  	(pc) =	sbr.rel $0x88, $3  }
0x1: {  	(tag) =	ssettag $0x0;
	lr =	simm.s32 $0x1  }
0x2: {  	[smem:$0x3F9F] =	sst lr;
	_ =	strace $0xD0000000  }
0x3: {  	_ = 	snop  }
0x4: {  	_ = 	snop  }
0x5: {  	_ = 	snop  }
0x6: {  	_ = 	snop  }
0x7: {  	_ = 	snop  }
__scs_overlays_trampoline_lowered:
0x8: {  	[smem:$0x3FAE] =	sst s0  }
0x9: {  	[smem:$0x3FAF] =	sst s1  }
0xa: {  	[smem:$0x3FB0] =	sst s2  }
0xb: {  	[smem:$0x3FB1] =	sst s3  }
0xc: {  	[smem:$0x3FB2] =	sst s4  }
0xd: {  	[smem:$0x3FB3] =	sst s5  }
0xe: {  	[smem:$0x3FB4] =	sst s6  }
0xf: {  	[smem:$0x3FB5] =	sst s7  }
0x10: {  	[smem:$0x3FB6] =	sst s8  }
0x11: {  	[smem:$0x3FB7] =	sst s9;
	s0 =	simm.s32 @!p0 $0x0  }
0x12: {  	s1 =	sld [smem:$0x3F9D];
	s0 =	simm.s32 @p0 $0x1  }
0x13: {  	[smem:$0x3FB8] =	sst s0;
	s0 =	simm.s32 @!p1 $0x0  }
0x14: {  	s2 =	sld [smem:$0x3F9C];
	s0 =	simm.s32 @p1 $0x1  }
0x15: {  	[smem:$0x3FB9] =	sst s0;
	s0 =	simm.s32 @!p2 $0x0  }
0x16: {  	s3 =	sld [smem:$0x3FDB];
	s0 =	simm.s32 @p2 $0x1  }
0x17: {  	s4 =	simm.s32 $0x1BF5;
	[smem:$0x3FBB] =	sst s0  }
0x18: {  	s0 =	sld [smem:$0x3F9E];
	_ =	swait.ge [sflag:s4], $0x0  }
0x19: {  	s7 =	sld [smem:$0x3F9F]  }
0x1a: {  	s8 =	sadd.s32 $0xFFFFE003, lr  }
0x1b: {  	s9 =	sadd.s32 $0xFFFFFEF7, lr;
	s5 =	simm.s32 $0xFFFFFFFF;
	p2 =	slt.u32 s8, $0xFFFFF086  }
0x1c: {  	p1 =	slt.u32 s9, $0xF7A;
	s5 =	simm.s32 @!p2 $0x0  }
0x1d: {  	s5 =	simm.s32 @p1 $0x1;
	p0 =	seq.s32 s7, s2  }
0x1e: {  	s7 =	smul.u32 @!p0 $0xF7A, s2;
	p2 =	seq.s32 @!p0 s5, $0x0  }
0x1f: {  	s9 =	smul.u32 $0xF7A, s1;
	s8 =	simm.s32 @!p0 $0x1BF5;
	p2 =	por !p2, p0  }
0x20: {  	[sflag:s8] =	ssyncset.s32 @!p0 $0xFFFFF086;
	s6 =	sadd.s32 @!p0 s3, s7;
	s7 =	simm.s32 @!p0 $0x108  }
0x21: {  	s3 =	sadd.s32 s3, s9;
	s6 =	sadd.s32 @!p0 $0x88, s6;
	s7 =	simm.s32 @p2 $0x1082  }
0x22: {  	[simem:s7], [sflag:s8] =	dma.local @!p0 [hbm:s6], $0xF7A  }
0x23: {  	s9 =	sor.u32 $0xD0000000, s2;
	s6 =	simm.s32 $0x108;
	_ =	swait.ge @!p0 [sflag:s8], $0x0  }
0x24: {  	s3 =	sadd.s32 $0x88, s3;
	s6 =	simm.s32 @!p1 $0x1082;
	[sflag:s4] =	ssyncset.s32 $0xFFFFF086  }
0x25: {  	[simem:s6], [sflag:s4] =	dma.local [hbm:s3], $0xF7A  }
0x26: {  	[smem:$0x3F9F] =	sst s1;
	(tag) =	ssettag s2;
	_ =	strace s9  }
0x27: {  	s1 =	sld [smem:$0x3FAF]  }
0x28: {  	s2 =	sld [smem:$0x3FB0]  }
0x29: {  	s4 =	sld [smem:$0x3FB2]  }
0x2a: {  	p0 =	seq.s32 s5, $0x0;
	s5 =	sld [smem:$0x3FB3]  }
0x2b: {  	s6 =	sld [smem:$0x3FB4]  }
0x2c: {  	s7 =	sld [smem:$0x3FB5]  }
0x2d: {  	s3 =	simm.s32 $0x108;
	s8 =	sld [smem:$0x3FB6]  }
0x2e: {  	s3 =	simm.s32 @!p0 $0x1082;
	s9 =	sld [smem:$0x3FB7]  }
0x2f: {  	lr =	sadd.s32 s0, s3;
	s0 =	sld [smem:$0x3FAE]  }
0x30: {  	s3 =	sld [smem:$0x3FB1]  }
0x31: {  	[smem:$0x3FBA] =	sst s10  }
0x32: {  	s10 =	sld [smem:$0x3FB8];
	_ =	sdelay $0x3  }
0x33: {  	p0 =	seq.s32 s10, $0x1;
	s10 =	sld [smem:$0x3FBA];
	_ =	sdelay $0x3  }
0x34: {  	[smem:$0x3FBA] =	sst s10  }
0x35: {  	s10 =	sld [smem:$0x3FB9];
	_ =	sdelay $0x3  }
0x36: {  	p1 =	seq.s32 s10, $0x1;
	s10 =	sld [smem:$0x3FBA];
	_ =	sdelay $0x3  }
0x37: {  	[smem:$0x3FBA] =	sst s10  }
0x38: {  	s10 =	sld [smem:$0x3FBB]  }
0x39: {  	_ = 	snop;
	(pc) =	sbr.ind lr, $3  }
0x3a: {  	_ = 	snop  }
0x3b: {  	_ = 	snop  }
0x3c: {  	p2 =	seq.s32 s10, $0x1;
	s10 =	sld [smem:$0x3FBA]  }
0x3d: {  	_ =	shalt  }
0x3e: {  	_ =	shalt  }
0x3f: {  	_ =	shalt  }
0x40: {  	_ =	shalt  }
0x41: {  	_ =	shalt  }
0x42: {  	_ =	shalt  }
0x43: {  	_ =	shalt  }
0x44: {  	_ =	shalt  }
0x45: {  	_ =	shalt  }
0x46: {  	_ =	shalt  }
0x47: {  	_ =	shalt  }
0x48: {  	_ =	shalt  }
0x49: {  	_ =	shalt  }
0x4a: {  	_ =	shalt  }
0x4b: {  	_ =	shalt  }
0x4c: {  	_ =	shalt  }
0x4d: {  	_ =	shalt  }
0x4e: {  	_ =	shalt  }
0x4f: {  	_ =	shalt  }
0x50: {  	_ =	shalt  }
0x51: {  	_ =	shalt  }
0x52: {  	_ =	shalt  }
0x53: {  	_ =	shalt  }
0x54: {  	_ =	shalt  }
0x55: {  	_ =	shalt  }
0x56: {  	_ =	shalt  }
0x57: {  	_ =	shalt  }
0x58: {  	_ =	shalt  }
0x59: {  	_ =	shalt  }
0x5a: {  	_ =	shalt  }
0x5b: {  	_ =	shalt  }
0x5c: {  	_ =	shalt  }
0x5d: {  	_ =	shalt  }
0x5e: {  	_ =	shalt  }
0x5f: {  	_ =	shalt  }
0x60: {  	_ =	shalt  }
0x61: {  	_ =	shalt  }
0x62: {  	_ =	shalt  }
0x63: {  	_ =	shalt  }
0x64: {  	_ =	shalt  }
0x65: {  	_ =	shalt  }
0x66: {  	_ =	shalt  }
0x67: {  	_ =	shalt  }
0x68: {  	_ =	shalt  }
0x69: {  	_ =	shalt  }
0x6a: {  	_ =	shalt  }
0x6b: {  	_ =	shalt  }
0x6c: {  	_ =	shalt  }
0x6d: {  	_ =	shalt  }
0x6e: {  	_ =	shalt  }
0x6f: {  	_ =	shalt  }
0x70: {  	_ =	shalt  }
0x71: {  	_ =	shalt  }
0x72: {  	_ =	shalt  }
0x73: {  	_ =	shalt  }
0x74: {  	_ =	shalt  }
0x75: {  	_ =	shalt  }
0x76: {  	_ =	shalt  }
0x77: {  	_ =	shalt  }
0x78: {  	_ =	shalt  }
0x79: {  	_ =	shalt  }
0x7a: {  	_ =	shalt  }
0x7b: {  	_ =	shalt  }
0x7c: {  	_ =	shalt  }
0x7d: {  	_ =	shalt  }
0x7e: {  	_ =	shalt  }
0x7f: {  	_ =	shalt  }
0x80: {  	_ =	shalt  }
0x81: {  	_ =	shalt  }
0x82: {  	_ =	shalt  }
0x83: {  	_ =	shalt  }
0x84: {  	_ =	shalt  }
0x85: {  	_ =	shalt  }
0x86: {  	_ =	shalt  }
0x87: {  	_ =	shalt  }
.Lfunc_end0:
.L_simem_size_0:
called_computation_lowered:
.L_overlay_start_0:
0x88: {  	s2 =	sld [smem:$0x3FD9]  }
0x89: {  	s3 =	sld [smem:$0x3FFE];
	_ =	sdelay $0x1  }
0x8a: {  	s1 =	srdreg.scid  }
0x8b: {  	s0 =	sand.u32 $0x1, s1  }
0x8c: {  	s14 =	sshll.u32 s0, $0xA;
	s2 =	sadd.s32 s3, s2  }
0x8d: {  	s2 =	sadd.s32 s2, s14  }
0x8e: {  	[smem:$0x3FC6] =	sst s2  }
0x8f: {  	_ = 	snop  }
0x90: {  	s2 =	sld [smem:$0x3FD0];
	_ =	sdelay $0x2  }
0x91: {  	s4 =	simm.s32 $0xA;
	s5 =	simm.s32 $0x10;
	s15 =	sld [smem:$0x3FC9]  }
0x92: {  	[smem:s5], [sflag:s4] =	dma.local [hbm:s2], $0x1  }
0x93: {  	_ =	swait.eq [sflag:s4], $0x1  }
0x94: {  	[sflag:s4] =	ssyncset.done $0x0  }
0x95: {  	s16 =	sld [smem:$0x10];
	[sflag:s4] =	ssyncadd.s32 $0xFFFFFFFF  }
0x96: {  	s17 =	sld [smem:$0x11];
	(tm) =	ssettm $0x1  }
0x97: {  	s18 =	sld [smem:$0x3FFB];
	_ =	sdelay $0x3  }
0x98: {  	_ =	strace s18  }
0x99: {  	s5 =	sld [smem:$0x3FFC];
	_ =	sdelay $0x3  }
0x9a: {  	_ =	strace s5  }
0x9b: {  	s5 =	sld [smem:$0x3FFD];
	_ =	sdelay $0x3  }
0x9c: {  	_ =	strace s5  }
0x9d: {  	_ =	strace $0x8FFFFFFF  }
0x9e: {  	s19 =	sld [smem:$0x3FDB];
	_ =	sdelay $0x1  }
0x9f: {  	s6 =	simm.s32 $_scs_section_size  }
0xa0: {  	s7 =	simm.s32 $_size__tile_overlayer_lowered;
	s8 =	simm.s32 $_tile_overlayer_lowered  }
0xa1: {  	s22 =	simm.s32 $0x1BFF;
	s21 =	sshll.u32 s8, $0x1;
	s5 =	sadd.s32 s6, s19  }
0xa2: {  	s9 =	simm.s32 $0x0;
	s20 =	sshll.u32 s7, $0x1;
	s7 =	sadd.s32 s21, s5  }
0xa3: {  	[timem:s9], [sflag:s22] =	dma.local [hbm:s7], s20  }
0xa4: {  	_ =	swait.ge [sflag:s22], s20  }
0xa5: {  	s6 =	ssub.s32 $0x0, s20;
	[sflag:s22] =	ssyncset.done $0x0  }
0xa6: {  	[sflag:s22] =	ssyncadd.s32 s6;
	_ =	sdelay $0x1  }
0xa7: {  	s23 =	simm.s32 $0x1B8B  }
0xa8: {  	_ =	swait.ge [sflag:s23], $0x1  }
0xa9: {  	[sflag:s23] =	ssyncset.done $0x0  }
0xaa: {  	s25 =	simm.s32 $0x1B8E;
	s24 =	sld [smem:$0x3FFE];
	[sflag:s23] =	ssyncadd.s32 $0xFFFFFFFF  }
0xab: {  	s26 =	simm.s32 $execute0_lowered;
	[smem:$0x3FD2] =	sst s25  }
0xac: {  	s7 =	sshll.u32 s26, $0x1;
	_ =	strace $0x80000046;
	[dreg:$0x1] =	wrdreg $0xFFFFFFFF  }
0xad: {  	s28 =	simm.s32 $_size_execute0_lowered;
	s5 =	sadd.s32 s5, s7;
	[dreg:$0x0] =	wrdreg $0x0  }
0xae: {  	s7 =	sshll.u32 s28, $0x1;
	[dreg:$0x2] =	wrdreg s5  }
0xaf: {  	[dreg:$0x3] =	wrdreg s7  }
0xb0: {  	[dreg:$0x4] =	wrdreg $0xC0  }
0xb1: {  	_ =	task [dreg:s9], $0x5FFFF  }
0xb2: {  	[dreg:$0x1] =	wrdreg $0xFFFFFFFF  }
0xb3: {  	[dreg:$0x0] =	wrdreg $0x60  }
0xb4: {  	[dreg:$0x2] =	wrdreg s24  }
0xb5: {  	[dreg:$0x3] =	wrdreg s15  }
0xb6: {  	[dreg:$0x4] =	wrdreg s16  }
0xb7: {  	[dreg:$0x5] =	wrdreg s17  }
0xb8: {  	[dreg:$0x6] =	wrdreg $0x9  }
0xb9: {  	_ =	task.clear_ibuf [dreg:s9], $0x7FFFF;
	_ =	strace $0x90000046  }
0xba: {  	s29 =	simm.s32 $0x9;
	_ =	strace $0x80000048  }
0xbb: {  	_ =	swait.ge [sflag:s29], $0x1  }
0xbc: {  	[sflag:s29] =	ssyncadd.s32 $0xFFFFFFFF  }
0xbd: {  	_ =	strace $0x90000048  }
0xbe: {  	_ =	sfence  }
0xbf: {  	s30 =	sld [smem:$0x0];
	_ =	sdelay $0x2  }
0xc0: {  	s31 =	sshll.u32 s1, $0xD;
	s1 =	sshrl.u32 s1, $0x2  }
0xc1: {  	s3 =	sand.u32 $0x4000, s31;
	s1 =	sadd.s32 s1, s30  }
0xc2: {  	s0 =	sor.u32 s3, s0;
	s1 =	sshll.u32 s1, $0x11  }
0xc3: {  	s0 =	sor.u32 s1, s0  }
0xc4: {  	s0 =	sadd.s32 $0x8F2B, s0  }
0xc5: {  	[sflag:s0] =	ssyncadd.remote.s32 $0x1  }
0xc6: {  	_ =	sfence.sel $0xFFFF  }
0xc7: {  	[dreg:$0x0] =	wrdreg $0xFFFFFFFF;
	(pc) =	sbr.abs _section_cstart, $3  }
0xc8: {  	[dreg:$0x1] =	wrdreg $0xFFFFFFFF  }
0xc9: {  	_ =	task.clear_ibuf [dreg:s9], $0x2FFFF;
	_ =	strace $0x9FFFFFFF  }
0xca: {  	(tm) =	ssettm $0x7FFFFFFF  }
0xcb: {  	_ =	shalt  }
tec
execute0_lowered:
.L_overlay_start_1:
0x0: {  	(tag) =	ssettag $0x1  }
0x1: {  	s6 =	rddreg [dreg:$0x0]  }
0x2: {  	s1 =	rddreg [dreg:$0x1]  }
0x3: {  	s2 =	rddreg [dreg:$0x2]  }
0x4: {  	s0 =	srdreg.scid;
	s3 =	rddreg [dreg:$0x3]  }
0x5: {  	s5 =	simm.s32 $0x0;
	s30 =	stileid.u32;
	s13 =	simm.s32 $0x4800  }
0x6: {  	s14 =	simm.s32 $0x0;
	s7 =	sand.u32 $0x1, s0;
	[smem:$0x7FF] =	sst s5  }
0x7: {  	s31 =	smul.u32 $0x64000, s30;
	s10 =	sshll.u32 s30, $0x2;
	s6 =	sadd.s32 $0xC00, s6  }
0x8: {  	s8 =	ssub.s32 $0x2, s7;
	_ =	strace $0x80000047;
	s11 =	sshll.u32 s7, $0x1  }
0x9: {  	s12 =	smul.u32 $0x32000, s7;
	s9 =	sshrl.u32 s8, $0x1;
	s7 =	sor.u32 s11, s10  }
0xa: {  	s10 =	simm.s32 $0x1;
	s11 =	simm.s32 $0x1800;
	s8 =	ssub.s32 s8, s9  }
0xb: {  	v0 =	vlaneseq.u32;
	v1 =	vimm.f32 $0.0e+00;
	s9 =	sadd.s32 s12, s31;
	s12 =	simm.s32 $0x3000;
	s8 =	smax.u32 s8, $0x1  }
.LBB2_1:
0xc: {  	p1 =	por $0x1, $0x1;
	s16 =	simm.s32 $0x0  }
.LBB2_2:
0xd: {  	s17 =	sor.u32 s7, s16;
	s18 =	smul.u32 $0x19000, s16  }
0xe: {  	p0 =	por p1, p1;
	s19 =	simm.s32 $0x0;
	s15 =	smul.u32 $0x1E000, s17  }
0xf: {  	s16 =	smul.u32 $0x3C000, s17;
	s17 =	sadd.s32 s18, s9;
	s18 =	simm.s32 $0x0  }
.LBB2_3:
0x10: {  	s20 =	smul.u32 $0x1800, s19;
	_ =	sdelay $0x1  }
0x11: {  	s21 =	sshrl.u32 s20, $0x3  }
0x12: {  	s21 =	sadd.s32 s6, s21  }
0x13: {  	[tilespmem:s18], [sflag:$0x1] =	stream.linear.gather [hbm4b:s21+s18], $0x1800, $0x38;
	[tilespmem:$0x6000] =	vst v63  }
0x14: {  	_ =	swait.ge [sflag:s10], $0x1800  }
0x15: {  	[sflag:s10] =	ssyncset.done $0x0  }
0x16: {  	s22 =	simm.s32 $0x0;
	s21 =	smov.u32 s17;
	[sflag:s10] =	ssyncadd.s32 $0xFFFFE800  }
.LBB2_4:
0x17: {  	s23 =	sadd.s32 $0x0, s21  }
0x18: {  	s24 =	sadd.s32 $0x6A, s23  }
0x19: {  	s25 =	sadd.s32 $0x5A, s23;
	s4 =	sadd.s32 $0x3A, s23;
	s26 =	sadd.s32 $0x4A, s23;
	v2 =	vadd.s32 s24, v0  }
0x1a: {  	s23 =	sadd.s32 $0x2A, s23;
	v3 =	vadd.s32 s25, v0;
	v4 =	vadd.s32 s4, v0;
	v5 =	vadd.s32 s26, v0  }
0x1b: {  	v6 =	vadd.s32 s23, v0;
	v7 =	vshrl.u32 v2, $0x13;
	v8 =	vshll.u32 v2, $0xD  }
0x1c: {  	v9 =	vshrl.u32 v3, $0x13;
	v10 =	vshll.u32 v3, $0xD;
	v11 =	vshrl.u32 v5, $0x13  }
0x1d: {  	v12 =	vshll.u32 v5, $0xD;
	v13 =	vshrl.u32 v4, $0x13;
	v14 =	vshll.u32 v4, $0xD  }
0x1e: {  	v15 =	vshrl.u32 v6, $0x13;
	v16 =	vshll.u32 v6, $0xD;
	v7 =	vor.u32 v7, v8  }
0x1f: {  	v8 =	vor.u32 v13, v14;
	v11 =	vor.u32 v11, v12;
	v9 =	vor.u32 v9, v10  }
0x20: {  	v10 =	vor.u32 v15, v16;
	v9 =	vxor.u32 v3, v9;
	v7 =	vxor.u32 v2, v7  }
0x21: {  	v10 =	vxor.u32 v6, v10;
	v8 =	vxor.u32 v4, v8;
	v11 =	vxor.u32 v5, v11  }
0x22: {  	v2 =	vadd.s32 v2, v7;
	v12 =	vshrl.u32 v7, $0x11;
	v7 =	vshll.u32 v7, $0xF  }
0x23: {  	v3 =	vadd.s32 v3, v9;
	v13 =	vshrl.u32 v9, $0x11;
	v9 =	vshll.u32 v9, $0xF  }
0x24: {  	v5 =	vadd.s32 v5, v11;
	v14 =	vshrl.u32 v11, $0x11;
	v11 =	vshll.u32 v11, $0xF  }
0x25: {  	v4 =	vadd.s32 v4, v8;
	v15 =	vshrl.u32 v8, $0x11;
	v8 =	vshll.u32 v8, $0xF  }
0x26: {  	v6 =	vadd.s32 v6, v10;
	v55 =	vshrl.u32 v10, $0x11;
	v10 =	vshll.u32 v10, $0xF  }
0x27: {  	v11 =	vor.u32 v14, v11;
	v9 =	vor.u32 v13, v9;
	v7 =	vor.u32 v12, v7  }
0x28: {  	v10 =	vor.u32 v55, v10;
	v8 =	vor.u32 v15, v8;
	v7 =	vxor.u32 v2, v7  }
0x29: {  	v8 =	vxor.u32 v4, v8;
	v11 =	vxor.u32 v5, v11;
	v9 =	vxor.u32 v3, v9  }
0x2a: {  	v10 =	vxor.u32 v6, v10;
	v2 =	vadd.s32 v2, v7;
	v12 =	vshrl.u32 v7, $0x6  }
0x2b: {  	v3 =	vadd.s32 v3, v9;
	v13 =	vshrl.u32 v9, $0x6;
	v7 =	vshll.u32 v7, $0x1A  }
0x2c: {  	v5 =	vadd.s32 v5, v11;
	v14 =	vshrl.u32 v11, $0x6;
	v9 =	vshll.u32 v9, $0x1A  }
0x2d: {  	v4 =	vadd.s32 v4, v8;
	v15 =	vshrl.u32 v8, $0x6;
	v11 =	vshll.u32 v11, $0x1A  }
0x2e: {  	v6 =	vadd.s32 v6, v10;
	v56 =	vshrl.u32 v10, $0x6;
	v8 =	vshll.u32 v8, $0x1A  }
0x2f: {  	v10 =	vshll.u32 v10, $0x1A;
	v9 =	vor.u32 v13, v9;
	v7 =	vor.u32 v12, v7  }
0x30: {  	v10 =	vor.u32 v56, v10;
	v8 =	vor.u32 v15, v8;
	v11 =	vor.u32 v14, v11  }
0x31: {  	v11 =	vxor.u32 v5, v11;
	v9 =	vxor.u32 v3, v9;
	v7 =	vxor.u32 v2, v7  }
0x32: {  	v10 =	vxor.u32 v6, v10;
	v8 =	vxor.u32 v4, v8;
	v2 =	vadd.s32 v2, v7  }
0x33: {  	v3 =	vadd.s32 v3, v9;
	v12 =	vshrl.u32 v7, $0x1A;
	v7 =	vshll.u32 v7, $0x6  }
0x34: {  	v5 =	vadd.s32 v5, v11;
	v13 =	vshrl.u32 v9, $0x1A;
	v9 =	vshll.u32 v9, $0x6  }
0x35: {  	v4 =	vadd.s32 v4, v8;
	v14 =	vshrl.u32 v11, $0x1A;
	v11 =	vshll.u32 v11, $0x6  }
0x36: {  	v6 =	vadd.s32 v6, v10;
	v15 =	vshrl.u32 v8, $0x1A;
	v8 =	vshll.u32 v8, $0x6  }
0x37: {  	v57 =	vshrl.u32 v10, $0x1A;
	v10 =	vshll.u32 v10, $0x6;
	v7 =	vor.u32 v12, v7  }
0x38: {  	v8 =	vor.u32 v15, v8;
	v11 =	vor.u32 v14, v11;
	v9 =	vor.u32 v13, v9  }
0x39: {  	v10 =	vor.u32 v57, v10;
	v9 =	vxor.u32 v3, v9;
	v7 =	vxor.u32 v2, v7  }
0x3a: {  	v10 =	vxor.u32 v6, v10;
	v8 =	vxor.u32 v4, v8;
	v11 =	vxor.u32 v5, v11  }
0x3b: {  	v11 =	vadd.s32 $0x1BD11BF1, v11;
	v9 =	vadd.s32 $0x1BD11BF1, v9;
	v7 =	vadd.s32 $0x1BD11BF1, v7  }
0x3c: {  	v10 =	vadd.s32 $0x1BD11BF1, v10;
	v8 =	vadd.s32 $0x1BD11BF1, v8;
	v2 =	vadd.s32 v7, v2  }
0x3d: {  	v3 =	vadd.s32 v9, v3;
	v12 =	vshrl.u32 v7, $0xF;
	v7 =	vshll.u32 v7, $0x11  }
0x3e: {  	v5 =	vadd.s32 v11, v5;
	v13 =	vshrl.u32 v9, $0xF;
	v9 =	vshll.u32 v9, $0x11  }
0x3f: {  	v4 =	vadd.s32 v8, v4;
	v14 =	vshrl.u32 v11, $0xF;
	v11 =	vshll.u32 v11, $0x11  }
0x40: {  	v6 =	vadd.s32 v10, v6;
	v15 =	vshrl.u32 v8, $0xF;
	v8 =	vshll.u32 v8, $0x11  }
0x41: {  	v58 =	vshrl.u32 v10, $0xF;
	v10 =	vshll.u32 v10, $0x11;
	v2 =	vadd.s32 $0x2A, v2  }
0x42: {  	v3 =	vadd.s32 $0x2A, v3;
	v9 =	vor.u32 v13, v9;
	v7 =	vor.u32 v12, v7  }
0x43: {  	v4 =	vadd.s32 $0x2A, v4;
	v5 =	vadd.s32 $0x2A, v5;
	v11 =	vor.u32 v14, v11  }
0x44: {  	v6 =	vadd.s32 $0x2A, v6;
	v10 =	vor.u32 v58, v10;
	v8 =	vor.u32 v15, v8  }
0x45: {  	v11 =	vxor.u32 v5, v11;
	v9 =	vxor.u32 v3, v9;
	v7 =	vxor.u32 v2, v7  }
0x46: {  	v10 =	vxor.u32 v6, v10;
	v8 =	vxor.u32 v4, v8;
	v2 =	vadd.s32 v2, v7  }
0x47: {  	v3 =	vadd.s32 v3, v9;
	v12 =	vshrl.u32 v7, $0x3;
	v7 =	vshll.u32 v7, $0x1D  }
0x48: {  	v5 =	vadd.s32 v5, v11;
	v13 =	vshrl.u32 v9, $0x3;
	v9 =	vshll.u32 v9, $0x1D  }
0x49: {  	v4 =	vadd.s32 v4, v8;
	v14 =	vshrl.u32 v11, $0x3;
	v11 =	vshll.u32 v11, $0x1D  }
0x4a: {  	v6 =	vadd.s32 v6, v10;
	v15 =	vshrl.u32 v8, $0x3;
	v8 =	vshll.u32 v8, $0x1D  }
0x4b: {  	v59 =	vshrl.u32 v10, $0x3;
	v10 =	vshll.u32 v10, $0x1D;
	v7 =	vor.u32 v12, v7  }
0x4c: {  	v8 =	vor.u32 v15, v8;
	v11 =	vor.u32 v14, v11;
	v9 =	vor.u32 v13, v9  }
0x4d: {  	v10 =	vor.u32 v59, v10;
	v9 =	vxor.u32 v3, v9;
	v7 =	vxor.u32 v2, v7  }
0x4e: {  	v10 =	vxor.u32 v6, v10;
	v8 =	vxor.u32 v4, v8;
	v11 =	vxor.u32 v5, v11  }
0x4f: {  	v2 =	vadd.s32 v2, v7;
	v12 =	vshrl.u32 v7, $0x10;
	v7 =	vshll.u32 v7, $0x10  }
0x50: {  	v3 =	vadd.s32 v3, v9;
	v13 =	vshrl.u32 v9, $0x10;
	v9 =	vshll.u32 v9, $0x10  }
0x51: {  	v5 =	vadd.s32 v5, v11;
	v14 =	vshrl.u32 v11, $0x10;
	v11 =	vshll.u32 v11, $0x10  }
0x52: {  	v4 =	vadd.s32 v4, v8;
	v15 =	vshrl.u32 v8, $0x10;
	v8 =	vshll.u32 v8, $0x10  }
0x53: {  	v6 =	vadd.s32 v6, v10;
	v60 =	vshrl.u32 v10, $0x10;
	v10 =	vshll.u32 v10, $0x10  }
0x54: {  	v11 =	vor.u32 v14, v11;
	v9 =	vor.u32 v13, v9;
	v7 =	vor.u32 v12, v7  }
0x55: {  	v10 =	vor.u32 v60, v10;
	v8 =	vor.u32 v15, v8;
	v7 =	vxor.u32 v2, v7  }
0x56: {  	v8 =	vxor.u32 v4, v8;
	v11 =	vxor.u32 v5, v11;
	v9 =	vxor.u32 v3, v9  }
0x57: {  	v10 =	vxor.u32 v6, v10;
	v2 =	vadd.s32 v2, v7;
	v12 =	vshrl.u32 v7, $0x8  }
0x58: {  	v3 =	vadd.s32 v3, v9;
	v13 =	vshrl.u32 v9, $0x8;
	v7 =	vshll.u32 v7, $0x18  }
0x59: {  	v5 =	vadd.s32 v5, v11;
	v14 =	vshrl.u32 v11, $0x8;
	v9 =	vshll.u32 v9, $0x18  }
0x5a: {  	v4 =	vadd.s32 v4, v8;
	v15 =	vshrl.u32 v8, $0x8;
	v11 =	vshll.u32 v11, $0x18  }
0x5b: {  	v6 =	vadd.s32 v6, v10;
	v61 =	vshrl.u32 v10, $0x8;
	v8 =	vshll.u32 v8, $0x18  }
0x5c: {  	v10 =	vshll.u32 v10, $0x18;
	v9 =	vor.u32 v13, v9;
	v7 =	vor.u32 v12, v7  }
0x5d: {  	v10 =	vor.u32 v61, v10;
	v8 =	vor.u32 v15, v8;
	v11 =	vor.u32 v14, v11  }
0x5e: {  	v11 =	vxor.u32 v5, v11;
	v9 =	vxor.u32 v3, v9;
	v7 =	vxor.u32 v2, v7  }
0x5f: {  	v10 =	vxor.u32 v6, v10;
	v8 =	vxor.u32 v4, v8;
	v7 =	vadd.s32 $0x2, v7  }
0x60: {  	v8 =	vadd.s32 $0x2, v8;
	v11 =	vadd.s32 $0x2, v11;
	v9 =	vadd.s32 $0x2, v9  }
0x61: {  	v10 =	vadd.s32 $0x2, v10;
	v2 =	vadd.s32 v7, v2;
	v12 =	vshrl.u32 v7, $0x13  }
0x62: {  	v3 =	vadd.s32 v9, v3;
	v13 =	vshrl.u32 v9, $0x13;
	v7 =	vshll.u32 v7, $0xD  }
0x63: {  	v5 =	vadd.s32 v11, v5;
	v14 =	vshrl.u32 v11, $0x13;
	v9 =	vshll.u32 v9, $0xD  }
0x64: {  	v4 =	vadd.s32 v8, v4;
	v15 =	vshrl.u32 v8, $0x13;
	v11 =	vshll.u32 v11, $0xD  }
0x65: {  	v6 =	vadd.s32 v10, v6;
	v62 =	vshrl.u32 v10, $0x13;
	v8 =	vshll.u32 v8, $0xD  }
0x66: {  	v10 =	vshll.u32 v10, $0xD;
	v2 =	vadd.s32 $0x1BD11BF0, v2;
	v7 =	vor.u32 v12, v7  }
0x67: {  	v5 =	vadd.s32 $0x1BD11BF0, v5;
	v3 =	vadd.s32 $0x1BD11BF0, v3;
	v9 =	vor.u32 v13, v9  }
0x68: {  	v12 =	vadd.s32 $0x1BD11BF0, v4;
	v4 =	vor.u32 v15, v8;
	v8 =	vor.u32 v14, v11  }
0x69: {  	v6 =	vadd.s32 $0x1BD11BF0, v6;
	v10 =	vor.u32 v62, v10;
	v7 =	vxor.u32 v2, v7  }
0x6a: {  	v11 =	vxor.u32 v12, v4;
	v8 =	vxor.u32 v5, v8;
	v9 =	vxor.u32 v3, v9  }
0x6b: {  	v10 =	vxor.u32 v6, v10;
	v13 =	vadd.s32 v2, v7;
	v2 =	vshrl.u32 v7, $0x11  }
0x6c: {  	v3 =	vadd.s32 v3, v9;
	v14 =	vshrl.u32 v9, $0x11;
	v7 =	vshll.u32 v7, $0xF  }
0x6d: {  	s25 =	sshrl.u32 s22, $0x3;
	v4 =	vadd.s32 v5, v8;
	v15 =	vshrl.u32 v8, $0x11;
	v9 =	vshll.u32 v9, $0xF  }
0x6e: {  	s23 =	smul.u32 $0xC00, s25;
	s25 =	simm.s32 $0x0;
	v5 =	vadd.s32 v12, v11;
	v12 =	vshrl.u32 v11, $0x11;
	v8 =	vshll.u32 v8, $0xF  }
0x6f: {  	s26 =	sand.u32 $0x400, s25;
	v6 =	vadd.s32 v6, v10;
	v63 =	vshrl.u32 v10, $0x11;
	v11 =	vshll.u32 v11, $0xF  }
0x70: {  	s30 =	sshll.u32 s22, $0x7;
	s28 =	sand.u32 $0x70, s25;
	s29 =	sadd.s32 s23, s26;
	v10 =	vshll.u32 v10, $0xF;
	v14 =	vor.u32 v14, v9;
	v2 =	vor.u32 v2, v7  }
0x71: {  	s24 =	sand.u32 $0x380, s30;
	s31 =	sor.u32 s28, s29;
	v7 =	vor.u32 v63, v10;
	v10 =	vor.u32 v12, v11;
	v8 =	vor.u32 v15, v8  }
0x72: {  	s28 =	sor.u32 s24, s31;
	v9 =	vxor.u32 v4, v8;
	v11 =	vxor.u32 v3, v14;
	v12 =	vxor.u32 v13, v2  }
0x73: {  	s26 =	simm.s32 $0x0;
	s29 =	simm.s32 $0x50;
	v2 =	vld [tilespmem:s28+$0x0];
	v8 =	vxor.u32 v6, v7;
	v10 =	vxor.u32 v5, v10;
	v7 =	vadd.s32 v13, v12  }
.LBB2_5:
0x74: {  	p1 =	sne.s32 s29, $0xF0;
	v3 =	vadd.s32 v3, v11;
	v13 =	vshrl.u32 v12, $0x6;
	v12 =	vshll.u32 v12, $0x1A  }
0x75: {  	v4 =	vadd.s32 v4, v9;
	v14 =	vshrl.u32 v11, $0x6;
	v11 =	vshll.u32 v11, $0x1A  }
0x76: {  	v5 =	vadd.s32 v5, v10;
	v15 =	vshrl.u32 v9, $0x6;
	v9 =	vshll.u32 v9, $0x1A  }
0x77: {  	v6 =	vadd.s32 v6, v8;
	v16 =	vshrl.u32 v10, $0x6;
	v10 =	vshll.u32 v10, $0x1A  }
0x78: {  	v17 =	vshrl.u32 v8, $0x6;
	v8 =	vshll.u32 v8, $0x1A;
	v12 =	vor.u32 v13, v12  }
0x79: {  	v10 =	vor.u32 v16, v10;
	v9 =	vor.u32 v15, v9;
	v11 =	vor.u32 v14, v11  }
0x7a: {  	v8 =	vor.u32 v17, v8;
	v11 =	vxor.u32 v3, v11;
	v12 =	vxor.u32 v7, v12  }
0x7b: {  	v8 =	vxor.u32 v6, v8;
	v10 =	vxor.u32 v5, v10;
	v9 =	vxor.u32 v4, v9  }
0x7c: {  	v7 =	vadd.s32 v7, v12;
	v13 =	vshrl.u32 v12, $0x1A;
	v12 =	vshll.u32 v12, $0x6  }
0x7d: {  	v3 =	vadd.s32 v3, v11;
	v14 =	vshrl.u32 v11, $0x1A;
	v11 =	vshll.u32 v11, $0x6  }
0x7e: {  	v4 =	vadd.s32 v4, v9;
	v15 =	vshrl.u32 v9, $0x1A;
	v9 =	vshll.u32 v9, $0x6  }
0x7f: {  	v5 =	vadd.s32 v5, v10;
	v16 =	vshrl.u32 v10, $0x1A;
	v10 =	vshll.u32 v10, $0x6  }
0x80: {  	v6 =	vadd.s32 v6, v8;
	v17 =	vshrl.u32 v8, $0x1A;
	v8 =	vshll.u32 v8, $0x6  }
0x81: {  	v9 =	vor.u32 v15, v9;
	v11 =	vor.u32 v14, v11;
	v12 =	vor.u32 v13, v12  }
0x82: {  	v8 =	vor.u32 v17, v8;
	v10 =	vor.u32 v16, v10;
	v12 =	vxor.u32 v7, v12  }
0x83: {  	v10 =	vxor.u32 v5, v10;
	v9 =	vxor.u32 v4, v9;
	v11 =	vxor.u32 v3, v11  }
0x84: {  	v8 =	vxor.u32 v6, v8;
	v11 =	vadd.s32 $0x2D, v11;
	v12 =	vadd.s32 $0x2D, v12  }
0x85: {  	v8 =	vadd.s32 $0x2D, v8;
	v10 =	vadd.s32 $0x2D, v10;
	v9 =	vadd.s32 $0x2D, v9  }
0x86: {  	v7 =	vadd.s32 v7, v12;
	v13 =	vshrl.u32 v12, $0xF;
	v12 =	vshll.u32 v12, $0x11  }
0x87: {  	v3 =	vadd.s32 v3, v11;
	v14 =	vshrl.u32 v11, $0xF;
	v11 =	vshll.u32 v11, $0x11  }
0x88: {  	v4 =	vadd.s32 v4, v9;
	v15 =	vshrl.u32 v9, $0xF;
	v9 =	vshll.u32 v9, $0x11  }
0x89: {  	v5 =	vadd.s32 v5, v10;
	v16 =	vshrl.u32 v10, $0xF;
	v10 =	vshll.u32 v10, $0x11  }
0x8a: {  	v6 =	vadd.s32 v6, v8;
	v17 =	vshrl.u32 v8, $0xF;
	v8 =	vshll.u32 v8, $0x11  }
0x8b: {  	v9 =	vor.u32 v15, v9;
	v11 =	vor.u32 v14, v11;
	v12 =	vor.u32 v13, v12  }
0x8c: {  	v8 =	vor.u32 v17, v8;
	v10 =	vor.u32 v16, v10;
	v12 =	vxor.u32 v7, v12  }
0x8d: {  	v10 =	vxor.u32 v5, v10;
	v9 =	vxor.u32 v4, v9;
	v11 =	vxor.u32 v3, v11  }
0x8e: {  	v8 =	vxor.u32 v6, v8;
	v7 =	vadd.s32 v7, v12;
	v13 =	vshrl.u32 v12, $0x3  }
0x8f: {  	v3 =	vadd.s32 v3, v11;
	v14 =	vshrl.u32 v11, $0x3;
	v12 =	vshll.u32 v12, $0x1D  }
0x90: {  	v4 =	vadd.s32 v4, v9;
	v15 =	vshrl.u32 v9, $0x3;
	v11 =	vshll.u32 v11, $0x1D  }
0x91: {  	v5 =	vadd.s32 v5, v10;
	v16 =	vshrl.u32 v10, $0x3;
	v9 =	vshll.u32 v9, $0x1D  }
0x92: {  	v6 =	vadd.s32 v6, v8;
	v17 =	vshrl.u32 v8, $0x3;
	v10 =	vshll.u32 v10, $0x1D  }
0x93: {  	v8 =	vshll.u32 v8, $0x1D;
	v11 =	vor.u32 v14, v11;
	v12 =	vor.u32 v13, v12  }
0x94: {  	v8 =	vor.u32 v17, v8;
	v10 =	vor.u32 v16, v10;
	v9 =	vor.u32 v15, v9  }
0x95: {  	v9 =	vxor.u32 v4, v9;
	v11 =	vxor.u32 v3, v11;
	v12 =	vxor.u32 v7, v12  }
0x96: {  	v8 =	vxor.u32 v6, v8;
	v10 =	vxor.u32 v5, v10;
	v7 =	vadd.s32 v7, v12  }
0x97: {  	v3 =	vadd.s32 v3, v11;
	v13 =	vshrl.u32 v12, $0x10;
	v12 =	vshll.u32 v12, $0x10  }
0x98: {  	v4 =	vadd.s32 v4, v9;
	v14 =	vshrl.u32 v11, $0x10;
	v11 =	vshll.u32 v11, $0x10  }
0x99: {  	v5 =	vadd.s32 v5, v10;
	v15 =	vshrl.u32 v9, $0x10;
	v9 =	vshll.u32 v9, $0x10  }
0x9a: {  	v6 =	vadd.s32 v6, v8;
	v16 =	vshrl.u32 v10, $0x10;
	v10 =	vshll.u32 v10, $0x10  }
0x9b: {  	v17 =	vshrl.u32 v8, $0x10;
	v8 =	vshll.u32 v8, $0x10;
	v12 =	vor.u32 v13, v12  }
0x9c: {  	v10 =	vor.u32 v16, v10;
	v9 =	vor.u32 v15, v9;
	v11 =	vor.u32 v14, v11  }
0x9d: {  	v8 =	vor.u32 v17, v8;
	v11 =	vxor.u32 v3, v11;
	v12 =	vxor.u32 v7, v12  }
0x9e: {  	v8 =	vxor.u32 v6, v8;
	v10 =	vxor.u32 v5, v10;
	v9 =	vxor.u32 v4, v9  }
0x9f: {  	v7 =	vadd.s32 v7, v12;
	v13 =	vshrl.u32 v12, $0x8;
	v12 =	vshll.u32 v12, $0x18  }
0xa0: {  	v14 =	vadd.s32 v3, v11;
	v3 =	vshrl.u32 v11, $0x8;
	v11 =	vshll.u32 v11, $0x18  }
0xa1: {  	v15 =	vadd.s32 v4, v9;
	v4 =	vshrl.u32 v9, $0x8;
	v9 =	vshll.u32 v9, $0x18  }
0xa2: {  	v16 =	vadd.s32 v5, v10;
	v5 =	vshrl.u32 v10, $0x8;
	v10 =	vshll.u32 v10, $0x18  }
0xa3: {  	v6 =	vadd.s32 v6, v8;
	v17 =	vshrl.u32 v8, $0x8;
	v8 =	vshll.u32 v8, $0x18  }
0xa4: {  	v4 =	vor.u32 v4, v9;
	v3 =	vor.u32 v3, v11;
	v9 =	vor.u32 v13, v12  }
0xa5: {  	v8 =	vor.u32 v17, v8;
	v5 =	vor.u32 v5, v10;
	v9 =	vxor.u32 v7, v9  }
0xa6: {  	v5 =	vxor.u32 v16, v5;
	v4 =	vxor.u32 v15, v4;
	v3 =	vxor.u32 v14, v3  }
0xa7: {  	v8 =	vxor.u32 v6, v8;
	v10 =	vadd.s32 $0x1BD11BF4, v3;
	v9 =	vadd.s32 $0x1BD11BF4, v9  }
0xa8: {  	v8 =	vadd.s32 $0x1BD11BF4, v8;
	v11 =	vadd.s32 $0x1BD11BF4, v5;
	v12 =	vadd.s32 $0x1BD11BF4, v4  }
0xa9: {  	v5 =	vadd.s32 v9, v7;
	v3 =	vshrl.u32 v9, $0x13;
	v4 =	vshll.u32 v9, $0xD  }
0xaa: {  	v6 =	vadd.s32 v8, v6;
	v7 =	vshrl.u32 v8, $0x13;
	v8 =	vshll.u32 v8, $0xD  }
0xab: {  	v6 =	vadd.s32 $0x2A, v6;
	v7 =	vor.u32 v7, v8;
	v8 =	vadd.s32 v10, v14  }
0xac: {  	v9 =	vshrl.u32 v10, $0x13;
	v10 =	vshll.u32 v10, $0xD;
	v7 =	vxor.u32 v6, v7  }
0xad: {  	v15 =	vadd.s32 v12, v15;
	v13 =	vshrl.u32 v7, $0x11;
	v14 =	vshll.u32 v7, $0xF  }
0xae: {  	v6 =	vadd.s32 v6, v7;
	v7 =	vor.u32 v13, v14;
	v13 =	vshrl.u32 v12, $0x13  }
0xaf: {  	v14 =	vadd.s32 v11, v16;
	v12 =	vshll.u32 v12, $0xD;
	v7 =	vxor.u32 v6, v7  }
0xb0: {  	v18 =	vshrl.u32 v11, $0x13;
	v16 =	vshrl.u32 v7, $0x6;
	v17 =	vshll.u32 v7, $0x1A  }
0xb1: {  	v11 =	vshll.u32 v11, $0xD;
	v6 =	vadd.s32 v6, v7;
	v7 =	vor.u32 v16, v17  }
0xb2: {  	v14 =	vadd.s32 $0x2A, v14;
	v11 =	vor.u32 v18, v11;
	v7 =	vxor.u32 v6, v7  }
0xb3: {  	v11 =	vxor.u32 v14, v11;
	v16 =	vshrl.u32 v7, $0x1A;
	v17 =	vshll.u32 v7, $0x6  }
0xb4: {  	v14 =	vadd.s32 v14, v11;
	v6 =	vadd.s32 v6, v7;
	v7 =	vor.u32 v16, v17  }
0xb5: {  	v16 =	vshrl.u32 v11, $0x11;
	v11 =	vshll.u32 v11, $0xF;
	v7 =	vxor.u32 v6, v7  }
0xb6: {  	v6 =	vadd.s32 $0x1BD11BF0, v6;
	v11 =	vor.u32 v16, v11;
	v7 =	vadd.s32 $0x5, v7  }
0xb7: {  	s30 =	sadd.s32 $0x80, s25;
	v6 =	vxor.u32 v6, v7;
	v7 =	vxor.u32 v14, v11;
	v11 =	vadd.s32 $0x2A, v15  }
0xb8: {  	s31 =	sadd.s32 $0x10, s26;
	s30 =	sand.u32 $0xC00, s30;
	v6 =	vshrl.u32 v6, $0x9;
	v15 =	vshrl.u32 v7, $0x6;
	v16 =	vshll.u32 v7, $0x1A  }
0xb9: {  	s31 =	sand.u32 $0x70, s31;
	s30 =	sadd.s32 s23, s30;
	vm0 =	vlt.s32 v6, v2;
	v2 =	vadd.s32 v14, v7;
	v6 =	vor.u32 v15, v16  }
0xba: {  	s30 =	sor.u32 s31, s30;
	v12 =	vor.u32 v13, v12;
	v7 =	vsel vm0, $0x3F800000, v1;
	v6 =	vxor.u32 v2, v6  }
0xbb: {  	v12 =	vxor.u32 v11, v12;
	v13 =	vshll.u32 v6, $0x6;
	[tilespmem:s28+$0x1800] =	vst v7;
	v7 =	vshrl.u32 v6, $0x1A;
	s28 =	sor.u32 s24, s30  }
0xbc: {  	v11 =	vadd.s32 v11, v12;
	v2 =	vadd.s32 v2, v6;
	v6 =	vor.u32 v7, v13;
	v7 =	vld [tilespmem:s28+$0x0]  }
0xbd: {  	v13 =	vshrl.u32 v12, $0x11;
	v12 =	vshll.u32 v12, $0xF;
	v6 =	vxor.u32 v2, v6  }
0xbe: {  	v2 =	vadd.s32 $0x1BD11BF0, v2;
	v12 =	vor.u32 v13, v12;
	v6 =	vadd.s32 $0x5, v6  }
0xbf: {  	v8 =	vadd.s32 $0x2A, v8;
	s30 =	sadd.s32 $0x100, s25;
	v2 =	vxor.u32 v2, v6;
	v6 =	vxor.u32 v11, v12  }
0xc0: {  	s31 =	sadd.s32 $0x20, s26;
	s30 =	sand.u32 $0xC00, s30;
	v2 =	vshrl.u32 v2, $0x9;
	v12 =	vshrl.u32 v6, $0x6;
	v13 =	vshll.u32 v6, $0x1A  }
0xc1: {  	s31 =	sand.u32 $0x70, s31;
	s30 =	sadd.s32 s23, s30;
	vm0 =	vlt.s32 v2, v7;
	v2 =	vadd.s32 v11, v6;
	v6 =	vor.u32 v12, v13  }
0xc2: {  	v9 =	vor.u32 v9, v10;
	s30 =	sor.u32 s31, s30;
	v7 =	vsel vm0, $0x3F800000, v1;
	v6 =	vxor.u32 v2, v6  }
0xc3: {  	v9 =	vxor.u32 v8, v9;
	[tilespmem:s28+$0x1800] =	vst v7;
	v7 =	vshrl.u32 v6, $0x1A;
	v10 =	vshll.u32 v6, $0x6;
	s28 =	sor.u32 s24, s30  }
0xc4: {  	v8 =	vadd.s32 v8, v9;
	v2 =	vadd.s32 v2, v6;
	v6 =	vor.u32 v7, v10;
	v7 =	vld [tilespmem:s28+$0x0]  }
0xc5: {  	v10 =	vshrl.u32 v9, $0x11;
	v9 =	vshll.u32 v9, $0xF;
	v6 =	vxor.u32 v2, v6  }
0xc6: {  	v2 =	vadd.s32 $0x1BD11BF0, v2;
	v9 =	vor.u32 v10, v9;
	v6 =	vadd.s32 $0x5, v6  }
0xc7: {  	v5 =	vadd.s32 $0x2A, v5;
	s30 =	sadd.s32 $0x180, s25;
	v2 =	vxor.u32 v2, v6;
	v6 =	vxor.u32 v8, v9  }
0xc8: {  	s31 =	sadd.s32 $0x30, s26;
	s30 =	sand.u32 $0xC00, s30;
	v2 =	vshrl.u32 v2, $0x9;
	v9 =	vshrl.u32 v6, $0x6;
	v10 =	vshll.u32 v6, $0x1A  }
0xc9: {  	s31 =	sand.u32 $0x70, s31;
	s30 =	sadd.s32 s23, s30;
	vm0 =	vlt.s32 v2, v7;
	v2 =	vadd.s32 v8, v6;
	v6 =	vor.u32 v9, v10  }
0xca: {  	v3 =	vor.u32 v3, v4;
	s30 =	sor.u32 s31, s30;
	v7 =	vsel vm0, $0x3F800000, v1;
	v6 =	vxor.u32 v2, v6  }
0xcb: {  	v3 =	vxor.u32 v5, v3;
	[tilespmem:s28+$0x1800] =	vst v7;
	v4 =	vshrl.u32 v6, $0x1A;
	v7 =	vshll.u32 v6, $0x6;
	s28 =	sor.u32 s24, s30  }
0xcc: {  	v5 =	vadd.s32 v5, v3;
	v2 =	vadd.s32 v2, v6;
	v4 =	vor.u32 v4, v7;
	v6 =	vld [tilespmem:s28+$0x0]  }
0xcd: {  	v7 =	vshrl.u32 v3, $0x11;
	v3 =	vshll.u32 v3, $0xF;
	v4 =	vxor.u32 v2, v4  }
0xce: {  	v2 =	vadd.s32 $0x1BD11BF0, v2;
	v3 =	vor.u32 v7, v3;
	v4 =	vadd.s32 $0x5, v4  }
0xcf: {  	s30 =	sadd.s32 $0x200, s25;
	v3 =	vxor.u32 v5, v3;
	v2 =	vxor.u32 v2, v4  }
0xd0: {  	s31 =	sadd.s32 $0x40, s26;
	s26 =	smov.u32 s29;
	s30 =	sand.u32 $0xC00, s30;
	v4 =	vshrl.u32 v3, $0x6;
	v7 =	vshll.u32 v3, $0x1A;
	v2 =	vshrl.u32 v2, $0x9  }
0xd1: {  	s0 =	sadd.s32 s29, s21;
	s31 =	sand.u32 $0x70, s31;
	s30 =	sadd.s32 s23, s30;
	vm0 =	vlt.s32 v2, v6;
	v2 =	vadd.s32 v5, v3;
	v3 =	vor.u32 v4, v7  }
0xd2: {  	s4 =	sadd.s32 $0x6A, s0;
	s30 =	sor.u32 s31, s30;
	v4 =	vsel vm0, $0x3F800000, v1;
	v3 =	vxor.u32 v2, v3  }
0xd3: {  	s31 =	sadd.s32 $0x5A, s0;
	v5 =	vadd.s32 s4, v0;
	s4 =	sor.u32 s24, s30;
	[tilespmem:s28+$0x1800] =	vst v4;
	v4 =	vshrl.u32 v3, $0x1A;
	v6 =	vshll.u32 v3, $0x6  }
0xd4: {  	s30 =	sadd.s32 $0x4A, s0;
	v7 =	vadd.s32 s31, v0;
	s28 =	sadd.s32 $0x3A, s0;
	v2 =	vadd.s32 v2, v3;
	v3 =	vor.u32 v4, v6;
	v4 =	vld [tilespmem:s4+$0x0]  }
0xd5: {  	v8 =	vadd.s32 s30, v0;
	s0 =	sadd.s32 $0x2A, s0;
	v6 =	vadd.s32 s28, v0;
	v3 =	vxor.u32 v2, v3  }
0xd6: {  	v9 =	vadd.s32 s0, v0;
	v2 =	vadd.s32 $0x1BD11BF0, v2;
	v3 =	vadd.s32 $0x5, v3  }
0xd7: {  	s25 =	sadd.s32 $0x280, s25;
	v10 =	vshrl.u32 v5, $0x13;
	v11 =	vshll.u32 v5, $0xD;
	v2 =	vxor.u32 v2, v3  }
0xd8: {  	v12 =	vshll.u32 v7, $0xD;
	s0 =	sand.u32 $0x400, s25;
	v3 =	vshrl.u32 v7, $0x13;
	v2 =	vshrl.u32 v2, $0x9  }
0xd9: {  	v13 =	vshrl.u32 v8, $0x13;
	v14 =	vshll.u32 v8, $0xD;
	s28 =	sand.u32 $0x70, s29;
	s0 =	sadd.s32 s23, s0;
	vm0 =	vlt.s32 v2, v4  }
0xda: {  	v15 =	vshll.u32 v6, $0xD;
	s0 =	sor.u32 s28, s0;
	v4 =	vshrl.u32 v6, $0x13;
	v2 =	vsel vm0, $0x3F800000, v1  }
0xdb: {  	v10 =	vor.u32 v10, v11;
	v16 =	vshrl.u32 v9, $0x13;
	v17 =	vshll.u32 v9, $0xD;
	s28 =	sor.u32 s24, s0;
	[tilespmem:s4+$0x1800] =	vst v2  }
0xdc: {  	v11 =	vor.u32 v13, v14;
	v3 =	vor.u32 v3, v12;
	v4 =	vor.u32 v4, v15;
	v2 =	vld [tilespmem:s28+$0x0]  }
0xdd: {  	v10 =	vxor.u32 v5, v10;
	v12 =	vor.u32 v16, v17;
	v3 =	vxor.u32 v7, v3  }
0xde: {  	v11 =	vxor.u32 v8, v11;
	v12 =	vxor.u32 v9, v12;
	v4 =	vxor.u32 v6, v4  }
0xdf: {  	v5 =	vadd.s32 v5, v10;
	v13 =	vshrl.u32 v10, $0x11;
	v10 =	vshll.u32 v10, $0xF  }
0xe0: {  	v7 =	vadd.s32 v7, v3;
	v14 =	vshrl.u32 v3, $0x11;
	v3 =	vshll.u32 v3, $0xF  }
0xe1: {  	v8 =	vadd.s32 v8, v11;
	v15 =	vshrl.u32 v11, $0x11;
	v11 =	vshll.u32 v11, $0xF  }
0xe2: {  	v6 =	vadd.s32 v6, v4;
	v16 =	vshrl.u32 v4, $0x11;
	v4 =	vshll.u32 v4, $0xF  }
0xe3: {  	v9 =	vadd.s32 v9, v12;
	v17 =	vshrl.u32 v12, $0x11;
	v12 =	vshll.u32 v12, $0xF  }
0xe4: {  	v10 =	vor.u32 v13, v10;
	v11 =	vor.u32 v15, v11;
	v3 =	vor.u32 v14, v3  }
0xe5: {  	v10 =	vxor.u32 v5, v10;
	v12 =	vor.u32 v17, v12;
	v4 =	vor.u32 v16, v4  }
0xe6: {  	v11 =	vxor.u32 v8, v11;
	v3 =	vxor.u32 v7, v3;
	v4 =	vxor.u32 v6, v4  }
0xe7: {  	v5 =	vadd.s32 v5, v10;
	v13 =	vshrl.u32 v10, $0x6;
	v12 =	vxor.u32 v9, v12  }
0xe8: {  	v10 =	vshll.u32 v10, $0x1A;
	v7 =	vadd.s32 v7, v3;
	v14 =	vshrl.u32 v3, $0x6  }
0xe9: {  	v8 =	vadd.s32 v8, v11;
	v15 =	vshrl.u32 v11, $0x6;
	v3 =	vshll.u32 v3, $0x1A  }
0xea: {  	v11 =	vshll.u32 v11, $0x1A;
	v6 =	vadd.s32 v6, v4;
	v16 =	vshrl.u32 v4, $0x6  }
0xeb: {  	v9 =	vadd.s32 v9, v12;
	v17 =	vshrl.u32 v12, $0x6;
	v4 =	vshll.u32 v4, $0x1A  }
0xec: {  	v10 =	vor.u32 v13, v10;
	v12 =	vshll.u32 v12, $0x1A;
	v3 =	vor.u32 v14, v3  }
0xed: {  	v12 =	vor.u32 v17, v12;
	v11 =	vor.u32 v15, v11;
	v4 =	vor.u32 v16, v4  }
0xee: {  	v10 =	vxor.u32 v5, v10;
	v11 =	vxor.u32 v8, v11;
	v3 =	vxor.u32 v7, v3  }
0xef: {  	v5 =	vadd.s32 v5, v10;
	v12 =	vxor.u32 v9, v12;
	v4 =	vxor.u32 v6, v4  }
0xf0: {  	v13 =	vshrl.u32 v10, $0x1A;
	v10 =	vshll.u32 v10, $0x6;
	v7 =	vadd.s32 v7, v3  }
0xf1: {  	v8 =	vadd.s32 v8, v11;
	v14 =	vshrl.u32 v3, $0x1A;
	v3 =	vshll.u32 v3, $0x6  }
0xf2: {  	v15 =	vshrl.u32 v11, $0x1A;
	v11 =	vshll.u32 v11, $0x6;
	v6 =	vadd.s32 v6, v4  }
0xf3: {  	v9 =	vadd.s32 v9, v12;
	v16 =	vshrl.u32 v4, $0x1A;
	v4 =	vshll.u32 v4, $0x6  }
0xf4: {  	v10 =	vor.u32 v13, v10;
	v17 =	vshrl.u32 v12, $0x1A;
	v12 =	vshll.u32 v12, $0x6  }
0xf5: {  	v11 =	vor.u32 v15, v11;
	v3 =	vor.u32 v14, v3;
	v4 =	vor.u32 v16, v4  }
0xf6: {  	v10 =	vxor.u32 v5, v10;
	v12 =	vor.u32 v17, v12;
	v3 =	vxor.u32 v7, v3  }
0xf7: {  	v12 =	vxor.u32 v9, v12;
	v11 =	vxor.u32 v8, v11;
	v4 =	vxor.u32 v6, v4  }
0xf8: {  	v10 =	vadd.s32 $0x1BD11BF1, v10;
	v11 =	vadd.s32 $0x1BD11BF1, v11;
	v3 =	vadd.s32 $0x1BD11BF1, v3  }
0xf9: {  	v5 =	vadd.s32 v10, v5;
	v12 =	vadd.s32 $0x1BD11BF1, v12;
	v4 =	vadd.s32 $0x1BD11BF1, v4  }
0xfa: {  	v13 =	vshrl.u32 v10, $0xF;
	v10 =	vshll.u32 v10, $0x11;
	v7 =	vadd.s32 v3, v7  }
0xfb: {  	v8 =	vadd.s32 v11, v8;
	v14 =	vshrl.u32 v3, $0xF;
	v3 =	vshll.u32 v3, $0x11  }
0xfc: {  	v15 =	vshrl.u32 v11, $0xF;
	v11 =	vshll.u32 v11, $0x11;
	v6 =	vadd.s32 v4, v6  }
0xfd: {  	v9 =	vadd.s32 v12, v9;
	v16 =	vshrl.u32 v4, $0xF;
	v4 =	vshll.u32 v4, $0x11  }
0xfe: {  	v5 =	vadd.s32 $0x2A, v5;
	v17 =	vshrl.u32 v12, $0xF;
	v12 =	vshll.u32 v12, $0x11  }
0xff: {  	v10 =	vor.u32 v13, v10;
	v7 =	vadd.s32 $0x2A, v7;
	v3 =	vor.u32 v14, v3  }
0x100: {  	v8 =	vadd.s32 $0x2A, v8;
	v11 =	vor.u32 v15, v11;
	v6 =	vadd.s32 $0x2A, v6  }
0x101: {  	v9 =	vadd.s32 $0x2A, v9;
	v12 =	vor.u32 v17, v12;
	v4 =	vor.u32 v16, v4  }
0x102: {  	v10 =	vxor.u32 v5, v10;
	v11 =	vxor.u32 v8, v11;
	v3 =	vxor.u32 v7, v3  }
0x103: {  	v5 =	vadd.s32 v5, v10;
	v12 =	vxor.u32 v9, v12;
	v4 =	vxor.u32 v6, v4  }
0x104: {  	v13 =	vshrl.u32 v10, $0x3;
	v10 =	vshll.u32 v10, $0x1D;
	v7 =	vadd.s32 v7, v3  }
0x105: {  	v8 =	vadd.s32 v8, v11;
	v14 =	vshrl.u32 v3, $0x3;
	v3 =	vshll.u32 v3, $0x1D  }
0x106: {  	v15 =	vshrl.u32 v11, $0x3;
	v11 =	vshll.u32 v11, $0x1D;
	v6 =	vadd.s32 v6, v4  }
0x107: {  	v9 =	vadd.s32 v9, v12;
	v16 =	vshrl.u32 v4, $0x3;
	v4 =	vshll.u32 v4, $0x1D  }
0x108: {  	v10 =	vor.u32 v13, v10;
	v17 =	vshrl.u32 v12, $0x3;
	v12 =	vshll.u32 v12, $0x1D  }
0x109: {  	v11 =	vor.u32 v15, v11;
	v3 =	vor.u32 v14, v3;
	v4 =	vor.u32 v16, v4  }
0x10a: {  	v10 =	vxor.u32 v5, v10;
	v12 =	vor.u32 v17, v12;
	v3 =	vxor.u32 v7, v3  }
0x10b: {  	v12 =	vxor.u32 v9, v12;
	v11 =	vxor.u32 v8, v11;
	v4 =	vxor.u32 v6, v4  }
0x10c: {  	v5 =	vadd.s32 v5, v10;
	v13 =	vshrl.u32 v10, $0x10;
	v10 =	vshll.u32 v10, $0x10  }
0x10d: {  	v7 =	vadd.s32 v7, v3;
	v14 =	vshrl.u32 v3, $0x10;
	v3 =	vshll.u32 v3, $0x10  }
0x10e: {  	v8 =	vadd.s32 v8, v11;
	v15 =	vshrl.u32 v11, $0x10;
	v11 =	vshll.u32 v11, $0x10  }
0x10f: {  	v6 =	vadd.s32 v6, v4;
	v16 =	vshrl.u32 v4, $0x10;
	v4 =	vshll.u32 v4, $0x10  }
0x110: {  	v9 =	vadd.s32 v9, v12;
	v17 =	vshrl.u32 v12, $0x10;
	v12 =	vshll.u32 v12, $0x10  }
0x111: {  	v10 =	vor.u32 v13, v10;
	v11 =	vor.u32 v15, v11;
	v3 =	vor.u32 v14, v3  }
0x112: {  	v10 =	vxor.u32 v5, v10;
	v12 =	vor.u32 v17, v12;
	v4 =	vor.u32 v16, v4  }
0x113: {  	v11 =	vxor.u32 v8, v11;
	v3 =	vxor.u32 v7, v3;
	v4 =	vxor.u32 v6, v4  }
0x114: {  	v5 =	vadd.s32 v5, v10;
	v13 =	vshrl.u32 v10, $0x8;
	v12 =	vxor.u32 v9, v12  }
0x115: {  	v10 =	vshll.u32 v10, $0x18;
	v7 =	vadd.s32 v7, v3;
	v14 =	vshrl.u32 v3, $0x8  }
0x116: {  	v8 =	vadd.s32 v8, v11;
	v15 =	vshrl.u32 v11, $0x8;
	v3 =	vshll.u32 v3, $0x18  }
0x117: {  	v11 =	vshll.u32 v11, $0x18;
	v6 =	vadd.s32 v6, v4;
	v16 =	vshrl.u32 v4, $0x8  }
0x118: {  	v9 =	vadd.s32 v9, v12;
	v17 =	vshrl.u32 v12, $0x8;
	v4 =	vshll.u32 v4, $0x18  }
0x119: {  	v10 =	vor.u32 v13, v10;
	v12 =	vshll.u32 v12, $0x18;
	v3 =	vor.u32 v14, v3  }
0x11a: {  	v12 =	vor.u32 v17, v12;
	v11 =	vor.u32 v15, v11;
	v4 =	vor.u32 v16, v4  }
0x11b: {  	v10 =	vxor.u32 v5, v10;
	v11 =	vxor.u32 v8, v11;
	v3 =	vxor.u32 v7, v3  }
0x11c: {  	v10 =	vadd.s32 $0x2, v10;
	v12 =	vxor.u32 v9, v12;
	v4 =	vxor.u32 v6, v4  }
0x11d: {  	v11 =	vadd.s32 $0x2, v11;
	v3 =	vadd.s32 $0x2, v3;
	v4 =	vadd.s32 $0x2, v4  }
0x11e: {  	v5 =	vadd.s32 v10, v5;
	v13 =	vshrl.u32 v10, $0x13;
	v12 =	vadd.s32 $0x2, v12  }
0x11f: {  	v10 =	vshll.u32 v10, $0xD;
	v7 =	vadd.s32 v3, v7;
	v14 =	vshrl.u32 v3, $0x13  }
0x120: {  	v8 =	vadd.s32 v11, v8;
	v15 =	vshrl.u32 v11, $0x13;
	v3 =	vshll.u32 v3, $0xD  }
0x121: {  	v11 =	vshll.u32 v11, $0xD;
	v6 =	vadd.s32 v4, v6;
	v16 =	vshrl.u32 v4, $0x13  }
0x122: {  	v9 =	vadd.s32 v12, v9;
	v17 =	vshrl.u32 v12, $0x13;
	v4 =	vshll.u32 v4, $0xD  }
0x123: {  	v5 =	vadd.s32 $0x1BD11BF0, v5;
	v10 =	vor.u32 v13, v10;
	v12 =	vshll.u32 v12, $0xD  }
0x124: {  	v8 =	vadd.s32 $0x1BD11BF0, v8;
	v7 =	vadd.s32 $0x1BD11BF0, v7;
	v3 =	vor.u32 v14, v3  }
0x125: {  	v11 =	vor.u32 v15, v11;
	v6 =	vadd.s32 $0x1BD11BF0, v6;
	v4 =	vor.u32 v16, v4  }
0x126: {  	v10 =	vxor.u32 v5, v10;
	v9 =	vadd.s32 $0x1BD11BF0, v9;
	v12 =	vor.u32 v17, v12  }
0x127: {  	v11 =	vxor.u32 v8, v11;
	v14 =	vxor.u32 v7, v3;
	v13 =	vxor.u32 v6, v4  }
0x128: {  	v15 =	vadd.s32 v5, v10;
	v12 =	vxor.u32 v9, v12;
	v16 =	vshrl.u32 v10, $0x11  }
0x129: {  	v3 =	vadd.s32 v7, v14;
	v7 =	vshrl.u32 v14, $0x11;
	v10 =	vshll.u32 v10, $0xF  }
0x12a: {  	v14 =	vshll.u32 v14, $0xF;
	v4 =	vadd.s32 v8, v11;
	v8 =	vshrl.u32 v11, $0x11  }
0x12b: {  	v11 =	vshll.u32 v11, $0xF;
	v5 =	vadd.s32 v6, v13;
	v17 =	vshrl.u32 v13, $0x11  }
.Ltmp0:
0x12c: {  	v6 =	vadd.s32 v9, v12;
	v9 =	vshrl.u32 v12, $0x11;
	v13 =	vshll.u32 v13, $0xF;
	(pc) =	sbr.rel @p1 .LBB2_5-.Ltmp0, $4  }
0x12d: {  	v7 =	vor.u32 v7, v14;
	v10 =	vor.u32 v16, v10;
	v12 =	vshll.u32 v12, $0xF  }
0x12e: {  	v8 =	vor.u32 v8, v11;
	v14 =	vor.u32 v9, v12;
	v13 =	vor.u32 v17, v13  }
0x12f: {  	v11 =	vxor.u32 v3, v7;
	v9 =	vxor.u32 v4, v8;
	v12 =	vxor.u32 v15, v10  }
0x130: {  	s29 =	sadd.s32 $0x50, s29;
	v8 =	vxor.u32 v6, v14;
	v10 =	vxor.u32 v5, v13;
	v7 =	vadd.s32 v15, v12  }
0x131: {  	v3 =	vadd.s32 v3, v11;
	v13 =	vshrl.u32 v12, $0x6;
	v31 =	vshll.u32 v12, $0x1A  }
0x132: {  	v4 =	vadd.s32 v4, v9;
	v14 =	vshrl.u32 v11, $0x6;
	v32 =	vshll.u32 v11, $0x1A  }
0x133: {  	v5 =	vadd.s32 v5, v10;
	v15 =	vshrl.u32 v9, $0x6;
	v33 =	vshll.u32 v9, $0x1A  }
0x134: {  	v6 =	vadd.s32 v6, v8;
	v16 =	vshrl.u32 v10, $0x6;
	v34 =	vshll.u32 v10, $0x1A  }
0x135: {  	v17 =	vshrl.u32 v8, $0x6;
	v35 =	vshll.u32 v8, $0x1A;
	v12 =	vor.u32 v13, v31  }
0x136: {  	v10 =	vor.u32 v16, v34;
	v9 =	vor.u32 v15, v33;
	v11 =	vor.u32 v14, v32  }
0x137: {  	v8 =	vor.u32 v17, v35;
	v11 =	vxor.u32 v3, v11;
	v12 =	vxor.u32 v7, v12  }
0x138: {  	v8 =	vxor.u32 v6, v8;
	v10 =	vxor.u32 v5, v10;
	v9 =	vxor.u32 v4, v9  }
0x139: {  	v7 =	vadd.s32 v7, v12;
	v36 =	vshrl.u32 v12, $0x1A;
	v12 =	vshll.u32 v12, $0x6  }
0x13a: {  	v3 =	vadd.s32 v3, v11;
	v37 =	vshrl.u32 v11, $0x1A;
	v11 =	vshll.u32 v11, $0x6  }
0x13b: {  	v4 =	vadd.s32 v4, v9;
	v38 =	vshrl.u32 v9, $0x1A;
	v9 =	vshll.u32 v9, $0x6  }
0x13c: {  	v5 =	vadd.s32 v5, v10;
	v39 =	vshrl.u32 v10, $0x1A;
	v10 =	vshll.u32 v10, $0x6  }
0x13d: {  	v6 =	vadd.s32 v6, v8;
	v40 =	vshrl.u32 v8, $0x1A;
	v8 =	vshll.u32 v8, $0x6  }
0x13e: {  	v9 =	vor.u32 v38, v9;
	v11 =	vor.u32 v37, v11;
	v12 =	vor.u32 v36, v12  }
0x13f: {  	v8 =	vor.u32 v40, v8;
	v10 =	vor.u32 v39, v10;
	v12 =	vxor.u32 v7, v12  }
0x140: {  	v10 =	vxor.u32 v5, v10;
	v9 =	vxor.u32 v4, v9;
	v11 =	vxor.u32 v3, v11  }
0x141: {  	v8 =	vxor.u32 v6, v8;
	v11 =	vadd.s32 $0x2D, v11;
	v12 =	vadd.s32 $0x2D, v12  }
0x142: {  	v8 =	vadd.s32 $0x2D, v8;
	v10 =	vadd.s32 $0x2D, v10;
	v9 =	vadd.s32 $0x2D, v9  }
0x143: {  	v7 =	vadd.s32 v7, v12;
	v41 =	vshrl.u32 v12, $0xF;
	v12 =	vshll.u32 v12, $0x11  }
0x144: {  	v3 =	vadd.s32 v3, v11;
	v42 =	vshrl.u32 v11, $0xF;
	v11 =	vshll.u32 v11, $0x11  }
0x145: {  	v4 =	vadd.s32 v4, v9;
	v43 =	vshrl.u32 v9, $0xF;
	v9 =	vshll.u32 v9, $0x11  }
0x146: {  	v5 =	vadd.s32 v5, v10;
	v44 =	vshrl.u32 v10, $0xF;
	v10 =	vshll.u32 v10, $0x11  }
0x147: {  	v6 =	vadd.s32 v6, v8;
	v45 =	vshrl.u32 v8, $0xF;
	v8 =	vshll.u32 v8, $0x11  }
0x148: {  	v9 =	vor.u32 v43, v9;
	v11 =	vor.u32 v42, v11;
	v12 =	vor.u32 v41, v12  }
0x149: {  	v8 =	vor.u32 v45, v8;
	v10 =	vor.u32 v44, v10;
	v12 =	vxor.u32 v7, v12  }
0x14a: {  	v10 =	vxor.u32 v5, v10;
	v9 =	vxor.u32 v4, v9;
	v11 =	vxor.u32 v3, v11  }
0x14b: {  	v8 =	vxor.u32 v6, v8;
	v7 =	vadd.s32 v7, v12;
	v46 =	vshrl.u32 v12, $0x3  }
0x14c: {  	v3 =	vadd.s32 v3, v11;
	v47 =	vshrl.u32 v11, $0x3;
	v12 =	vshll.u32 v12, $0x1D  }
0x14d: {  	v4 =	vadd.s32 v4, v9;
	v48 =	vshrl.u32 v9, $0x3;
	v11 =	vshll.u32 v11, $0x1D  }
0x14e: {  	v5 =	vadd.s32 v5, v10;
	v49 =	vshrl.u32 v10, $0x3;
	v9 =	vshll.u32 v9, $0x1D  }
0x14f: {  	v6 =	vadd.s32 v6, v8;
	v50 =	vshrl.u32 v8, $0x3;
	v10 =	vshll.u32 v10, $0x1D  }
0x150: {  	v8 =	vshll.u32 v8, $0x1D;
	v11 =	vor.u32 v47, v11;
	v12 =	vor.u32 v46, v12  }
0x151: {  	v8 =	vor.u32 v50, v8;
	v10 =	vor.u32 v49, v10;
	v9 =	vor.u32 v48, v9  }
0x152: {  	v9 =	vxor.u32 v4, v9;
	v11 =	vxor.u32 v3, v11;
	v12 =	vxor.u32 v7, v12  }
0x153: {  	v8 =	vxor.u32 v6, v8;
	v10 =	vxor.u32 v5, v10;
	v7 =	vadd.s32 v7, v12  }
0x154: {  	v3 =	vadd.s32 v3, v11;
	v51 =	vshrl.u32 v12, $0x10;
	v12 =	vshll.u32 v12, $0x10  }
0x155: {  	v4 =	vadd.s32 v4, v9;
	v52 =	vshrl.u32 v11, $0x10;
	v11 =	vshll.u32 v11, $0x10  }
0x156: {  	v5 =	vadd.s32 v5, v10;
	v53 =	vshrl.u32 v9, $0x10;
	v9 =	vshll.u32 v9, $0x10  }
0x157: {  	v6 =	vadd.s32 v6, v8;
	v54 =	vshrl.u32 v10, $0x10;
	v10 =	vshll.u32 v10, $0x10  }
0x158: {  	v55 =	vshrl.u32 v8, $0x10;
	v8 =	vshll.u32 v8, $0x10;
	v12 =	vor.u32 v51, v12  }
0x159: {  	v10 =	vor.u32 v54, v10;
	v9 =	vor.u32 v53, v9;
	v11 =	vor.u32 v52, v11  }
0x15a: {  	v8 =	vor.u32 v55, v8;
	v11 =	vxor.u32 v3, v11;
	v12 =	vxor.u32 v7, v12  }
0x15b: {  	v8 =	vxor.u32 v6, v8;
	v10 =	vxor.u32 v5, v10;
	v9 =	vxor.u32 v4, v9  }
0x15c: {  	v7 =	vadd.s32 v7, v12;
	v56 =	vshrl.u32 v12, $0x8;
	v12 =	vshll.u32 v12, $0x18  }
0x15d: {  	v3 =	vadd.s32 v3, v11;
	v57 =	vshrl.u32 v11, $0x8;
	v11 =	vshll.u32 v11, $0x18  }
0x15e: {  	v4 =	vadd.s32 v4, v9;
	v58 =	vshrl.u32 v9, $0x8;
	v9 =	vshll.u32 v9, $0x18  }
0x15f: {  	v5 =	vadd.s32 v5, v10;
	v59 =	vshrl.u32 v10, $0x8;
	v10 =	vshll.u32 v10, $0x18  }
0x160: {  	v6 =	vadd.s32 v6, v8;
	v60 =	vshrl.u32 v8, $0x8;
	v8 =	vshll.u32 v8, $0x18  }
0x161: {  	v9 =	vor.u32 v58, v9;
	v11 =	vor.u32 v57, v11;
	v12 =	vor.u32 v56, v12  }
0x162: {  	v8 =	vor.u32 v60, v8;
	v10 =	vor.u32 v59, v10;
	v12 =	vxor.u32 v7, v12  }
0x163: {  	v10 =	vxor.u32 v5, v10;
	v9 =	vxor.u32 v4, v9;
	v11 =	vxor.u32 v3, v11  }
0x164: {  	v8 =	vxor.u32 v6, v8;
	v11 =	vadd.s32 $0x1BD11BF4, v11;
	v12 =	vadd.s32 $0x1BD11BF4, v12  }
0x165: {  	v8 =	vadd.s32 $0x1BD11BF4, v8;
	v10 =	vadd.s32 $0x1BD11BF4, v10;
	v9 =	vadd.s32 $0x1BD11BF4, v9  }
0x166: {  	v7 =	vadd.s32 v12, v7;
	v61 =	vshrl.u32 v12, $0x13;
	v12 =	vshll.u32 v12, $0xD  }
0x167: {  	v6 =	vadd.s32 v8, v6;
	v62 =	vshrl.u32 v8, $0x13;
	v8 =	vshll.u32 v8, $0xD  }
0x168: {  	v3 =	vadd.s32 v11, v3;
	v6 =	vadd.s32 $0x2A, v6;
	v8 =	vor.u32 v62, v8  }
0x169: {  	v63 =	vshrl.u32 v11, $0x13;
	v11 =	vshll.u32 v11, $0xD;
	v8 =	vxor.u32 v6, v8  }
0x16a: {  	v4 =	vadd.s32 v9, v4;
	v20 =	vshrl.u32 v8, $0x11;
	v21 =	vshll.u32 v8, $0xF  }
0x16b: {  	v23 =	vshrl.u32 v9, $0x13;
	v6 =	vadd.s32 v6, v8;
	v22 =	vor.u32 v20, v21  }
0x16c: {  	v5 =	vadd.s32 v10, v5;
	v9 =	vshll.u32 v9, $0xD;
	v8 =	vxor.u32 v6, v22  }
0x16d: {  	v18 =	vshrl.u32 v10, $0x13;
	v24 =	vshrl.u32 v8, $0x6;
	v25 =	vshll.u32 v8, $0x1A  }
0x16e: {  	v10 =	vshll.u32 v10, $0xD;
	v6 =	vadd.s32 v6, v8;
	v26 =	vor.u32 v24, v25  }
0x16f: {  	v5 =	vadd.s32 $0x2A, v5;
	v10 =	vor.u32 v18, v10;
	v8 =	vxor.u32 v6, v26  }
0x170: {  	v10 =	vxor.u32 v5, v10;
	v27 =	vshrl.u32 v8, $0x1A;
	v28 =	vshll.u32 v8, $0x6  }
0x171: {  	v5 =	vadd.s32 v5, v10;
	v6 =	vadd.s32 v6, v8;
	v29 =	vor.u32 v27, v28  }
0x172: {  	v30 =	vshrl.u32 v10, $0x11;
	v10 =	vshll.u32 v10, $0xF;
	v8 =	vxor.u32 v6, v29  }
0x173: {  	v10 =	vor.u32 v30, v10;
	v6 =	vadd.s32 $0x1BD11BF0, v6;
	v8 =	vadd.s32 $0x5, v8  }
0x174: {  	s0 =	sadd.s32 $0x80, s25;
	v4 =	vadd.s32 $0x2A, v4;
	v31 =	vxor.u32 v5, v10;
	v6 =	vxor.u32 v6, v8  }
0x175: {  	s4 =	sadd.s32 $0x10, s26;
	s0 =	sand.u32 $0xC00, s0;
	v10 =	vshrl.u32 v31, $0x6;
	v32 =	vshll.u32 v31, $0x1A;
	v6 =	vshrl.u32 v6, $0x9  }
0x176: {  	s4 =	sand.u32 $0x70, s4;
	s0 =	sadd.s32 s23, s0;
	v33 =	vor.u32 v10, v32;
	vm0 =	vlt.s32 v6, v2;
	v2 =	vadd.s32 v5, v31  }
0x177: {  	s0 =	sor.u32 s4, s0;
	v34 =	vor.u32 v23, v9;
	v6 =	vsel vm0, $0x3F800000, v1;
	v5 =	vxor.u32 v2, v33  }
0x178: {  	s0 =	sor.u32 s24, s0;
	v8 =	vxor.u32 v4, v34;
	[tilespmem:s28+$0x1800] =	vst v6;
	v35 =	vshrl.u32 v5, $0x1A;
	v36 =	vshll.u32 v5, $0x6  }
0x179: {  	v4 =	vadd.s32 v4, v8;
	v2 =	vadd.s32 v2, v5;
	v37 =	vor.u32 v35, v36;
	v38 =	vld [tilespmem:s0+$0x0]  }
0x17a: {  	v39 =	vshrl.u32 v8, $0x11;
	v8 =	vshll.u32 v8, $0xF;
	v5 =	vxor.u32 v2, v37  }
0x17b: {  	v8 =	vor.u32 v39, v8;
	v2 =	vadd.s32 $0x1BD11BF0, v2;
	v5 =	vadd.s32 $0x5, v5  }
0x17c: {  	s30 =	sadd.s32 $0x100, s25;
	v3 =	vadd.s32 $0x2A, v3;
	v40 =	vxor.u32 v4, v8;
	v2 =	vxor.u32 v2, v5  }
0x17d: {  	s31 =	sadd.s32 $0x20, s26;
	s4 =	sand.u32 $0xC00, s30;
	v8 =	vshrl.u32 v40, $0x6;
	v41 =	vshll.u32 v40, $0x1A;
	v2 =	vshrl.u32 v2, $0x9  }
0x17e: {  	s4 =	sadd.s32 s23, s4;
	s28 =	sand.u32 $0x70, s31;
	v42 =	vor.u32 v8, v41;
	vm12 =	vlt.s32 v2, v38;
	v2 =	vadd.s32 v4, v40  }
0x17f: {  	v44 =	vor.u32 v63, v11;
	s4 =	sor.u32 s28, s4;
	v43 =	vsel vm12, $0x3F800000, v1;
	v4 =	vxor.u32 v2, v42  }
0x180: {  	v6 =	vxor.u32 v3, v44;
	s29 =	sor.u32 s24, s4;
	[tilespmem:s0+$0x1800] =	vst v43;
	v45 =	vshrl.u32 v4, $0x1A;
	v46 =	vshll.u32 v4, $0x6  }
0x181: {  	v3 =	vadd.s32 v3, v6;
	v2 =	vadd.s32 v2, v4;
	v47 =	vor.u32 v45, v46;
	v48 =	vld [tilespmem:s29+$0x0]  }
0x182: {  	v49 =	vshrl.u32 v6, $0x11;
	v6 =	vshll.u32 v6, $0xF;
	v4 =	vxor.u32 v2, v47  }
0x183: {  	v6 =	vor.u32 v49, v6;
	v2 =	vadd.s32 $0x1BD11BF0, v2;
	v4 =	vadd.s32 $0x5, v4  }
0x184: {  	s30 =	sadd.s32 $0x180, s25;
	v51 =	vadd.s32 $0x2A, v7;
	v50 =	vxor.u32 v3, v6;
	v2 =	vxor.u32 v2, v4  }
0x185: {  	s31 =	sadd.s32 $0x30, s26;
	s4 =	sand.u32 $0xC00, s30;
	v52 =	vshrl.u32 v50, $0x6;
	v53 =	vshll.u32 v50, $0x1A;
	v2 =	vshrl.u32 v2, $0x9  }
0x186: {  	s28 =	sand.u32 $0x70, s31;
	s4 =	sadd.s32 s23, s4;
	vm13 =	vlt.s32 v2, v48;
	v2 =	vadd.s32 v3, v50;
	v3 =	vor.u32 v52, v53  }
0x187: {  	v55 =	vor.u32 v61, v12;
	s4 =	sor.u32 s28, s4;
	v54 =	vsel vm13, $0x3F800000, v1;
	v3 =	vxor.u32 v2, v3  }
0x188: {  	v5 =	vxor.u32 v51, v55;
	s28 =	sor.u32 s24, s4;
	[tilespmem:s29+$0x1800] =	vst v54;
	v56 =	vshrl.u32 v3, $0x1A;
	v57 =	vshll.u32 v3, $0x6  }
0x189: {  	v6 =	vadd.s32 v51, v5;
	v2 =	vadd.s32 v2, v3;
	v3 =	vor.u32 v56, v57;
	v58 =	vld [tilespmem:s28+$0x0]  }
0x18a: {  	v59 =	vshrl.u32 v5, $0x11;
	v5 =	vshll.u32 v5, $0xF;
	v3 =	vxor.u32 v2, v3  }
0x18b: {  	v5 =	vor.u32 v59, v5;
	v2 =	vadd.s32 $0x1BD11BF0, v2;
	v3 =	vadd.s32 $0x5, v3  }
0x18c: {  	s29 =	sadd.s32 $0x200, s25;
	v2 =	vxor.u32 v2, v3;
	v3 =	vxor.u32 v6, v5  }
0x18d: {  	s30 =	sadd.s32 $0x40, s26;
	s4 =	sand.u32 $0xC00, s29;
	v2 =	vshrl.u32 v2, $0x9;
	v5 =	vshrl.u32 v3, $0x6;
	v60 =	vshll.u32 v3, $0x1A  }
0x18e: {  	s25 =	sand.u32 $0x70, s30;
	s4 =	sadd.s32 s23, s4;
	vm14 =	vlt.s32 v2, v58;
	v2 =	vadd.s32 v6, v3;
	v3 =	vor.u32 v5, v60  }
0x18f: {  	s4 =	sor.u32 s25, s4;
	v4 =	vsel vm14, $0x3F800000, v1;
	v3 =	vxor.u32 v2, v3  }
0x190: {  	s31 =	sor.u32 s24, s4;
	[tilespmem:s28+$0x1800] =	vst v4;
	v61 =	vshrl.u32 v3, $0x1A;
	v62 =	vshll.u32 v3, $0x6  }
0x191: {  	v2 =	vadd.s32 v2, v3;
	v3 =	vor.u32 v61, v62;
	v63 =	vld [tilespmem:s31+$0x0]  }
0x192: {  	s22 =	sadd.s32 $0x1, s22;
	v3 =	vxor.u32 v2, v3  }
0x193: {  	p1 =	sne.s32 s22, $0x10;
	v2 =	vadd.s32 $0x1BD11BF0, v2;
	v3 =	vadd.s32 $0x5, v3  }
.Ltmp1:
0x194: {  	v2 =	vxor.u32 v2, v3;
	(pc) =	sbr.rel @p1 .LBB2_4-.Ltmp1, $4  }
0x195: {  	v2 =	vshrl.u32 v2, $0x9  }
0x196: {  	vm15 =	vlt.s32 v2, v63  }
0x197: {  	v2 =	vsel vm15, $0x3F800000, v1  }
0x198: {  	s21 =	sadd.s32 $0x140, s21;
	[tilespmem:s31+$0x1800] =	vst v2  }
0x199: {  	s0 =	sadd.s32 s15, s20  }
0x19a: {  	s0 =	sshrl.u32 s0, $0x3  }
0x19b: {  	s4 =	simm.s32 $0x0;
	s0 =	sadd.s32 s3, s0  }
0x19c: {  	[hbm4b:s0+s4] =	stream.linear.scatter [tilespmem:s11], [sflag:$0x1], $0x1800, $0x38;
	[tilespmem:$0x6000] =	vst v63  }
0x19d: {  	s29 =	sadd.s32 s16, s20;
	_ =	swait.ge [sflag:s10], $0x1800  }
0x19e: {  	s20 =	sshrl.u32 s29, $0x3;
	[sflag:s10] =	ssyncset.done $0x0  }
0x19f: {  	s30 =	simm.s32 $0x0;
	s0 =	sadd.s32 s1, s20;
	[sflag:s10] =	ssyncadd.s32 $0xFFFFE800  }
0x1a0: {  	[tilespmem:s12], [sflag:$0x1] =	stream.linear.gather [hbm4b:s0+s4], $0x1800, $0x38;
	[tilespmem:$0x6000] =	vst v63  }
0x1a1: {  	s0 =	smul.u32 $0xC00, s30;
	_ =	swait.ge [sflag:s10], $0x1800  }
0x1a2: {  	s4 =	sand.u32 $0x380, s4;
	[sflag:s10] =	ssyncset.done $0x0  }
0x1a3: {  	s21 =	sor.u32 s4, s0;
	[sflag:s10] =	ssyncadd.s32 $0xFFFFE800  }
0x1a4: {  	v2 =	vld [tilespmem:s21+$0x3830]  }
0x1a5: {  	v3 =	vld [tilespmem:s21+$0x2030]  }
0x1a6: {  	v4 =	vld [tilespmem:s21+$0x3000]  }
0x1a7: {  	v5 =	vld [tilespmem:s21+$0x1800]  }
0x1a8: {  	v6 =	vld [tilespmem:s21+$0x3010]  }
0x1a9: {  	v7 =	vld [tilespmem:s21+$0x1810]  }
0x1aa: {  	v8 =	vld [tilespmem:s21+$0x3020]  }
0x1ab: {  	v9 =	vld [tilespmem:s21+$0x3030]  }
0x1ac: {  	v2 =	vmul.f32 v3, v2;
	v3 =	vld [tilespmem:s21+$0x1820]  }
0x1ad: {  	v4 =	vmul.f32 v5, v4;
	v5 =	vld [tilespmem:s21+$0x3040]  }
0x1ae: {  	[tilespmem:s21+$0x5030] =	vst v2;
	v2 =	vld [tilespmem:s21+$0x1830]  }
0x1af: {  	[tilespmem:s21+$0x4800] =	vst v4;
	v4 =	vmul.f32 v7, v6;
	v6 =	vld [tilespmem:s21+$0x1840]  }
0x1b0: {  	v7 =	vld [tilespmem:s21+$0x1850]  }
0x1b1: {  	[tilespmem:s21+$0x4810] =	vst v4;
	v4 =	vld [tilespmem:s21+$0x3050];
	v3 =	vmul.f32 v3, v8  }
0x1b2: {  	v8 =	vld [tilespmem:s21+$0x1860]  }
0x1b3: {  	[tilespmem:s21+$0x4820] =	vst v3;
	v2 =	vmul.f32 v2, v9;
	v3 =	vld [tilespmem:s21+$0x3060]  }
0x1b4: {  	v9 =	vld [tilespmem:s21+$0x1C50]  }
0x1b5: {  	[tilespmem:s21+$0x4830] =	vst v2;
	v2 =	vmul.f32 v6, v5;
	v5 =	vld [tilespmem:s21+$0x3070]  }
0x1b6: {  	v6 =	vld [tilespmem:s21+$0x1870]  }
0x1b7: {  	[tilespmem:s21+$0x4840] =	vst v2;
	v2 =	vmul.f32 v7, v4;
	v4 =	vld [tilespmem:s21+$0x3400]  }
0x1b8: {  	v7 =	vld [tilespmem:s21+$0x1C00]  }
0x1b9: {  	[tilespmem:s21+$0x4850] =	vst v2;
	v2 =	vmul.f32 v8, v3;
	v3 =	vld [tilespmem:s21+$0x3410]  }
0x1ba: {  	v8 =	vld [tilespmem:s21+$0x1C10]  }
0x1bb: {  	[tilespmem:s21+$0x4860] =	vst v2;
	v2 =	vmul.f32 v6, v5;
	v5 =	vld [tilespmem:s21+$0x3420]  }
0x1bc: {  	v6 =	vld [tilespmem:s21+$0x1C20]  }
0x1bd: {  	[tilespmem:s21+$0x4870] =	vst v2;
	v2 =	vmul.f32 v7, v4;
	v4 =	vld [tilespmem:s21+$0x3430]  }
0x1be: {  	v7 =	vld [tilespmem:s21+$0x1C30]  }
0x1bf: {  	[tilespmem:s21+$0x4C00] =	vst v2;
	v2 =	vmul.f32 v8, v3;
	v3 =	vld [tilespmem:s21+$0x3440]  }
0x1c0: {  	v8 =	vld [tilespmem:s21+$0x1C40]  }
0x1c1: {  	[tilespmem:s21+$0x4C10] =	vst v2;
	v2 =	vmul.f32 v6, v5;
	v5 =	vld [tilespmem:s21+$0x3450]  }
0x1c2: {  	v10 =	vld [tilespmem:s21+$0x1C60]  }
0x1c3: {  	[tilespmem:s21+$0x4C20] =	vst v2;
	v2 =	vmul.f32 v7, v4;
	v7 =	vld [tilespmem:s21+$0x3460]  }
0x1c4: {  	v6 =	vld [tilespmem:s21+$0x1C70]  }
0x1c5: {  	v4 =	vld [tilespmem:s21+$0x3470];
	[tilespmem:s21+$0x4C30] =	vst v2;
	v2 =	vmul.f32 v8, v3  }
0x1c6: {  	v3 =	vmul.f32 v9, v5;
	v5 =	vld [tilespmem:s21+$0x2000]  }
0x1c7: {  	[tilespmem:s21+$0x4C40] =	vst v2;
	v2 =	vld [tilespmem:s21+$0x3800]  }
0x1c8: {  	s31 =	simm.s32 $0x0;
	[tilespmem:s21+$0x4C50] =	vst v3;
	v3 =	vld [tilespmem:s21+$0x3810];
	v8 =	vmul.f32 v10, v7  }
0x1c9: {  	s23 =	simm.s32 $0x2;
	s22 =	simm.s32 $0x80;
	s24 =	smul.u32 $0xC00, s31;
	v7 =	vld [tilespmem:s21+$0x2010]  }
.LBB2_8:
0x1ca: {  	p1 =	sne.s32 s23, $0xF;
	s0 =	sand.u32 $0x380, s22;
	[tilespmem:s21+$0x4C60] =	vst v8;
	v4 =	vmul.f32 v6, v4;
	v6 =	vld [tilespmem:s21+$0x3820]  }
0x1cb: {  	s0 =	sor.u32 s0, s24;
	v8 =	vld [tilespmem:s21+$0x2020]  }
0x1cc: {  	v9 =	vld [tilespmem:s0+$0x3830];
	[tilespmem:s21+$0x4C70] =	vst v4;
	v2 =	vmul.f32 v5, v2  }
0x1cd: {  	v4 =	vld [tilespmem:s0+$0x2030]  }
0x1ce: {  	v5 =	vld [tilespmem:s0+$0x3000];
	[tilespmem:s21+$0x5000] =	vst v2;
	v2 =	vmul.f32 v7, v3  }
0x1cf: {  	v3 =	vld [tilespmem:s0+$0x1800]  }
0x1d0: {  	v7 =	vld [tilespmem:s0+$0x3010];
	[tilespmem:s21+$0x5010] =	vst v2;
	v2 =	vmul.f32 v8, v6  }
0x1d1: {  	v6 =	vld [tilespmem:s0+$0x1810]  }
0x1d2: {  	v8 =	vld [tilespmem:s0+$0x3020];
	v4 =	vmul.f32 v4, v9;
	[tilespmem:s21+$0x5020] =	vst v2;
	s21 =	smov.u32 s0  }
0x1d3: {  	v2 =	vld [tilespmem:s21+$0x1820]  }
0x1d4: {  	v3 =	vmul.f32 v3, v5;
	v5 =	vld [tilespmem:s21+$0x3030];
	[tilespmem:s21+$0x5030] =	vst v4  }
0x1d5: {  	v4 =	vld [tilespmem:s21+$0x1830]  }
0x1d6: {  	[tilespmem:s21+$0x4800] =	vst v3;
	v3 =	vmul.f32 v6, v7;
	v6 =	vld [tilespmem:s21+$0x3040]  }
0x1d7: {  	v7 =	vld [tilespmem:s21+$0x1840]  }
0x1d8: {  	[tilespmem:s21+$0x4810] =	vst v3;
	v2 =	vmul.f32 v2, v8;
	v3 =	vld [tilespmem:s21+$0x3050]  }
0x1d9: {  	v8 =	vld [tilespmem:s21+$0x1850]  }
0x1da: {  	[tilespmem:s21+$0x4820] =	vst v2;
	v2 =	vmul.f32 v4, v5;
	v4 =	vld [tilespmem:s21+$0x3060]  }
0x1db: {  	v5 =	vld [tilespmem:s21+$0x1860]  }
0x1dc: {  	[tilespmem:s21+$0x4830] =	vst v2;
	v2 =	vmul.f32 v7, v6;
	v6 =	vld [tilespmem:s21+$0x3070]  }
0x1dd: {  	v7 =	vld [tilespmem:s21+$0x1870]  }
0x1de: {  	[tilespmem:s21+$0x4840] =	vst v2;
	v2 =	vmul.f32 v8, v3;
	v3 =	vld [tilespmem:s21+$0x3400]  }
0x1df: {  	v8 =	vld [tilespmem:s21+$0x1C00]  }
0x1e0: {  	[tilespmem:s21+$0x4850] =	vst v2;
	v2 =	vmul.f32 v5, v4;
	v4 =	vld [tilespmem:s21+$0x3410]  }
0x1e1: {  	v5 =	vld [tilespmem:s21+$0x1C10]  }
0x1e2: {  	[tilespmem:s21+$0x4860] =	vst v2;
	v2 =	vmul.f32 v7, v6;
	v6 =	vld [tilespmem:s21+$0x3420]  }
0x1e3: {  	v7 =	vld [tilespmem:s21+$0x1C20]  }
0x1e4: {  	[tilespmem:s21+$0x4870] =	vst v2;
	v2 =	vmul.f32 v8, v3;
	v3 =	vld [tilespmem:s21+$0x3430]  }
0x1e5: {  	v8 =	vld [tilespmem:s21+$0x1C30]  }
0x1e6: {  	[tilespmem:s21+$0x4C00] =	vst v2;
	v2 =	vmul.f32 v5, v4;
	v4 =	vld [tilespmem:s21+$0x3440]  }
0x1e7: {  	v5 =	vld [tilespmem:s21+$0x1C40]  }
0x1e8: {  	[tilespmem:s21+$0x4C10] =	vst v2;
	v2 =	vmul.f32 v7, v6;
	v7 =	vld [tilespmem:s21+$0x3450]  }
0x1e9: {  	v9 =	vld [tilespmem:s21+$0x1C50]  }
0x1ea: {  	[tilespmem:s21+$0x4C20] =	vst v2;
	v2 =	vmul.f32 v8, v3;
	v3 =	vld [tilespmem:s21+$0x3460]  }
0x1eb: {  	v8 =	vld [tilespmem:s21+$0x1C60]  }
0x1ec: {  	[tilespmem:s21+$0x4C30] =	vst v2;
	v2 =	vmul.f32 v5, v4;
	v4 =	vld [tilespmem:s21+$0x3470]  }
.Ltmp2:
0x1ed: {  	v6 =	vld [tilespmem:s21+$0x1C70];
	(pc) =	sbr.rel @p1 .LBB2_8-.Ltmp2, $4  }
0x1ee: {  	[tilespmem:s21+$0x4C40] =	vst v2;
	v7 =	vmul.f32 v9, v7;
	v2 =	vld [tilespmem:s21+$0x3800]  }
0x1ef: {  	v5 =	vld [tilespmem:s21+$0x2000]  }
0x1f0: {  	s0 =	sshrl.u32 s23, $0x3;
	[tilespmem:s21+$0x4C50] =	vst v7;
	v8 =	vmul.f32 v8, v3;
	v3 =	vld [tilespmem:s21+$0x3810]  }
0x1f1: {  	s22 =	sadd.s32 $0x80, s22;
	s23 =	sadd.s32 $0x1, s23;
	s24 =	smul.u32 $0xC00, s0;
	v7 =	vld [tilespmem:s21+$0x2010]  }
0x1f2: {  	[tilespmem:s21+$0x4C60] =	vst v8;
	s0 =	sand.u32 $0x380, s22;
	v8 =	vld [tilespmem:s21+$0x3820];
	v4 =	vmul.f32 v6, v4  }
0x1f3: {  	v6 =	vld [tilespmem:s21+$0x2020];
	s22 =	sor.u32 s0, s24  }
0x1f4: {  	v9 =	vld [tilespmem:s22+$0x3830];
	[tilespmem:s21+$0x4C70] =	vst v4;
	v2 =	vmul.f32 v5, v2  }
0x1f5: {  	v4 =	vld [tilespmem:s22+$0x2030]  }
0x1f6: {  	v5 =	vld [tilespmem:s22+$0x3000];
	[tilespmem:s21+$0x5000] =	vst v2;
	v2 =	vmul.f32 v7, v3  }
0x1f7: {  	v3 =	vld [tilespmem:s22+$0x1800]  }
0x1f8: {  	v7 =	vld [tilespmem:s22+$0x3010];
	[tilespmem:s21+$0x5010] =	vst v2;
	v2 =	vmul.f32 v6, v8  }
0x1f9: {  	v6 =	vld [tilespmem:s22+$0x1810]  }
0x1fa: {  	v8 =	vld [tilespmem:s22+$0x3020];
	[tilespmem:s21+$0x5020] =	vst v2  }
0x1fb: {  	v2 =	vld [tilespmem:s22+$0x1820]  }
0x1fc: {  	v10 =	vld [tilespmem:s22+$0x3030]  }
0x1fd: {  	v11 =	vld [tilespmem:s22+$0x1830]  }
0x1fe: {  	v12 =	vld [tilespmem:s22+$0x3040]  }
0x1ff: {  	v13 =	vld [tilespmem:s22+$0x1840]  }
0x200: {  	v14 =	vld [tilespmem:s22+$0x3050]  }
0x201: {  	v15 =	vld [tilespmem:s22+$0x1850]  }
0x202: {  	v16 =	vld [tilespmem:s22+$0x3060]  }
0x203: {  	v17 =	vld [tilespmem:s22+$0x1860]  }
0x204: {  	v18 =	vld [tilespmem:s22+$0x3070]  }
0x205: {  	v19 =	vld [tilespmem:s22+$0x1870]  }
0x206: {  	v20 =	vld [tilespmem:s22+$0x3400]  }
0x207: {  	v21 =	vld [tilespmem:s22+$0x1C00]  }
0x208: {  	v22 =	vld [tilespmem:s22+$0x3410]  }
0x209: {  	v23 =	vld [tilespmem:s22+$0x1C10]  }
0x20a: {  	v24 =	vld [tilespmem:s22+$0x3420]  }
0x20b: {  	v25 =	vld [tilespmem:s22+$0x1C20]  }
0x20c: {  	v26 =	vld [tilespmem:s22+$0x3430]  }
0x20d: {  	v4 =	vmul.f32 v4, v9;
	v9 =	vld [tilespmem:s22+$0x1C30]  }
0x20e: {  	v60 =	vld [tilespmem:s22+$0x1C70];
	v3 =	vmul.f32 v3, v5  }
0x20f: {  	v61 =	vld [tilespmem:s22+$0x3800];
	[tilespmem:s22+$0x5030] =	vst v4;
	v4 =	vmul.f32 v6, v7  }
0x210: {  	v62 =	vld [tilespmem:s22+$0x2000];
	[tilespmem:s22+$0x4800] =	vst v3;
	v2 =	vmul.f32 v2, v8  }
0x211: {  	v63 =	vld [tilespmem:s22+$0x3810];
	[tilespmem:s22+$0x4810] =	vst v4;
	v4 =	vmul.f32 v11, v10  }
0x212: {  	v5 =	vld [tilespmem:s22+$0x3440];
	[tilespmem:s22+$0x4820] =	vst v2;
	v2 =	vmul.f32 v13, v12  }
0x213: {  	v6 =	vld [tilespmem:s22+$0x1C40];
	[tilespmem:s22+$0x4830] =	vst v4;
	v4 =	vmul.f32 v15, v14  }
0x214: {  	v3 =	vld [tilespmem:s22+$0x3450];
	[tilespmem:s22+$0x4840] =	vst v2;
	v2 =	vmul.f32 v17, v16  }
0x215: {  	v7 =	vld [tilespmem:s22+$0x1C50];
	[tilespmem:s22+$0x4850] =	vst v4;
	v4 =	vmul.f32 v19, v18  }
0x216: {  	v8 =	vld [tilespmem:s22+$0x3460];
	[tilespmem:s22+$0x4860] =	vst v2;
	v2 =	vmul.f32 v21, v20  }
0x217: {  	v10 =	vld [tilespmem:s22+$0x1C60];
	[tilespmem:s22+$0x4870] =	vst v4;
	v4 =	vmul.f32 v23, v22  }
0x218: {  	v11 =	vld [tilespmem:s22+$0x3470];
	[tilespmem:s22+$0x4C00] =	vst v2;
	v2 =	vmul.f32 v25, v24  }
0x219: {  	[tilespmem:s22+$0x4C10] =	vst v4;
	v4 =	vmul.f32 v9, v26;
	v9 =	vld [tilespmem:s22+$0x2010]  }
0x21a: {  	[tilespmem:s22+$0x4C20] =	vst v2;
	v2 =	vmul.f32 v6, v5;
	v5 =	vld [tilespmem:s22+$0x3820]  }
0x21b: {  	v3 =	vmul.f32 v7, v3;
	[tilespmem:s22+$0x4C30] =	vst v4;
	v4 =	vld [tilespmem:s22+$0x2020]  }
0x21c: {  	[tilespmem:s22+$0x4C40] =	vst v2;
	v2 =	vmul.f32 v10, v8  }
0x21d: {  	[tilespmem:s22+$0x4C50] =	vst v3;
	v3 =	vmul.f32 v60, v11  }
0x21e: {  	[tilespmem:s22+$0x4C60] =	vst v2;
	v2 =	vmul.f32 v62, v61  }
0x21f: {  	[tilespmem:s22+$0x4C70] =	vst v3;
	v3 =	vmul.f32 v9, v63  }
0x220: {  	[tilespmem:s22+$0x5000] =	vst v2;
	v2 =	vmul.f32 v4, v5  }
0x221: {  	[tilespmem:s22+$0x5010] =	vst v3  }
0x222: {  	s28 =	sadd.s32 s2, s20;
	s4 =	simm.s32 $0x0;
	[tilespmem:s22+$0x5020] =	vst v2  }
0x223: {  	[hbm4b:s28+s4] =	stream.linear.scatter [tilespmem:s13], [sflag:$0x1], $0x1800, $0x38;
	[tilespmem:$0x6000] =	vst v63  }
0x224: {  	_ =	swait.ge [sflag:s10], $0x1800  }
0x225: {  	s20 =	sadd.s32 $0x3C00, s20;
	[sflag:s10] =	ssyncset.done $0x0  }
0x226: {  	s30 =	simm.s32 $0x0;
	s29 =	sadd.s32 s1, s20;
	[sflag:s10] =	ssyncadd.s32 $0xFFFFE800  }
0x227: {  	[tilespmem:s12], [sflag:$0x1] =	stream.linear.gather [hbm4b:s29+s4], $0x1800, $0x38;
	[tilespmem:$0x6000] =	vst v63  }
0x228: {  	s0 =	smul.u32 $0xC00, s30;
	_ =	swait.ge [sflag:s10], $0x1800  }
0x229: {  	s4 =	sand.u32 $0x380, s4;
	[sflag:s10] =	ssyncset.done $0x0  }
0x22a: {  	s21 =	sor.u32 s4, s0;
	[sflag:s10] =	ssyncadd.s32 $0xFFFFE800  }
0x22b: {  	v2 =	vld [tilespmem:s21+$0x3830]  }
0x22c: {  	v3 =	vld [tilespmem:s21+$0x2030]  }
0x22d: {  	v4 =	vld [tilespmem:s21+$0x3000]  }
0x22e: {  	v5 =	vld [tilespmem:s21+$0x1800]  }
0x22f: {  	v6 =	vld [tilespmem:s21+$0x3010]  }
0x230: {  	v7 =	vld [tilespmem:s21+$0x1810]  }
0x231: {  	v8 =	vld [tilespmem:s21+$0x3020]  }
0x232: {  	v9 =	vld [tilespmem:s21+$0x3030]  }
0x233: {  	v2 =	vmul.f32 v3, v2;
	v3 =	vld [tilespmem:s21+$0x1820]  }
0x234: {  	v4 =	vmul.f32 v5, v4;
	v5 =	vld [tilespmem:s21+$0x3040]  }
0x235: {  	[tilespmem:s21+$0x5030] =	vst v2;
	v2 =	vld [tilespmem:s21+$0x1830]  }
0x236: {  	[tilespmem:s21+$0x4800] =	vst v4;
	v4 =	vmul.f32 v7, v6;
	v6 =	vld [tilespmem:s21+$0x1840]  }
0x237: {  	v7 =	vld [tilespmem:s21+$0x1850]  }
0x238: {  	[tilespmem:s21+$0x4810] =	vst v4;
	v4 =	vld [tilespmem:s21+$0x3050];
	v3 =	vmul.f32 v3, v8  }
0x239: {  	v8 =	vld [tilespmem:s21+$0x1860]  }
0x23a: {  	[tilespmem:s21+$0x4820] =	vst v3;
	v2 =	vmul.f32 v2, v9;
	v3 =	vld [tilespmem:s21+$0x3060]  }
0x23b: {  	v9 =	vld [tilespmem:s21+$0x1C50]  }
0x23c: {  	[tilespmem:s21+$0x4830] =	vst v2;
	v2 =	vmul.f32 v6, v5;
	v5 =	vld [tilespmem:s21+$0x3070]  }
0x23d: {  	v6 =	vld [tilespmem:s21+$0x1870]  }
0x23e: {  	[tilespmem:s21+$0x4840] =	vst v2;
	v2 =	vmul.f32 v7, v4;
	v4 =	vld [tilespmem:s21+$0x3400]  }
0x23f: {  	v7 =	vld [tilespmem:s21+$0x1C00]  }
0x240: {  	[tilespmem:s21+$0x4850] =	vst v2;
	v2 =	vmul.f32 v8, v3;
	v3 =	vld [tilespmem:s21+$0x3410]  }
0x241: {  	v8 =	vld [tilespmem:s21+$0x1C10]  }
0x242: {  	[tilespmem:s21+$0x4860] =	vst v2;
	v2 =	vmul.f32 v6, v5;
	v5 =	vld [tilespmem:s21+$0x3420]  }
0x243: {  	v6 =	vld [tilespmem:s21+$0x1C20]  }
0x244: {  	[tilespmem:s21+$0x4870] =	vst v2;
	v2 =	vmul.f32 v7, v4;
	v4 =	vld [tilespmem:s21+$0x3430]  }
0x245: {  	v7 =	vld [tilespmem:s21+$0x1C30]  }
0x246: {  	[tilespmem:s21+$0x4C00] =	vst v2;
	v2 =	vmul.f32 v8, v3;
	v3 =	vld [tilespmem:s21+$0x3440]  }
0x247: {  	v8 =	vld [tilespmem:s21+$0x1C40]  }
0x248: {  	[tilespmem:s21+$0x4C10] =	vst v2;
	v2 =	vmul.f32 v6, v5;
	v5 =	vld [tilespmem:s21+$0x3450]  }
0x249: {  	v10 =	vld [tilespmem:s21+$0x1C60]  }
0x24a: {  	[tilespmem:s21+$0x4C20] =	vst v2;
	v2 =	vmul.f32 v7, v4;
	v7 =	vld [tilespmem:s21+$0x3460]  }
0x24b: {  	v6 =	vld [tilespmem:s21+$0x1C70]  }
0x24c: {  	v4 =	vld [tilespmem:s21+$0x3470];
	[tilespmem:s21+$0x4C30] =	vst v2;
	v2 =	vmul.f32 v8, v3  }
0x24d: {  	v3 =	vmul.f32 v9, v5;
	v5 =	vld [tilespmem:s21+$0x2000]  }
0x24e: {  	[tilespmem:s21+$0x4C40] =	vst v2;
	v2 =	vld [tilespmem:s21+$0x3800]  }
0x24f: {  	s31 =	simm.s32 $0x0;
	[tilespmem:s21+$0x4C50] =	vst v3;
	v3 =	vld [tilespmem:s21+$0x3810];
	v8 =	vmul.f32 v10, v7  }
0x250: {  	s23 =	simm.s32 $0x2;
	s24 =	smul.u32 $0xC00, s31;
	s22 =	simm.s32 $0x80;
	v7 =	vld [tilespmem:s21+$0x2010]  }
.LBB2_10:
0x251: {  	p1 =	sne.s32 s23, $0xF;
	s0 =	sand.u32 $0x380, s22;
	[tilespmem:s21+$0x4C60] =	vst v8;
	v4 =	vmul.f32 v6, v4;
	v6 =	vld [tilespmem:s21+$0x3820]  }
0x252: {  	s0 =	sor.u32 s0, s24;
	v8 =	vld [tilespmem:s21+$0x2020]  }
0x253: {  	v9 =	vld [tilespmem:s0+$0x3830];
	[tilespmem:s21+$0x4C70] =	vst v4;
	v2 =	vmul.f32 v5, v2  }
0x254: {  	v4 =	vld [tilespmem:s0+$0x2030]  }
0x255: {  	v5 =	vld [tilespmem:s0+$0x3000];
	[tilespmem:s21+$0x5000] =	vst v2;
	v2 =	vmul.f32 v7, v3  }
0x256: {  	v3 =	vld [tilespmem:s0+$0x1800]  }
0x257: {  	v7 =	vld [tilespmem:s0+$0x3010];
	[tilespmem:s21+$0x5010] =	vst v2;
	v2 =	vmul.f32 v8, v6  }
0x258: {  	v6 =	vld [tilespmem:s0+$0x1810]  }
0x259: {  	v8 =	vld [tilespmem:s0+$0x3020];
	v4 =	vmul.f32 v4, v9;
	[tilespmem:s21+$0x5020] =	vst v2;
	s21 =	smov.u32 s0  }
0x25a: {  	v2 =	vld [tilespmem:s21+$0x1820]  }
0x25b: {  	v3 =	vmul.f32 v3, v5;
	v5 =	vld [tilespmem:s21+$0x3030];
	[tilespmem:s21+$0x5030] =	vst v4  }
0x25c: {  	v4 =	vld [tilespmem:s21+$0x1830]  }
0x25d: {  	[tilespmem:s21+$0x4800] =	vst v3;
	v3 =	vmul.f32 v6, v7;
	v6 =	vld [tilespmem:s21+$0x3040]  }
0x25e: {  	v7 =	vld [tilespmem:s21+$0x1840]  }
0x25f: {  	[tilespmem:s21+$0x4810] =	vst v3;
	v2 =	vmul.f32 v2, v8;
	v3 =	vld [tilespmem:s21+$0x3050]  }
0x260: {  	v8 =	vld [tilespmem:s21+$0x1850]  }
0x261: {  	[tilespmem:s21+$0x4820] =	vst v2;
	v2 =	vmul.f32 v4, v5;
	v4 =	vld [tilespmem:s21+$0x3060]  }
0x262: {  	v5 =	vld [tilespmem:s21+$0x1860]  }
0x263: {  	[tilespmem:s21+$0x4830] =	vst v2;
	v2 =	vmul.f32 v7, v6;
	v6 =	vld [tilespmem:s21+$0x3070]  }
0x264: {  	v7 =	vld [tilespmem:s21+$0x1870]  }
0x265: {  	[tilespmem:s21+$0x4840] =	vst v2;
	v2 =	vmul.f32 v8, v3;
	v3 =	vld [tilespmem:s21+$0x3400]  }
0x266: {  	v8 =	vld [tilespmem:s21+$0x1C00]  }
0x267: {  	[tilespmem:s21+$0x4850] =	vst v2;
	v2 =	vmul.f32 v5, v4;
	v4 =	vld [tilespmem:s21+$0x3410]  }
0x268: {  	v5 =	vld [tilespmem:s21+$0x1C10]  }
0x269: {  	[tilespmem:s21+$0x4860] =	vst v2;
	v2 =	vmul.f32 v7, v6;
	v6 =	vld [tilespmem:s21+$0x3420]  }
0x26a: {  	v7 =	vld [tilespmem:s21+$0x1C20]  }
0x26b: {  	[tilespmem:s21+$0x4870] =	vst v2;
	v2 =	vmul.f32 v8, v3;
	v3 =	vld [tilespmem:s21+$0x3430]  }
0x26c: {  	v8 =	vld [tilespmem:s21+$0x1C30]  }
0x26d: {  	[tilespmem:s21+$0x4C00] =	vst v2;
	v2 =	vmul.f32 v5, v4;
	v4 =	vld [tilespmem:s21+$0x3440]  }
0x26e: {  	v5 =	vld [tilespmem:s21+$0x1C40]  }
0x26f: {  	[tilespmem:s21+$0x4C10] =	vst v2;
	v2 =	vmul.f32 v7, v6;
	v7 =	vld [tilespmem:s21+$0x3450]  }
0x270: {  	v9 =	vld [tilespmem:s21+$0x1C50]  }
0x271: {  	[tilespmem:s21+$0x4C20] =	vst v2;
	v2 =	vmul.f32 v8, v3;
	v3 =	vld [tilespmem:s21+$0x3460]  }
0x272: {  	v8 =	vld [tilespmem:s21+$0x1C60]  }
0x273: {  	[tilespmem:s21+$0x4C30] =	vst v2;
	v2 =	vmul.f32 v5, v4;
	v4 =	vld [tilespmem:s21+$0x3470]  }
.Ltmp3:
0x274: {  	v6 =	vld [tilespmem:s21+$0x1C70];
	(pc) =	sbr.rel @p1 .LBB2_10-.Ltmp3, $4  }
0x275: {  	[tilespmem:s21+$0x4C40] =	vst v2;
	v7 =	vmul.f32 v9, v7;
	v2 =	vld [tilespmem:s21+$0x3800]  }
0x276: {  	v5 =	vld [tilespmem:s21+$0x2000]  }
0x277: {  	s0 =	sshrl.u32 s23, $0x3;
	[tilespmem:s21+$0x4C50] =	vst v7;
	v8 =	vmul.f32 v8, v3;
	v3 =	vld [tilespmem:s21+$0x3810]  }
0x278: {  	s22 =	sadd.s32 $0x80, s22;
	s23 =	sadd.s32 $0x1, s23;
	s24 =	smul.u32 $0xC00, s0;
	v7 =	vld [tilespmem:s21+$0x2010]  }
0x279: {  	s0 =	sand.u32 $0x380, s22;
	v38 =	vld [tilespmem:s21+$0x3820];
	v4 =	vmul.f32 v6, v4  }
0x27a: {  	[tilespmem:s21+$0x4C60] =	vst v8;
	v39 =	vld [tilespmem:s21+$0x2020];
	s22 =	sor.u32 s0, s24  }
0x27b: {  	v9 =	vld [tilespmem:s22+$0x3830];
	[tilespmem:s21+$0x4C70] =	vst v4;
	v2 =	vmul.f32 v5, v2  }
0x27c: {  	v4 =	vld [tilespmem:s22+$0x2030]  }
0x27d: {  	v40 =	vld [tilespmem:s22+$0x3000];
	[tilespmem:s21+$0x5000] =	vst v2;
	v2 =	vmul.f32 v7, v3  }
0x27e: {  	v3 =	vld [tilespmem:s22+$0x1800]  }
0x27f: {  	v41 =	vld [tilespmem:s22+$0x3010];
	[tilespmem:s21+$0x5010] =	vst v2;
	v2 =	vmul.f32 v39, v38  }
0x280: {  	v42 =	vld [tilespmem:s22+$0x1810]  }
0x281: {  	v43 =	vld [tilespmem:s22+$0x3020];
	[tilespmem:s21+$0x5020] =	vst v2  }
0x282: {  	v2 =	vld [tilespmem:s22+$0x1820]  }
0x283: {  	v10 =	vld [tilespmem:s22+$0x3030]  }
0x284: {  	v11 =	vld [tilespmem:s22+$0x1830]  }
0x285: {  	v12 =	vld [tilespmem:s22+$0x3040]  }
0x286: {  	v13 =	vld [tilespmem:s22+$0x1840]  }
0x287: {  	v14 =	vld [tilespmem:s22+$0x3050]  }
0x288: {  	v15 =	vld [tilespmem:s22+$0x1850]  }
0x289: {  	v16 =	vld [tilespmem:s22+$0x3060]  }
0x28a: {  	v17 =	vld [tilespmem:s22+$0x1860]  }
0x28b: {  	v18 =	vld [tilespmem:s22+$0x3070]  }
0x28c: {  	v19 =	vld [tilespmem:s22+$0x1870]  }
0x28d: {  	v20 =	vld [tilespmem:s22+$0x3400]  }
0x28e: {  	v21 =	vld [tilespmem:s22+$0x1C00]  }
0x28f: {  	v22 =	vld [tilespmem:s22+$0x3410]  }
0x290: {  	v23 =	vld [tilespmem:s22+$0x1C10]  }
0x291: {  	v24 =	vld [tilespmem:s22+$0x3420]  }
0x292: {  	v25 =	vld [tilespmem:s22+$0x1C20]  }
0x293: {  	v26 =	vld [tilespmem:s22+$0x3430]  }
0x294: {  	v4 =	vmul.f32 v4, v9;
	v44 =	vld [tilespmem:s22+$0x1C30]  }
0x295: {  	v45 =	vld [tilespmem:s22+$0x3440];
	v3 =	vmul.f32 v3, v40  }
0x296: {  	v47 =	vld [tilespmem:s22+$0x1C40];
	[tilespmem:s22+$0x5030] =	vst v4;
	v46 =	vmul.f32 v42, v41  }
0x297: {  	v49 =	vld [tilespmem:s22+$0x1C50];
	[tilespmem:s22+$0x4800] =	vst v3;
	v2 =	vmul.f32 v2, v43  }
0x298: {  	v50 =	vld [tilespmem:s22+$0x3460];
	[tilespmem:s22+$0x4810] =	vst v46;
	v48 =	vmul.f32 v11, v10  }
0x299: {  	v52 =	vld [tilespmem:s22+$0x1C60];
	[tilespmem:s22+$0x4820] =	vst v2;
	v2 =	vmul.f32 v13, v12  }
0x29a: {  	v53 =	vld [tilespmem:s22+$0x3470];
	v51 =	vmul.f32 v15, v14;
	[tilespmem:s22+$0x4830] =	vst v48  }
0x29b: {  	v55 =	vld [tilespmem:s22+$0x1C70];
	[tilespmem:s22+$0x4840] =	vst v2;
	v2 =	vmul.f32 v17, v16  }
0x29c: {  	v56 =	vld [tilespmem:s22+$0x3800];
	v54 =	vmul.f32 v19, v18;
	[tilespmem:s22+$0x4850] =	vst v51  }
0x29d: {  	v3 =	vld [tilespmem:s22+$0x3450];
	[tilespmem:s22+$0x4860] =	vst v2;
	v2 =	vmul.f32 v21, v20  }
0x29e: {  	v58 =	vld [tilespmem:s22+$0x2000];
	v57 =	vmul.f32 v23, v22;
	[tilespmem:s22+$0x4870] =	vst v54  }
0x29f: {  	v59 =	vld [tilespmem:s22+$0x3810];
	[tilespmem:s22+$0x4C00] =	vst v2;
	v2 =	vmul.f32 v25, v24  }
0x2a0: {  	v61 =	vld [tilespmem:s22+$0x2010];
	v60 =	vmul.f32 v44, v26;
	[tilespmem:s22+$0x4C10] =	vst v57  }
0x2a1: {  	v62 =	vld [tilespmem:s22+$0x3820];
	[tilespmem:s22+$0x4C20] =	vst v2;
	v2 =	vmul.f32 v47, v45  }
0x2a2: {  	v63 =	vld [tilespmem:s22+$0x2020];
	[tilespmem:s22+$0x4C30] =	vst v60;
	v3 =	vmul.f32 v49, v3  }
0x2a3: {  	[tilespmem:s22+$0x4C40] =	vst v2;
	v2 =	vmul.f32 v52, v50  }
0x2a4: {  	[tilespmem:s22+$0x4C50] =	vst v3;
	v3 =	vmul.f32 v55, v53  }
0x2a5: {  	[tilespmem:s22+$0x4C60] =	vst v2;
	v2 =	vmul.f32 v58, v56  }
0x2a6: {  	[tilespmem:s22+$0x4C70] =	vst v3;
	v3 =	vmul.f32 v61, v59  }
0x2a7: {  	s19 =	sadd.s32 $0x1, s19;
	[tilespmem:s22+$0x5000] =	vst v2;
	v2 =	vmul.f32 v63, v62  }
0x2a8: {  	p1 =	sne.s32 s19, $0x14;
	[tilespmem:s22+$0x5010] =	vst v3  }
.Ltmp4:
0x2a9: {  	s31 =	sadd.s32 s2, s20;
	[tilespmem:s22+$0x5020] =	vst v2;
	(pc) =	sbr.rel @p1 .LBB2_3-.Ltmp4, $4  }
0x2aa: {  	[hbm4b:s31+s5] =	stream.linear.scatter [tilespmem:s13], [sflag:$0x1], $0x1800, $0x38;
	[tilespmem:$0x6000] =	vst v63  }
0x2ab: {  	_ =	swait.ge [sflag:s10], $0x1800  }
0x2ac: {  	[sflag:s10] =	ssyncset.done $0x0  }
0x2ad: {  	s17 =	sadd.s32 $0x1400, s17;
	[sflag:s10] =	ssyncadd.s32 $0xFFFFE800  }
.Ltmp5:
0x2ae: {  	(pc) =	sbr.rel @p0 .LBB2_2-.Ltmp5, $2  }
0x2af: {  	_ =	sdelay $0x2  }
0x2b0: {  	s16 =	simm.s32 $0x1;
	p1 =	por $0x0, $0x0  }
0x2b1: {  	s14 =	sadd.s32 $0x1, s14  }
0x2b2: {  	p0 =	sne.s32 s14, s8  }
.Ltmp6:
0x2b3: {  	_ = 	snop;
	(pc) =	sbr.rel @p0 .LBB2_1-.Ltmp6, $1  }
0x2b4: {  	_ =	sdelay $0x3  }
0x2b5: {  	_ =	sfence.sel $0x180000  }
0x2b6: {  	[bflag:$0x0] =	sbarrier.arrive $0xFFFF  }
0x2b7: {  	_ =	strace $0x90000047  }
0x2b8: {  	s0 =	stileid.u32;
	[bflag:$0x2] =	sbarrier.arrive $0xFFFF  }
0x2b9: {  	p0 =	sne.s32 s0, $0x0;
	s0 =	rddreg [dreg:$0x4]  }
0x2ba: {  	s0 =	sadd.s32 @!p0 $0x100000, s0  }
0x2bb: {  	[sflag:s0] =	ssyncadd.tile.s32 @!p0 $0x1;
	_ =	shalt  }
.Lfunc_end2:
_tile_overlayer_lowered:
.L_overlay_start_2:
0x2bc: {  	(tag) =	ssettag $0x2  }
0x2bd: {  	s0 =	rddreg [dreg:$0x0];
	s2 =	stileid.u32  }
0x2be: {  	s1 =	rddreg [dreg:$0x1];
	p0 =	sne.s32 s2, $0x0  }
0x2bf: {  	s3 =	rddreg [dreg:$0x2];
	[bflag:$0x3] =	sbarrier.arrive $0xFFFF;
	s2 =	simm.s32 @!p0 $0x1C01  }
0x2c0: {  	[timem:s3], [sflag:s2] =	dma.local @!p0 [hbm:s0], s1  }
0x2c1: {  	s0 =	simm.s32 @!p0 $0x1  }
0x2c2: {  	_ =	swait.ge @!p0 [sflag:s0], s1  }
0x2c3: {  	s1 =	ssub.s32 @!p0 $0x0, s1;
	[sflag:s0] =	ssyncset.done @!p0 $0x0  }
0x2c4: {  	[sflag:s0] =	ssyncadd.s32 @!p0 s1  }
0x2c5: {  	[bflag:$0x3] =	sbarrier.arrive $0xFFFF  }
0x2c6: {  	_ =	shalt  }

</sc_bundles>
